<compile_context>
chip_gen: v7x
topology: tpu7x:2x2x1
jax: 0.10.2.dev20260603
libtpu: 0.0.44.dev20260713+nightly
codegen_flags: <defaults>
</compile_context>

<pallas_src>
import jax
import jax.numpy as jnp
from jax import lax
from jax.experimental import pallas as pl
from jax.experimental.pallas import tpu as pltpu
from jax.experimental.pallas import tpu_sc as plsc

NUM_BUCKETS = 1000000
DIM = 64
B_ROWS = 4
SEQ = 8192
TOTAL = B_ROWS * SEQ

_info = plsc.get_sparse_core_info()
NC, NS, L = _info.num_cores, _info.num_subcores, _info.num_lanes
NW = NC * NS
B_PER_W = TOTAL // NW
N_VEC = B_PER_W // 16

def _lane(v, j):
    return v[j]


NSEM = 4
HALF = B_PER_W // 2


def _sc_kernel(ids_hbm, table_hbm, out_hbm, ext_v, rows_v, sems):
    wid = lax.axis_index("s") * NC + lax.axis_index("c")
    base = wid * B_PER_W

    pltpu.sync_copy(ids_hbm.at[pl.ds(base, B_PER_W + 8)], ext_v)

    lane = lax.iota(jnp.int32, 16)

    def make_group(p):
        def group(g, _):
            i0 = g * 16
            cur = ext_v[pl.ds(i0 + 8, 16)]
            prev = ext_v[pl.ds(i0 + 7, 16)]
            prev = prev * jnp.minimum((base + i0 + lane) & (SEQ - 1), 1)
            h = (prev * 31 + cur) % NUM_BUCKETS
            for j in range(16):
                r = _lane(h, j)
                pltpu.async_copy(
                    table_hbm.at[pl.ds(r, 1)],
                    rows_v.at[pl.ds(i0 - p * HALF + j, 1)],
                    sems.at[j % NSEM],
                )
            return 0

        return group

    for p in range(2):
        lax.fori_loop(
            p * (HALF // 16), (p + 1) * (HALF // 16), make_group(p), 0, unroll=2
        )
        for q in range(NSEM):
            pltpu.make_async_copy(
                table_hbm.at[pl.ds(0, HALF // NSEM)],
                rows_v.at[pl.ds(q * (HALF // NSEM), HALF // NSEM)],
                sems.at[q],
            ).wait()
        pltpu.sync_copy(rows_v, out_hbm.at[pl.ds(base + p * HALF, HALF)])


@jax.jit
def kernel(input_ids, emb_weight):
    ids_flat = input_ids.reshape(-1).astype(jnp.int32)
    ids_pad = jnp.concatenate([jnp.zeros((8,), jnp.int32), ids_flat])

    mesh = plsc.VectorSubcoreMesh(core_axis_name="c", subcore_axis_name="s")
    out = pl.kernel(
        _sc_kernel,
        mesh=mesh,
        out_type=jax.ShapeDtypeStruct((TOTAL, DIM), jnp.float32),
        scratch_types=[
            pltpu.VMEM((B_PER_W + 8,), jnp.int32),
            pltpu.VMEM((HALF, DIM), jnp.float32),
            pltpu.SemaphoreType.DMA((NSEM,)),
        ],
        compiler_params=pltpu.CompilerParams(
            use_tc_tiling_on_sc=True, needs_layout_passes=False
        ),
    )(ids_pad, emb_weight)
    return out.reshape(B_ROWS, SEQ, DIM)

# --- scband reference (transcript-rebuilt; emitter-appended) ---
"""Pipeline reference for scband-bigram-hash-3848290697272 (READ-ONLY COPY).

The authoritative reference and input builder live on the scoring server;
editing this copy changes nothing except your own understanding.
"""

import jax, jax.numpy as jnp
import numpy as np

NUM_BUCKETS = 1000000
DIM = 64

def setup_inputs(seed: int = 0) -> dict:
    key = jax.random.key(seed)
    k1, k2 = jax.random.split(key)
    input_ids = jax.random.randint(k1, (4, 8192), 0, 50000, dtype=jnp.int32)
    # Embedding table. The original module initializes to zeros, but we use
    # a small random table so the output is non-trivial; it is a learned
    # parameter materialized here per init_kwargs (num_buckets x dim).
    emb_weight = jax.random.normal(k2, (NUM_BUCKETS, DIM), dtype=jnp.float32) * 0.02
    return {"input_ids": input_ids, "emb_weight": emb_weight}

def reference(input_ids, emb_weight):
    # prev = F.pad(input_ids[:, :-1], (1, 0), value=0)
    prev = jnp.pad(input_ids[:, :-1], ((0, 0), (1, 0)), constant_values=0)
    bigram_hash = (prev * 31 + input_ids) % NUM_BUCKETS
    # embedding lookup -> gather rows
    return jnp.take(emb_weight, bigram_hash, axis=0)

if __name__ == "__main__":
    import jax
    _d = setup_inputs()
    print(jax.jit(kernel)(*tuple(_d.values())))

</pallas_src>

<mosaic_0001>
#map = affine_map<(d0, d1) -> (0)>
#map1 = affine_map<(d0, d1) -> (0, 0)>
module attributes {stable_mosaic.version = 14 : i64} {
  func.func @_sc_kernel(%arg0: i32, %arg1: i32, %arg2: memref<32776xi32, #tpu.memory_space<hbm>>, %arg3: memref<1000000x64xf32, #tpu.memory_space<hbm>>, %arg4: memref<32768x64xf32, #tpu.memory_space<hbm>>, %arg5: memref<1032xi32, #tpu.memory_space<vmem>>, %arg6: memref<512x64xf32, #tpu.memory_space<vmem>>, %arg7: memref<4x!tpu.dma_semaphore, #tpu.memory_space<semaphore_mem>>) attributes {dimension_semantics = [#tpu.dimension_semantics<core_parallel>, #tpu.dimension_semantics<subcore_parallel>], iteration_bounds = array<i64: 2, 16>, scalar_prefetch = 0 : i64, scratch_operands = 3 : i64, tpu.core_type = #tpu.core_type<sc_vector_subcore>, window_params = [{transform_indices = #map}, {transform_indices = #map1}, {transform_indices = #map1}]} {
    %mul3A = arith.constant 2 : i32
    %mul3A_0 = arith.muli %arg1, %mul3A : i32
    %add3A = arith.addi %mul3A_0, %arg0 : i32
    %mul3A_1 = arith.constant 1024 : i32
    %mul3A_2 = arith.muli %add3A, %mul3A_1 : i32
    "tpu.region"() ({
      %run_scoped3A = tpu.sem_alloc : memref<!tpu.dma_semaphore, #tpu.memory_space<semaphore_mem>>
      %dma_start3A = tpu.memref_slice %arg2[%mul3A_2] : memref<32776xi32, #tpu.memory_space<hbm>> -> memref<1032xi32, #tpu.memory_space<hbm>>
      %dma_start3A_139 = tpu.memref_slice %arg2[%mul3A_2] : memref<32776xi32, #tpu.memory_space<hbm>> -> memref<1032xi32, #tpu.memory_space<hbm>>
      tpu.enqueue_dma source(%dma_start3A_139 : memref<1032xi32, #tpu.memory_space<hbm>>) target(%arg5 : memref<1032xi32, #tpu.memory_space<vmem>>) target_semaphore(%run_scoped3A : memref<!tpu.dma_semaphore, #tpu.memory_space<semaphore_mem>>)
      %dma_wait3A_140 = tpu.memref_slice %arg2[%mul3A_2] : memref<32776xi32, #tpu.memory_space<hbm>> -> memref<1032xi32, #tpu.memory_space<hbm>>
      %dma_wait3A_141 = tpu.memref_slice %arg2[%mul3A_2] : memref<32776xi32, #tpu.memory_space<hbm>> -> memref<1032xi32, #tpu.memory_space<hbm>>
      tpu.wait_dma2 semaphore(%run_scoped3A : memref<!tpu.dma_semaphore, #tpu.memory_space<semaphore_mem>>) src(%dma_wait3A_141 : memref<1032xi32, #tpu.memory_space<hbm>>) dst(%arg5 : memref<1032xi32, #tpu.memory_space<vmem>>)
      tpu.yield
    }) : () -> ()
    %iota3A = tpu.iota {dimensions = array<i32: 0>} : vector<16xi32>
    %scan3A = arith.constant 0 : i32
    %scan3A_3 = arith.constant 0 : i32
    %scan3A_4 = arith.constant 32 : i32
    %scan3A_5 = arith.addi %scan3A_3, %scan3A_4 : i32
    %scan3A_6 = arith.constant 2 : i32
    %scan3A_7 = scf.for %scan3A_139 = %scan3A_3 to %scan3A_5 step %scan3A_6 iter_args(%scan3A_140 = %scan3A) -> (i32)  : i32 {
      %mul3A_141 = arith.constant 16 : i32
      %mul3A_142 = arith.muli %scan3A_139, %mul3A_141 : i32
      %add3A_143 = arith.constant 8 : i32
      %add3A_144 = arith.addi %mul3A_142, %add3A_143 : i32
      %get3A = arith.index_cast %add3A_144 : i32 to index
      %get3A_145 = tpu.vector_load %arg5[%get3A] {strides = array<i32>} : memref<1032xi32, #tpu.memory_space<vmem>>, vector<16xi32>,
      %add3A_146 = arith.constant 7 : i32
      %add3A_147 = arith.addi %mul3A_142, %add3A_146 : i32
      %get3A_148 = arith.index_cast %add3A_147 : i32 to index
      %get3A_149 = tpu.vector_load %arg5[%get3A_148] {strides = array<i32>} : memref<1032xi32, #tpu.memory_space<vmem>>, vector<16xi32>,
      %add3A_150 = arith.addi %mul3A_2, %mul3A_142 : i32
      %add3A_151 = vector.broadcast %add3A_150 : i32 to vector<16xi32>
      %add3A_152 = arith.addi %add3A_151, %iota3A : vector<16xi32>
      %and3A = arith.constant 8191 : i32
      %and3A_153 = vector.broadcast %and3A : i32 to vector<16xi32>
      %and3A_154 = arith.andi %add3A_152, %and3A_153 : vector<16xi32>
      %min3A = arith.constant 1 : i32
      %min3A_155 = vector.broadcast %min3A : i32 to vector<16xi32>
      %min3A_156 = arith.minsi %and3A_154, %min3A_155 : vector<16xi32>
      %mul3A_157 = arith.muli %get3A_149, %min3A_156 : vector<16xi32>
      %mul3A_158 = arith.constant 31 : i32
      %mul3A_159 = vector.broadcast %mul3A_158 : i32 to vector<16xi32>
      %mul3A_160 = arith.muli %mul3A_157, %mul3A_159 : vector<16xi32>
      %add3A_161 = arith.addi %mul3A_160, %get3A_145 : vector<16xi32>
      %jit3A = arith.constant 1000000 : i32
      %eq3A = arith.constant 0 : i32
      %eq3A_162 = arith.cmpi eq, %jit3A, %eq3A : i32
      %jit3A_163 = arith.constant 1 : i32
      %select_n3A = arith.select %eq3A_162, %jit3A_163, %jit3A : i32
      %rem3A = vector.broadcast %select_n3A : i32 to vector<16xi32>
      %rem3A_164 = arith.remsi %add3A_161, %rem3A : vector<16xi32>
      %ne3A = arith.constant 0 : i32
      %ne3A_165 = vector.broadcast %ne3A : i32 to vector<16xi32>
      %ne3A_166 = arith.cmpi ne, %rem3A_164, %ne3A_165 : vector<16xi32>
      %lt3A = arith.constant 0 : i32
      %lt3A_167 = vector.broadcast %lt3A : i32 to vector<16xi32>
      %lt3A_168 = arith.cmpi slt, %rem3A_164, %lt3A_167 : vector<16xi32>
      %lt3A_169 = arith.constant 0 : i32
      %lt3A_170 = arith.cmpi slt, %select_n3A, %lt3A_169 : i32
      %ne3A_171 = vector.broadcast %lt3A_170 : i1 to vector<16xi1>
      %ne3A_172 = vector.broadcast %ne3A_171 : vector<16xi1> to vector<16xi1>
      %ne3A_173 = arith.xori %lt3A_168, %ne3A_172 : vector<16xi1>
      %and3A_174 = arith.andi %ne3A_173, %ne3A_166 : vector<16xi1>
      %add3A_175 = vector.broadcast %select_n3A : i32 to vector<16xi32>
      %add3A_176 = arith.addi %rem3A_164, %add3A_175 : vector<16xi32>
      %select_n3A_177 = arith.select %and3A_174, %add3A_176, %rem3A_164 : vector<16xi1>, vector<16xi32>
      %slice3A = vector.extract_strided_slice %select_n3A_177 {offsets = [0], sizes = [1], strides = [1]} : vector<16xi32> to vector<1xi32>
      %squeeze3A = vector.extract %slice3A[0] : i32 from vector<1xi32>
      %sub3A = arith.constant 0 : i32
      %sub3A_178 = arith.subi %mul3A_142, %sub3A : i32
      %add3A_179 = arith.constant 0 : i32
      %add3A_180 = arith.addi %sub3A_178, %add3A_179 : i32
      %dma_start3A = arith.constant 0 : i32
      %dma_start3A_181 = arith.constant 0 : i32
      %dma_start3A_182 = tpu.memref_slice %arg6[%add3A_180, %dma_start3A_181] : memref<512x64xf32, #tpu.memory_space<vmem>> -> memref<1x64xf32, #tpu.memory_space<vmem>>
      %dma_start3A_183 = arith.constant 0 : i32
      %dma_start3A_184 = tpu.memref_slice %arg3[%squeeze3A, %dma_start3A_183] : memref<1000000x64xf32, #tpu.memory_space<hbm>> -> memref<1x64xf32, #tpu.memory_space<hbm>>
      %dma_start3A_185 = tpu.memref_slice %arg7[%dma_start3A] : memref<4x!tpu.dma_semaphore, #tpu.memory_space<semaphore_mem>> -> memref<1x!tpu.dma_semaphore, #tpu.memory_space<semaphore_mem>>
      %dma_start3A_186 = tpu.memref_squeeze %dma_start3A_185 : memref<1x!tpu.dma_semaphore, #tpu.memory_space<semaphore_mem>> -> memref<!tpu.dma_semaphore, #tpu.memory_space<semaphore_mem>>
      %dma_start3A_187 = arith.constant 0 : i32
      %dma_start3A_188 = tpu.memref_slice %arg6[%add3A_180, %dma_start3A_187] : memref<512x64xf32, #tpu.memory_space<vmem>> -> memref<1x64xf32, #tpu.memory_space<vmem>>
      %dma_start3A_189 = arith.constant 0 : i32
      %dma_start3A_190 = tpu.memref_slice %arg3[%squeeze3A, %dma_start3A_189] : memref<1000000x64xf32, #tpu.memory_space<hbm>> -> memref<1x64xf32, #tpu.memory_space<hbm>>
      tpu.enqueue_dma source(%dma_start3A_190 : memref<1x64xf32, #tpu.memory_space<hbm>>) target(%dma_start3A_188 : memref<1x64xf32, #tpu.memory_space<vmem>>) target_semaphore(%dma_start3A_186 : memref<!tpu.dma_semaphore, #tpu.memory_space<semaphore_mem>>)
      %slice3A_191 = vector.extract_strided_slice %select_n3A_177 {offsets = [1], sizes = [1], strides = [1]} : vector<16xi32> to vector<1xi32>
      %squeeze3A_192 = vector.extract %slice3A_191[0] : i32 from vector<1xi32>
      %sub3A_193 = arith.constant 0 : i32
      %sub3A_194 = arith.subi %mul3A_142, %sub3A_193 : i32
      %add3A_195 = arith.constant 1 : i32
      %add3A_196 = arith.addi %sub3A_194, %add3A_195 : i32
      %dma_start3A_197 = arith.constant 1 : i32
      %dma_start3A_198 = arith.constant 0 : i32
      %dma_start3A_199 = tpu.memref_slice %arg6[%add3A_196, %dma_start3A_198] : memref<512x64xf32, #tpu.memory_space<vmem>> -> memref<1x64xf32, #tpu.memory_space<vmem>>
      %dma_start3A_200 = arith.constant 0 : i32
      %dma_start3A_201 = tpu.memref_slice %arg3[%squeeze3A_192, %dma_start3A_200] : memref<1000000x64xf32, #tpu.memory_space<hbm>> -> memref<1x64xf32, #tpu.memory_space<hbm>>
      %dma_start3A_202 = tpu.memref_slice %arg7[%dma_start3A_197] : memref<4x!tpu.dma_semaphore, #tpu.memory_space<semaphore_mem>> -> memref<1x!tpu.dma_semaphore, #tpu.memory_space<semaphore_mem>>
      %dma_start3A_203 = tpu.memref_squeeze %dma_start3A_202 : memref<1x!tpu.dma_semaphore, #tpu.memory_space<semaphore_mem>> -> memref<!tpu.dma_semaphore, #tpu.memory_space<semaphore_mem>>
      %dma_start3A_204 = arith.constant 0 : i32
      %dma_start3A_205 = tpu.memref_slice %arg6[%add3A_196, %dma_start3A_204] : memref<512x64xf32, #tpu.memory_space<vmem>> -> memref<1x64xf32, #tpu.memory_space<vmem>>
      %dma_start3A_206 = arith.constant 0 : i32
      %dma_start3A_207 = tpu.memref_slice %arg3[%squeeze3A_192, %dma_start3A_206] : memref<1000000x64xf32, #tpu.memory_space<hbm>> -> memref<1x64xf32, #tpu.memory_space<hbm>>
      tpu.enqueue_dma source(%dma_start3A_207 : memref<1x64xf32, #tpu.memory_space<hbm>>) target(%dma_start3A_205 : memref<1x64xf32, #tpu.memory_space<vmem>>) target_semaphore(%dma_start3A_203 : memref<!tpu.dma_semaphore, #tpu.memory_space<semaphore_mem>>)
      %slice3A_208 = vector.extract_strided_slice %select_n3A_177 {offsets = [2], sizes = [1], strides = [1]} : vector<16xi32> to vector<1xi32>
      %squeeze3A_209 = vector.extract %slice3A_208[0] : i32 from vector<1xi32>
      %sub3A_210 = arith.constant 0 : i32
      %sub3A_211 = arith.subi %mul3A_142, %sub3A_210 : i32
      %add3A_212 = arith.constant 2 : i32
      %add3A_213 = arith.addi %sub3A_211, %add3A_212 : i32
      %dma_start3A_214 = arith.constant 2 : i32
      %dma_start3A_215 = arith.constant 0 : i32
      %dma_start3A_216 = tpu.memref_slice %arg6[%add3A_213, %dma_start3A_215] : memref<512x64xf32, #tpu.memory_space<vmem>> -> memref<1x64xf32, #tpu.memory_space<vmem>>
      %dma_start3A_217 = arith.constant 0 : i32
      %dma_start3A_218 = tpu.memref_slice %arg3[%squeeze3A_209, %dma_start3A_217] : memref<1000000x64xf32, #tpu.memory_space<hbm>> -> memref<1x64xf32, #tpu.memory_space<hbm>>
      %dma_start3A_219 = tpu.memref_slice %arg7[%dma_start3A_214] : memref<4x!tpu.dma_semaphore, #tpu.memory_space<semaphore_mem>> -> memref<1x!tpu.dma_semaphore, #tpu.memory_space<semaphore_mem>>
      %dma_start3A_220 = tpu.memref_squeeze %dma_start3A_219 : memref<1x!tpu.dma_semaphore, #tpu.memory_space<semaphore_mem>> -> memref<!tpu.dma_semaphore, #tpu.memory_space<semaphore_mem>>
      %dma_start3A_221 = arith.constant 0 : i32
      %dma_start3A_222 = tpu.memref_slice %arg6[%add3A_213, %dma_start3A_221] : memref<512x64xf32, #tpu.memory_space<vmem>> -> memref<1x64xf32, #tpu.memory_space<vmem>>
      %dma_start3A_223 = arith.constant 0 : i32
      %dma_start3A_224 = tpu.memref_slice %arg3[%squeeze3A_209, %dma_start3A_223] : memref<1000000x64xf32, #tpu.memory_space<hbm>> -> memref<1x64xf32, #tpu.memory_space<hbm>>
      tpu.enqueue_dma source(%dma_start3A_224 : memref<1x64xf32, #tpu.memory_space<hbm>>) target(%dma_start3A_222 : memref<1x64xf32, #tpu.memory_space<vmem>>) target_semaphore(%dma_start3A_220 : memref<!tpu.dma_semaphore, #tpu.memory_space<semaphore_mem>>)
      %slice3A_225 = vector.extract_strided_slice %select_n3A_177 {offsets = [3], sizes = [1], strides = [1]} : vector<16xi32> to vector<1xi32>
      %squeeze3A_226 = vector.extract %slice3A_225[0] : i32 from vector<1xi32>
      %sub3A_227 = arith.constant 0 : i32
      %sub3A_228 = arith.subi %mul3A_142, %sub3A_227 : i32
      %add3A_229 = arith.constant 3 : i32
      %add3A_230 = arith.addi %sub3A_228, %add3A_229 : i32
      %dma_start3A_231 = arith.constant 3 : i32
      %dma_start3A_232 = arith.constant 0 : i32
      %dma_start3A_233 = tpu.memref_slice %arg6[%add3A_230, %dma_start3A_232] : memref<512x64xf32, #tpu.memory_space<vmem>> -> memref<1x64xf32, #tpu.memory_space<vmem>>
      %dma_start3A_234 = arith.constant 0 : i32
      %dma_start3A_235 = tpu.memref_slice %arg3[%squeeze3A_226, %dma_start3A_234] : memref<1000000x64xf32, #tpu.memory_space<hbm>> -> memref<1x64xf32, #tpu.memory_space<hbm>>
      %dma_start3A_236 = tpu.memref_slice %arg7[%dma_start3A_231] : memref<4x!tpu.dma_semaphore, #tpu.memory_space<semaphore_mem>> -> memref<1x!tpu.dma_semaphore, #tpu.memory_space<semaphore_mem>>
      %dma_start3A_237 = tpu.memref_squeeze %dma_start3A_236 : memref<1x!tpu.dma_semaphore, #tpu.memory_space<semaphore_mem>> -> memref<!tpu.dma_semaphore, #tpu.memory_space<semaphore_mem>>
      %dma_start3A_238 = arith.constant 0 : i32
      %dma_start3A_239 = tpu.memref_slice %arg6[%add3A_230, %dma_start3A_238] : memref<512x64xf32, #tpu.memory_space<vmem>> -> memref<1x64xf32, #tpu.memory_space<vmem>>
      %dma_start3A_240 = arith.constant 0 : i32
      %dma_start3A_241 = tpu.memref_slice %arg3[%squeeze3A_226, %dma_start3A_240] : memref<1000000x64xf32, #tpu.memory_space<hbm>> -> memref<1x64xf32, #tpu.memory_space<hbm>>
      tpu.enqueue_dma source(%dma_start3A_241 : memref<1x64xf32, #tpu.memory_space<hbm>>) target(%dma_start3A_239 : memref<1x64xf32, #tpu.memory_space<vmem>>) target_semaphore(%dma_start3A_237 : memref<!tpu.dma_semaphore, #tpu.memory_space<semaphore_mem>>)
      %slice3A_242 = vector.extract_strided_slice %select_n3A_177 {offsets = [4], sizes = [1], strides = [1]} : vector<16xi32> to vector<1xi32>
      %squeeze3A_243 = vector.extract %slice3A_242[0] : i32 from vector<1xi32>
      %sub3A_244 = arith.constant 0 : i32
      %sub3A_245 = arith.subi %mul3A_142, %sub3A_244 : i32
      %add3A_246 = arith.constant 4 : i32
      %add3A_247 = arith.addi %sub3A_245, %add3A_246 : i32
      %dma_start3A_248 = arith.constant 0 : i32
      %dma_start3A_249 = arith.constant 0 : i32
      %dma_start3A_250 = tpu.memref_slice %arg6[%add3A_247, %dma_start3A_249] : memref<512x64xf32, #tpu.memory_space<vmem>> -> memref<1x64xf32, #tpu.memory_space<vmem>>
      %dma_start3A_251 = arith.constant 0 : i32
      %dma_start3A_252 = tpu.memref_slice %arg3[%squeeze3A_243, %dma_start3A_251] : memref<1000000x64xf32, #tpu.memory_space<hbm>> -> memref<1x64xf32, #tpu.memory_space<hbm>>
      %dma_start3A_253 = tpu.memref_slice %arg7[%dma_start3A_248] : memref<4x!tpu.dma_semaphore, #tpu.memory_space<semaphore_mem>> -> memref<1x!tpu.dma_semaphore, #tpu.memory_space<semaphore_mem>>
      %dma_start3A_254 = tpu.memref_squeeze %dma_start3A_253 : memref<1x!tpu.dma_semaphore, #tpu.memory_space<semaphore_mem>> -> memref<!tpu.dma_semaphore, #tpu.memory_space<semaphore_mem>>
      %dma_start3A_255 = arith.constant 0 : i32
      %dma_start3A_256 = tpu.memref_slice %arg6[%add3A_247, %dma_start3A_255] : memref<512x64xf32, #tpu.memory_space<vmem>> -> memref<1x64xf32, #tpu.memory_space<vmem>>
      %dma_start3A_257 = arith.constant 0 : i32
      %dma_start3A_258 = tpu.memref_slice %arg3[%squeeze3A_243, %dma_start3A_257] : memref<1000000x64xf32, #tpu.memory_space<hbm>> -> memref<1x64xf32, #tpu.memory_space<hbm>>
      tpu.enqueue_dma source(%dma_start3A_258 : memref<1x64xf32, #tpu.memory_space<hbm>>) target(%dma_start3A_256 : memref<1x64xf32, #tpu.memory_space<vmem>>) target_semaphore(%dma_start3A_254 : memref<!tpu.dma_semaphore, #tpu.memory_space<semaphore_mem>>)
      %slice3A_259 = vector.extract_strided_slice %select_n3A_177 {offsets = [5], sizes = [1], strides = [1]} : vector<16xi32> to vector<1xi32>
      %squeeze3A_260 = vector.extract %slice3A_259[0] : i32 from vector<1xi32>
      %sub3A_261 = arith.constant 0 : i32
      %sub3A_262 = arith.subi %mul3A_142, %sub3A_261 : i32
      %add3A_263 = arith.constant 5 : i32
      %add3A_264 = arith.addi %sub3A_262, %add3A_263 : i32
      %dma_start3A_265 = arith.constant 1 : i32
      %dma_start3A_266 = arith.constant 0 : i32
      %dma_start3A_267 = tpu.memref_slice %arg6[%add3A_264, %dma_start3A_266] : memref<512x64xf32, #tpu.memory_space<vmem>> -> memref<1x64xf32, #tpu.memory_space<vmem>>
      %dma_start3A_268 = arith.constant 0 : i32
      %dma_start3A_269 = tpu.memref_slice %arg3[%squeeze3A_260, %dma_start3A_268] : memref<1000000x64xf32, #tpu.memory_space<hbm>> -> memref<1x64xf32, #tpu.memory_space<hbm>>
      %dma_start3A_270 = tpu.memref_slice %arg7[%dma_start3A_265] : memref<4x!tpu.dma_semaphore, #tpu.memory_space<semaphore_mem>> -> memref<1x!tpu.dma_semaphore, #tpu.memory_space<semaphore_mem>>
      %dma_start3A_271 = tpu.memref_squeeze %dma_start3A_270 : memref<1x!tpu.dma_semaphore, #tpu.memory_space<semaphore_mem>> -> memref<!tpu.dma_semaphore, #tpu.memory_space<semaphore_mem>>
      %dma_start3A_272 = arith.constant 0 : i32
      %dma_start3A_273 = tpu.memref_slice %arg6[%add3A_264, %dma_start3A_272] : memref<512x64xf32, #tpu.memory_space<vmem>> -> memref<1x64xf32, #tpu.memory_space<vmem>>
      %dma_start3A_274 = arith.constant 0 : i32
      %dma_start3A_275 = tpu.memref_slice %arg3[%squeeze3A_260, %dma_start3A_274] : memref<1000000x64xf32, #tpu.memory_space<hbm>> -> memref<1x64xf32, #tpu.memory_space<hbm>>
      tpu.enqueue_dma source(%dma_start3A_275 : memref<1x64xf32, #tpu.memory_space<hbm>>) target(%dma_start3A_273 : memref<1x64xf32, #tpu.memory_space<vmem>>) target_semaphore(%dma_start3A_271 : memref<!tpu.dma_semaphore, #tpu.memory_space<semaphore_mem>>)
      %slice3A_276 = vector.extract_strided_slice %select_n3A_177 {offsets = [6], sizes = [1], strides = [1]} : vector<16xi32> to vector<1xi32>
      %squeeze3A_277 = vector.extract %slice3A_276[0] : i32 from vector<1xi32>
      %sub3A_278 = arith.constant 0 : i32
      %sub3A_279 = arith.subi %mul3A_142, %sub3A_278 : i32
      %add3A_280 = arith.constant 6 : i32
      %add3A_281 = arith.addi %sub3A_279, %add3A_280 : i32
      %dma_start3A_282 = arith.constant 2 : i32
      %dma_start3A_283 = arith.constant 0 : i32
      %dma_start3A_284 = tpu.memref_slice %arg6[%add3A_281, %dma_start3A_283] : memref<512x64xf32, #tpu.memory_space<vmem>> -> memref<1x64xf32, #tpu.memory_space<vmem>>
      %dma_start3A_285 = arith.constant 0 : i32
      %dma_start3A_286 = tpu.memref_slice %arg3[%squeeze3A_277, %dma_start3A_285] : memref<1000000x64xf32, #tpu.memory_space<hbm>> -> memref<1x64xf32, #tpu.memory_space<hbm>>
      %dma_start3A_287 = tpu.memref_slice %arg7[%dma_start3A_282] : memref<4x!tpu.dma_semaphore, #tpu.memory_space<semaphore_mem>> -> memref<1x!tpu.dma_semaphore, #tpu.memory_space<semaphore_mem>>
      %dma_start3A_288 = tpu.memref_squeeze %dma_start3A_287 : memref<1x!tpu.dma_semaphore, #tpu.memory_space<semaphore_mem>> -> memref<!tpu.dma_semaphore, #tpu.memory_space<semaphore_mem>>
      %dma_start3A_289 = arith.constant 0 : i32
      %dma_start3A_290 = tpu.memref_slice %arg6[%add3A_281, %dma_start3A_289] : memref<512x64xf32, #tpu.memory_space<vmem>> -> memref<1x64xf32, #tpu.memory_space<vmem>>
      %dma_start3A_291 = arith.constant 0 : i32
      %dma_start3A_292 = tpu.memref_slice %arg3[%squeeze3A_277, %dma_start3A_291] : memref<1000000x64xf32, #tpu.memory_space<hbm>> -> memref<1x64xf32, #tpu.memory_space<hbm>>
      tpu.enqueue_dma source(%dma_start3A_292 : memref<1x64xf32, #tpu.memory_space<hbm>>) target(%dma_start3A_290 : memref<1x64xf32, #tpu.memory_space<vmem>>) target_semaphore(%dma_start3A_288 : memref<!tpu.dma_semaphore, #tpu.memory_space<semaphore_mem>>)
      %slice3A_293 = vector.extract_strided_slice %select_n3A_177 {offsets = [7], sizes = [1], strides = [1]} : vector<16xi32> to vector<1xi32>
      %squeeze3A_294 = vector.extract %slice3A_293[0] : i32 from vector<1xi32>
      %sub3A_295 = arith.constant 0 : i32
      %sub3A_296 = arith.subi %mul3A_142, %sub3A_295 : i32
      %add3A_297 = arith.constant 7 : i32
      %add3A_298 = arith.addi %sub3A_296, %add3A_297 : i32
      %dma_start3A_299 = arith.constant 3 : i32
      %dma_start3A_300 = arith.constant 0 : i32
      %dma_start3A_301 = tpu.memref_slice %arg6[%add3A_298, %dma_start3A_300] : memref<512x64xf32, #tpu.memory_space<vmem>> -> memref<1x64xf32, #tpu.memory_space<vmem>>
      %dma_start3A_302 = arith.constant 0 : i32
      %dma_start3A_303 = tpu.memref_slice %arg3[%squeeze3A_294, %dma_start3A_302] : memref<1000000x64xf32, #tpu.memory_space<hbm>> -> memref<1x64xf32, #tpu.memory_space<hbm>>
      %dma_start3A_304 = tpu.memref_slice %arg7[%dma_start3A_299] : memref<4x!tpu.dma_semaphore, #tpu.memory_space<semaphore_mem>> -> memref<1x!tpu.dma_semaphore, #tpu.memory_space<semaphore_mem>>
      %dma_start3A_305 = tpu.memref_squeeze %dma_start3A_304 : memref<1x!tpu.dma_semaphore, #tpu.memory_space<semaphore_mem>> -> memref<!tpu.dma_semaphore, #tpu.memory_space<semaphore_mem>>
      %dma_start3A_306 = arith.constant 0 : i32
      %dma_start3A_307 = tpu.memref_slice %arg6[%add3A_298, %dma_start3A_306] : memref<512x64xf32, #tpu.memory_space<vmem>> -> memref<1x64xf32, #tpu.memory_space<vmem>>
      %dma_start3A_308 = arith.constant 0 : i32
      %dma_start3A_309 = tpu.memref_slice %arg3[%squeeze3A_294, %dma_start3A_308] : memref<1000000x64xf32, #tpu.memory_space<hbm>> -> memref<1x64xf32, #tpu.memory_space<hbm>>
      tpu.enqueue_dma source(%dma_start3A_309 : memref<1x64xf32, #tpu.memory_space<hbm>>) target(%dma_start3A_307 : memref<1x64xf32, #tpu.memory_space<vmem>>) target_semaphore(%dma_start3A_305 : memref<!tpu.dma_semaphore, #tpu.memory_space<semaphore_mem>>)
      %slice3A_310 = vector.extract_strided_slice %select_n3A_177 {offsets = [8], sizes = [1], strides = [1]} : vector<16xi32> to vector<1xi32>
      %squeeze3A_311 = vector.extract %slice3A_310[0] : i32 from vector<1xi32>
      %sub3A_312 = arith.constant 0 : i32
      %sub3A_313 = arith.subi %mul3A_142, %sub3A_312 : i32
      %add3A_314 = arith.constant 8 : i32
      %add3A_315 = arith.addi %sub3A_313, %add3A_314 : i32
      %dma_start3A_316 = arith.constant 0 : i32
      %dma_start3A_317 = arith.constant 0 : i32
      %dma_start3A_318 = tpu.memref_slice %arg6[%add3A_315, %dma_start3A_317] : memref<512x64xf32, #tpu.memory_space<vmem>> -> memref<1x64xf32, #tpu.memory_space<vmem>>
      %dma_start3A_319 = arith.constant 0 : i32
      %dma_start3A_320 = tpu.memref_slice %arg3[%squeeze3A_311, %dma_start3A_319] : memref<1000000x64xf32, #tpu.memory_space<hbm>> -> memref<1x64xf32, #tpu.memory_space<hbm>>
      %dma_start3A_321 = tpu.memref_slice %arg7[%dma_start3A_316] : memref<4x!tpu.dma_semaphore, #tpu.memory_space<semaphore_mem>> -> memref<1x!tpu.dma_semaphore, #tpu.memory_space<semaphore_mem>>
      %dma_start3A_322 = tpu.memref_squeeze %dma_start3A_321 : memref<1x!tpu.dma_semaphore, #tpu.memory_space<semaphore_mem>> -> memref<!tpu.dma_semaphore, #tpu.memory_space<semaphore_mem>>
      %dma_start3A_323 = arith.constant 0 : i32
      %dma_start3A_324 = tpu.memref_slice %arg6[%add3A_315, %dma_start3A_323] : memref<512x64xf32, #tpu.memory_space<vmem>> -> memref<1x64xf32, #tpu.memory_space<vmem>>
      %dma_start3A_325 = arith.constant 0 : i32
      %dma_start3A_326 = tpu.memref_slice %arg3[%squeeze3A_311, %dma_start3A_325] : memref<1000000x64xf32, #tpu.memory_space<hbm>> -> memref<1x64xf32, #tpu.memory_space<hbm>>
      tpu.enqueue_dma source(%dma_start3A_326 : memref<1x64xf32, #tpu.memory_space<hbm>>) target(%dma_start3A_324 : memref<1x64xf32, #tpu.memory_space<vmem>>) target_semaphore(%dma_start3A_322 : memref<!tpu.dma_semaphore, #tpu.memory_space<semaphore_mem>>)
      %slice3A_327 = vector.extract_strided_slice %select_n3A_177 {offsets = [9], sizes = [1], strides = [1]} : vector<16xi32> to vector<1xi32>
      %squeeze3A_328 = vector.extract %slice3A_327[0] : i32 from vector<1xi32>
      %sub3A_329 = arith.constant 0 : i32
      %sub3A_330 = arith.subi %mul3A_142, %sub3A_329 : i32
      %add3A_331 = arith.constant 9 : i32
      %add3A_332 = arith.addi %sub3A_330, %add3A_331 : i32
      %dma_start3A_333 = arith.constant 1 : i32
      %dma_start3A_334 = arith.constant 0 : i32
      %dma_start3A_335 = tpu.memref_slice %arg6[%add3A_332, %dma_start3A_334] : memref<512x64xf32, #tpu.memory_space<vmem>> -> memref<1x64xf32, #tpu.memory_space<vmem>>
      %dma_start3A_336 = arith.constant 0 : i32
      %dma_start3A_337 = tpu.memref_slice %arg3[%squeeze3A_328, %dma_start3A_336] : memref<1000000x64xf32, #tpu.memory_space<hbm>> -> memref<1x64xf32, #tpu.memory_space<hbm>>
      %dma_start3A_338 = tpu.memref_slice %arg7[%dma_start3A_333] : memref<4x!tpu.dma_semaphore, #tpu.memory_space<semaphore_mem>> -> memref<1x!tpu.dma_semaphore, #tpu.memory_space<semaphore_mem>>
      %dma_start3A_339 = tpu.memref_squeeze %dma_start3A_338 : memref<1x!tpu.dma_semaphore, #tpu.memory_space<semaphore_mem>> -> memref<!tpu.dma_semaphore, #tpu.memory_space<semaphore_mem>>
      %dma_start3A_340 = arith.constant 0 : i32
      %dma_start3A_341 = tpu.memref_slice %arg6[%add3A_332, %dma_start3A_340] : memref<512x64xf32, #tpu.memory_space<vmem>> -> memref<1x64xf32, #tpu.memory_space<vmem>>
      %dma_start3A_342 = arith.constant 0 : i32
      %dma_start3A_343 = tpu.memref_slice %arg3[%squeeze3A_328, %dma_start3A_342] : memref<1000000x64xf32, #tpu.memory_space<hbm>> -> memref<1x64xf32, #tpu.memory_space<hbm>>
      tpu.enqueue_dma source(%dma_start3A_343 : memref<1x64xf32, #tpu.memory_space<hbm>>) target(%dma_start3A_341 : memref<1x64xf32, #tpu.memory_space<vmem>>) target_semaphore(%dma_start3A_339 : memref<!tpu.dma_semaphore, #tpu.memory_space<semaphore_mem>>)
      %slice3A_344 = vector.extract_strided_slice %select_n3A_177 {offsets = [10], sizes = [1], strides = [1]} : vector<16xi32> to vector<1xi32>
      %squeeze3A_345 = vector.extract %slice3A_344[0] : i32 from vector<1xi32>
      %sub3A_346 = arith.constant 0 : i32
      %sub3A_347 = arith.subi %mul3A_142, %sub3A_346 : i32
      %add3A_348 = arith.constant 10 : i32
      %add3A_349 = arith.addi %sub3A_347, %add3A_348 : i32
      %dma_start3A_350 = arith.constant 2 : i32
      %dma_start3A_351 = arith.constant 0 : i32
      %dma_start3A_352 = tpu.memref_slice %arg6[%add3A_349, %dma_start3A_351] : memref<512x64xf32, #tpu.memory_space<vmem>> -> memref<1x64xf32, #tpu.memory_space<vmem>>
      %dma_start3A_353 = arith.constant 0 : i32
      %dma_start3A_354 = tpu.memref_slice %arg3[%squeeze3A_345, %dma_start3A_353] : memref<1000000x64xf32, #tpu.memory_space<hbm>> -> memref<1x64xf32, #tpu.memory_space<hbm>>
      %dma_start3A_355 = tpu.memref_slice %arg7[%dma_start3A_350] : memref<4x!tpu.dma_semaphore, #tpu.memory_space<semaphore_mem>> -> memref<1x!tpu.dma_semaphore, #tpu.memory_space<semaphore_mem>>
      %dma_start3A_356 = tpu.memref_squeeze %dma_start3A_355 : memref<1x!tpu.dma_semaphore, #tpu.memory_space<semaphore_mem>> -> memref<!tpu.dma_semaphore, #tpu.memory_space<semaphore_mem>>
      %dma_start3A_357 = arith.constant 0 : i32
      %dma_start3A_358 = tpu.memref_slice %arg6[%add3A_349, %dma_start3A_357] : memref<512x64xf32, #tpu.memory_space<vmem>> -> memref<1x64xf32, #tpu.memory_space<vmem>>
      %dma_start3A_359 = arith.constant 0 : i32
      %dma_start3A_360 = tpu.memref_slice %arg3[%squeeze3A_345, %dma_start3A_359] : memref<1000000x64xf32, #tpu.memory_space<hbm>> -> memref<1x64xf32, #tpu.memory_space<hbm>>
      tpu.enqueue_dma source(%dma_start3A_360 : memref<1x64xf32, #tpu.memory_space<hbm>>) target(%dma_start3A_358 : memref<1x64xf32, #tpu.memory_space<vmem>>) target_semaphore(%dma_start3A_356 : memref<!tpu.dma_semaphore, #tpu.memory_space<semaphore_mem>>)
      %slice3A_361 = vector.extract_strided_slice %select_n3A_177 {offsets = [11], sizes = [1], strides = [1]} : vector<16xi32> to vector<1xi32>
      %squeeze3A_362 = vector.extract %slice3A_361[0] : i32 from vector<1xi32>
      %sub3A_363 = arith.constant 0 : i32
      %sub3A_364 = arith.subi %mul3A_142, %sub3A_363 : i32
      %add3A_365 = arith.constant 11 : i32
      %add3A_366 = arith.addi %sub3A_364, %add3A_365 : i32
      %dma_start3A_367 = arith.constant 3 : i32
      %dma_start3A_368 = arith.constant 0 : i32
      %dma_start3A_369 = tpu.memref_slice %arg6[%add3A_366, %dma_start3A_368] : memref<512x64xf32, #tpu.memory_space<vmem>> -> memref<1x64xf32, #tpu.memory_space<vmem>>
      %dma_start3A_370 = arith.constant 0 : i32
      %dma_start3A_371 = tpu.memref_slice %arg3[%squeeze3A_362, %dma_start3A_370] : memref<1000000x64xf32, #tpu.memory_space<hbm>> -> memref<1x64xf32, #tpu.memory_space<hbm>>
      %dma_start3A_372 = tpu.memref_slice %arg7[%dma_start3A_367] : memref<4x!tpu.dma_semaphore, #tpu.memory_space<semaphore_mem>> -> memref<1x!tpu.dma_semaphore, #tpu.memory_space<semaphore_mem>>
      %dma_start3A_373 = tpu.memref_squeeze %dma_start3A_372 : memref<1x!tpu.dma_semaphore, #tpu.memory_space<semaphore_mem>> -> memref<!tpu.dma_semaphore, #tpu.memory_space<semaphore_mem>>
      %dma_start3A_374 = arith.constant 0 : i32
      %dma_start3A_375 = tpu.memref_slice %arg6[%add3A_366, %dma_start3A_374] : memref<512x64xf32, #tpu.memory_space<vmem>> -> memref<1x64xf32, #tpu.memory_space<vmem>>
      %dma_start3A_376 = arith.constant 0 : i32
      %dma_start3A_377 = tpu.memref_slice %arg3[%squeeze3A_362, %dma_start3A_376] : memref<1000000x64xf32, #tpu.memory_space<hbm>> -> memref<1x64xf32, #tpu.memory_space<hbm>>
      tpu.enqueue_dma source(%dma_start3A_377 : memref<1x64xf32, #tpu.memory_space<hbm>>) target(%dma_start3A_375 : memref<1x64xf32, #tpu.memory_space<vmem>>) target_semaphore(%dma_start3A_373 : memref<!tpu.dma_semaphore, #tpu.memory_space<semaphore_mem>>)
      %slice3A_378 = vector.extract_strided_slice %select_n3A_177 {offsets = [12], sizes = [1], strides = [1]} : vector<16xi32> to vector<1xi32>
      %squeeze3A_379 = vector.extract %slice3A_378[0] : i32 from vector<1xi32>
      %sub3A_380 = arith.constant 0 : i32
      %sub3A_381 = arith.subi %mul3A_142, %sub3A_380 : i32
      %add3A_382 = arith.constant 12 : i32
      %add3A_383 = arith.addi %sub3A_381, %add3A_382 : i32
      %dma_start3A_384 = arith.constant 0 : i32
      %dma_start3A_385 = arith.constant 0 : i32
      %dma_start3A_386 = tpu.memref_slice %arg6[%add3A_383, %dma_start3A_385] : memref<512x64xf32, #tpu.memory_space<vmem>> -> memref<1x64xf32, #tpu.memory_space<vmem>>
      %dma_start3A_387 = arith.constant 0 : i32
      %dma_start3A_388 = tpu.memref_slice %arg3[%squeeze3A_379, %dma_start3A_387] : memref<1000000x64xf32, #tpu.memory_space<hbm>> -> memref<1x64xf32, #tpu.memory_space<hbm>>
      %dma_start3A_389 = tpu.memref_slice %arg7[%dma_start3A_384] : memref<4x!tpu.dma_semaphore, #tpu.memory_space<semaphore_mem>> -> memref<1x!tpu.dma_semaphore, #tpu.memory_space<semaphore_mem>>
      %dma_start3A_390 = tpu.memref_squeeze %dma_start3A_389 : memref<1x!tpu.dma_semaphore, #tpu.memory_space<semaphore_mem>> -> memref<!tpu.dma_semaphore, #tpu.memory_space<semaphore_mem>>
      %dma_start3A_391 = arith.constant 0 : i32
      %dma_start3A_392 = tpu.memref_slice %arg6[%add3A_383, %dma_start3A_391] : memref<512x64xf32, #tpu.memory_space<vmem>> -> memref<1x64xf32, #tpu.memory_space<vmem>>
      %dma_start3A_393 = arith.constant 0 : i32
      %dma_start3A_394 = tpu.memref_slice %arg3[%squeeze3A_379, %dma_start3A_393] : memref<1000000x64xf32, #tpu.memory_space<hbm>> -> memref<1x64xf32, #tpu.memory_space<hbm>>
      tpu.enqueue_dma source(%dma_start3A_394 : memref<1x64xf32, #tpu.memory_space<hbm>>) target(%dma_start3A_392 : memref<1x64xf32, #tpu.memory_space<vmem>>) target_semaphore(%dma_start3A_390 : memref<!tpu.dma_semaphore, #tpu.memory_space<semaphore_mem>>)
      %slice3A_395 = vector.extract_strided_slice %select_n3A_177 {offsets = [13], sizes = [1], strides = [1]} : vector<16xi32> to vector<1xi32>
      %squeeze3A_396 = vector.extract %slice3A_395[0] : i32 from vector<1xi32>
      %sub3A_397 = arith.constant 0 : i32
      %sub3A_398 = arith.subi %mul3A_142, %sub3A_397 : i32
      %add3A_399 = arith.constant 13 : i32
      %add3A_400 = arith.addi %sub3A_398, %add3A_399 : i32
      %dma_start3A_401 = arith.constant 1 : i32
      %dma_start3A_402 = arith.constant 0 : i32
      %dma_start3A_403 = tpu.memref_slice %arg6[%add3A_400, %dma_start3A_402] : memref<512x64xf32, #tpu.memory_space<vmem>> -> memref<1x64xf32, #tpu.memory_space<vmem>>
      %dma_start3A_404 = arith.constant 0 : i32
      %dma_start3A_405 = tpu.memref_slice %arg3[%squeeze3A_396, %dma_start3A_404] : memref<1000000x64xf32, #tpu.memory_space<hbm>> -> memref<1x64xf32, #tpu.memory_space<hbm>>
      %dma_start3A_406 = tpu.memref_slice %arg7[%dma_start3A_401] : memref<4x!tpu.dma_semaphore, #tpu.memory_space<semaphore_mem>> -> memref<1x!tpu.dma_semaphore, #tpu.memory_space<semaphore_mem>>
      %dma_start3A_407 = tpu.memref_squeeze %dma_start3A_406 : memref<1x!tpu.dma_semaphore, #tpu.memory_space<semaphore_mem>> -> memref<!tpu.dma_semaphore, #tpu.memory_space<semaphore_mem>>
      %dma_start3A_408 = arith.constant 0 : i32
      %dma_start3A_409 = tpu.memref_slice %arg6[%add3A_400, %dma_start3A_408] : memref<512x64xf32, #tpu.memory_space<vmem>> -> memref<1x64xf32, #tpu.memory_space<vmem>>
      %dma_start3A_410 = arith.constant 0 : i32
      %dma_start3A_411 = tpu.memref_slice %arg3[%squeeze3A_396, %dma_start3A_410] : memref<1000000x64xf32, #tpu.memory_space<hbm>> -> memref<1x64xf32, #tpu.memory_space<hbm>>
      tpu.enqueue_dma source(%dma_start3A_411 : memref<1x64xf32, #tpu.memory_space<hbm>>) target(%dma_start3A_409 : memref<1x64xf32, #tpu.memory_space<vmem>>) target_semaphore(%dma_start3A_407 : memref<!tpu.dma_semaphore, #tpu.memory_space<semaphore_mem>>)
      %slice3A_412 = vector.extract_strided_slice %select_n3A_177 {offsets = [14], sizes = [1], strides = [1]} : vector<16xi32> to vector<1xi32>
      %squeeze3A_413 = vector.extract %slice3A_412[0] : i32 from vector<1xi32>
      %sub3A_414 = arith.constant 0 : i32
      %sub3A_415 = arith.subi %mul3A_142, %sub3A_414 : i32
      %add3A_416 = arith.constant 14 : i32
      %add3A_417 = arith.addi %sub3A_415, %add3A_416 : i32
      %dma_start3A_418 = arith.constant 2 : i32
      %dma_start3A_419 = arith.constant 0 : i32
      %dma_start3A_420 = tpu.memref_slice %arg6[%add3A_417, %dma_start3A_419] : memref<512x64xf32, #tpu.memory_space<vmem>> -> memref<1x64xf32, #tpu.memory_space<vmem>>
      %dma_start3A_421 = arith.constant 0 : i32
      %dma_start3A_422 = tpu.memref_slice %arg3[%squeeze3A_413, %dma_start3A_421] : memref<1000000x64xf32, #tpu.memory_space<hbm>> -> memref<1x64xf32, #tpu.memory_space<hbm>>
      %dma_start3A_423 = tpu.memref_slice %arg7[%dma_start3A_418] : memref<4x!tpu.dma_semaphore, #tpu.memory_space<semaphore_mem>> -> memref<1x!tpu.dma_semaphore, #tpu.memory_space<semaphore_mem>>
      %dma_start3A_424 = tpu.memref_squeeze %dma_start3A_423 : memref<1x!tpu.dma_semaphore, #tpu.memory_space<semaphore_mem>> -> memref<!tpu.dma_semaphore, #tpu.memory_space<semaphore_mem>>
      %dma_start3A_425 = arith.constant 0 : i32
      %dma_start3A_426 = tpu.memref_slice %arg6[%add3A_417, %dma_start3A_425] : memref<512x64xf32, #tpu.memory_space<vmem>> -> memref<1x64xf32, #tpu.memory_space<vmem>>
      %dma_start3A_427 = arith.constant 0 : i32
      %dma_start3A_428 = tpu.memref_slice %arg3[%squeeze3A_413, %dma_start3A_427] : memref<1000000x64xf32, #tpu.memory_space<hbm>> -> memref<1x64xf32, #tpu.memory_space<hbm>>
      tpu.enqueue_dma source(%dma_start3A_428 : memref<1x64xf32, #tpu.memory_space<hbm>>) target(%dma_start3A_426 : memref<1x64xf32, #tpu.memory_space<vmem>>) target_semaphore(%dma_start3A_424 : memref<!tpu.dma_semaphore, #tpu.memory_space<semaphore_mem>>)
      %slice3A_429 = vector.extract_strided_slice %select_n3A_177 {offsets = [15], sizes = [1], strides = [1]} : vector<16xi32> to vector<1xi32>
      %squeeze3A_430 = vector.extract %slice3A_429[0] : i32 from vector<1xi32>
      %sub3A_431 = arith.constant 0 : i32
      %sub3A_432 = arith.subi %mul3A_142, %sub3A_431 : i32
      %add3A_433 = arith.constant 15 : i32
      %add3A_434 = arith.addi %sub3A_432, %add3A_433 : i32
      %dma_start3A_435 = arith.constant 3 : i32
      %dma_start3A_436 = arith.constant 0 : i32
      %dma_start3A_437 = tpu.memref_slice %arg6[%add3A_434, %dma_start3A_436] : memref<512x64xf32, #tpu.memory_space<vmem>> -> memref<1x64xf32, #tpu.memory_space<vmem>>
      %dma_start3A_438 = arith.constant 0 : i32
      %dma_start3A_439 = tpu.memref_slice %arg3[%squeeze3A_430, %dma_start3A_438] : memref<1000000x64xf32, #tpu.memory_space<hbm>> -> memref<1x64xf32, #tpu.memory_space<hbm>>
      %dma_start3A_440 = tpu.memref_slice %arg7[%dma_start3A_435] : memref<4x!tpu.dma_semaphore, #tpu.memory_space<semaphore_mem>> -> memref<1x!tpu.dma_semaphore, #tpu.memory_space<semaphore_mem>>
      %dma_start3A_441 = tpu.memref_squeeze %dma_start3A_440 : memref<1x!tpu.dma_semaphore, #tpu.memory_space<semaphore_mem>> -> memref<!tpu.dma_semaphore, #tpu.memory_space<semaphore_mem>>
      %dma_start3A_442 = arith.constant 0 : i32
      %dma_start3A_443 = tpu.memref_slice %arg6[%add3A_434, %dma_start3A_442] : memref<512x64xf32, #tpu.memory_space<vmem>> -> memref<1x64xf32, #tpu.memory_space<vmem>>
      %dma_start3A_444 = arith.constant 0 : i32
      %dma_start3A_445 = tpu.memref_slice %arg3[%squeeze3A_430, %dma_start3A_444] : memref<1000000x64xf32, #tpu.memory_space<hbm>> -> memref<1x64xf32, #tpu.memory_space<hbm>>
      tpu.enqueue_dma source(%dma_start3A_445 : memref<1x64xf32, #tpu.memory_space<hbm>>) target(%dma_start3A_443 : memref<1x64xf32, #tpu.memory_space<vmem>>) target_semaphore(%dma_start3A_441 : memref<!tpu.dma_semaphore, #tpu.memory_space<semaphore_mem>>)
      %scan3A_446 = arith.constant 0 : i32
      %scan3A_447 = arith.constant 1 : i32
      %scan3A_448 = arith.addi %scan3A_139, %scan3A_447 : i32
      %mul3A_449 = arith.constant 16 : i32
      %mul3A_450 = arith.muli %scan3A_448, %mul3A_449 : i32
      %add3A_451 = arith.constant 8 : i32
      %add3A_452 = arith.addi %mul3A_450, %add3A_451 : i32
      %get3A_453 = arith.index_cast %add3A_452 : i32 to index
      %get3A_454 = tpu.vector_load %arg5[%get3A_453] {strides = array<i32>} : memref<1032xi32, #tpu.memory_space<vmem>>, vector<16xi32>,
      %add3A_455 = arith.constant 7 : i32
      %add3A_456 = arith.addi %mul3A_450, %add3A_455 : i32
      %get3A_457 = arith.index_cast %add3A_456 : i32 to index
      %get3A_458 = tpu.vector_load %arg5[%get3A_457] {strides = array<i32>} : memref<1032xi32, #tpu.memory_space<vmem>>, vector<16xi32>,
      %add3A_459 = arith.addi %mul3A_2, %mul3A_450 : i32
      %add3A_460 = vector.broadcast %add3A_459 : i32 to vector<16xi32>
      %add3A_461 = arith.addi %add3A_460, %iota3A : vector<16xi32>
      %and3A_462 = arith.constant 8191 : i32
      %and3A_463 = vector.broadcast %and3A_462 : i32 to vector<16xi32>
      %and3A_464 = arith.andi %add3A_461, %and3A_463 : vector<16xi32>
      %min3A_465 = arith.constant 1 : i32
      %min3A_466 = vector.broadcast %min3A_465 : i32 to vector<16xi32>
      %min3A_467 = arith.minsi %and3A_464, %min3A_466 : vector<16xi32>
      %mul3A_468 = arith.muli %get3A_458, %min3A_467 : vector<16xi32>
      %mul3A_469 = arith.constant 31 : i32
      %mul3A_470 = vector.broadcast %mul3A_469 : i32 to vector<16xi32>
      %mul3A_471 = arith.muli %mul3A_468, %mul3A_470 : vector<16xi32>
      %add3A_472 = arith.addi %mul3A_471, %get3A_454 : vector<16xi32>
      %jit3A_473 = arith.constant 1000000 : i32
      %eq3A_474 = arith.constant 0 : i32
      %eq3A_475 = arith.cmpi eq, %jit3A_473, %eq3A_474 : i32
      %jit3A_476 = arith.constant 1 : i32
      %select_n3A_477 = arith.select %eq3A_475, %jit3A_476, %jit3A_473 : i32
      %rem3A_478 = vector.broadcast %select_n3A_477 : i32 to vector<16xi32>
      %rem3A_479 = arith.remsi %add3A_472, %rem3A_478 : vector<16xi32>
      %ne3A_480 = arith.constant 0 : i32
      %ne3A_481 = vector.broadcast %ne3A_480 : i32 to vector<16xi32>
      %ne3A_482 = arith.cmpi ne, %rem3A_479, %ne3A_481 : vector<16xi32>
      %lt3A_483 = arith.constant 0 : i32
      %lt3A_484 = vector.broadcast %lt3A_483 : i32 to vector<16xi32>
      %lt3A_485 = arith.cmpi slt, %rem3A_479, %lt3A_484 : vector<16xi32>
      %lt3A_486 = arith.constant 0 : i32
      %lt3A_487 = arith.cmpi slt, %select_n3A_477, %lt3A_486 : i32
      %ne3A_488 = vector.broadcast %lt3A_487 : i1 to vector<16xi1>
      %ne3A_489 = vector.broadcast %ne3A_488 : vector<16xi1> to vector<16xi1>
      %ne3A_490 = arith.xori %lt3A_485, %ne3A_489 : vector<16xi1>
      %and3A_491 = arith.andi %ne3A_490, %ne3A_482 : vector<16xi1>
      %add3A_492 = vector.broadcast %select_n3A_477 : i32 to vector<16xi32>
      %add3A_493 = arith.addi %rem3A_479, %add3A_492 : vector<16xi32>
      %select_n3A_494 = arith.select %and3A_491, %add3A_493, %rem3A_479 : vector<16xi1>, vector<16xi32>
      %slice3A_495 = vector.extract_strided_slice %select_n3A_494 {offsets = [0], sizes = [1], strides = [1]} : vector<16xi32> to vector<1xi32>
      %squeeze3A_496 = vector.extract %slice3A_495[0] : i32 from vector<1xi32>
      %sub3A_497 = arith.constant 0 : i32
      %sub3A_498 = arith.subi %mul3A_450, %sub3A_497 : i32
      %add3A_499 = arith.constant 0 : i32
      %add3A_500 = arith.addi %sub3A_498, %add3A_499 : i32
      %dma_start3A_501 = arith.constant 0 : i32
      %dma_start3A_502 = arith.constant 0 : i32
      %dma_start3A_503 = tpu.memref_slice %arg6[%add3A_500, %dma_start3A_502] : memref<512x64xf32, #tpu.memory_space<vmem>> -> memref<1x64xf32, #tpu.memory_space<vmem>>
      %dma_start3A_504 = arith.constant 0 : i32
      %dma_start3A_505 = tpu.memref_slice %arg3[%squeeze3A_496, %dma_start3A_504] : memref<1000000x64xf32, #tpu.memory_space<hbm>> -> memref<1x64xf32, #tpu.memory_space<hbm>>
      %dma_start3A_506 = tpu.memref_slice %arg7[%dma_start3A_501] : memref<4x!tpu.dma_semaphore, #tpu.memory_space<semaphore_mem>> -> memref<1x!tpu.dma_semaphore, #tpu.memory_space<semaphore_mem>>
      %dma_start3A_507 = tpu.memref_squeeze %dma_start3A_506 : memref<1x!tpu.dma_semaphore, #tpu.memory_space<semaphore_mem>> -> memref<!tpu.dma_semaphore, #tpu.memory_space<semaphore_mem>>
      %dma_start3A_508 = arith.constant 0 : i32
      %dma_start3A_509 = tpu.memref_slice %arg6[%add3A_500, %dma_start3A_508] : memref<512x64xf32, #tpu.memory_space<vmem>> -> memref<1x64xf32, #tpu.memory_space<vmem>>
      %dma_start3A_510 = arith.constant 0 : i32
      %dma_start3A_511 = tpu.memref_slice %arg3[%squeeze3A_496, %dma_start3A_510] : memref<1000000x64xf32, #tpu.memory_space<hbm>> -> memref<1x64xf32, #tpu.memory_space<hbm>>
      tpu.enqueue_dma source(%dma_start3A_511 : memref<1x64xf32, #tpu.memory_space<hbm>>) target(%dma_start3A_509 : memref<1x64xf32, #tpu.memory_space<vmem>>) target_semaphore(%dma_start3A_507 : memref<!tpu.dma_semaphore, #tpu.memory_space<semaphore_mem>>)
      %slice3A_512 = vector.extract_strided_slice %select_n3A_494 {offsets = [1], sizes = [1], strides = [1]} : vector<16xi32> to vector<1xi32>
      %squeeze3A_513 = vector.extract %slice3A_512[0] : i32 from vector<1xi32>
      %sub3A_514 = arith.constant 0 : i32
      %sub3A_515 = arith.subi %mul3A_450, %sub3A_514 : i32
      %add3A_516 = arith.constant 1 : i32
      %add3A_517 = arith.addi %sub3A_515, %add3A_516 : i32
      %dma_start3A_518 = arith.constant 1 : i32
      %dma_start3A_519 = arith.constant 0 : i32
      %dma_start3A_520 = tpu.memref_slice %arg6[%add3A_517, %dma_start3A_519] : memref<512x64xf32, #tpu.memory_space<vmem>> -> memref<1x64xf32, #tpu.memory_space<vmem>>
      %dma_start3A_521 = arith.constant 0 : i32
      %dma_start3A_522 = tpu.memref_slice %arg3[%squeeze3A_513, %dma_start3A_521] : memref<1000000x64xf32, #tpu.memory_space<hbm>> -> memref<1x64xf32, #tpu.memory_space<hbm>>
      %dma_start3A_523 = tpu.memref_slice %arg7[%dma_start3A_518] : memref<4x!tpu.dma_semaphore, #tpu.memory_space<semaphore_mem>> -> memref<1x!tpu.dma_semaphore, #tpu.memory_space<semaphore_mem>>
      %dma_start3A_524 = tpu.memref_squeeze %dma_start3A_523 : memref<1x!tpu.dma_semaphore, #tpu.memory_space<semaphore_mem>> -> memref<!tpu.dma_semaphore, #tpu.memory_space<semaphore_mem>>
      %dma_start3A_525 = arith.constant 0 : i32
      %dma_start3A_526 = tpu.memref_slice %arg6[%add3A_517, %dma_start3A_525] : memref<512x64xf32, #tpu.memory_space<vmem>> -> memref<1x64xf32, #tpu.memory_space<vmem>>
      %dma_start3A_527 = arith.constant 0 : i32
      %dma_start3A_528 = tpu.memref_slice %arg3[%squeeze3A_513, %dma_start3A_527] : memref<1000000x64xf32, #tpu.memory_space<hbm>> -> memref<1x64xf32, #tpu.memory_space<hbm>>
      tpu.enqueue_dma source(%dma_start3A_528 : memref<1x64xf32, #tpu.memory_space<hbm>>) target(%dma_start3A_526 : memref<1x64xf32, #tpu.memory_space<vmem>>) target_semaphore(%dma_start3A_524 : memref<!tpu.dma_semaphore, #tpu.memory_space<semaphore_mem>>)
      %slice3A_529 = vector.extract_strided_slice %select_n3A_494 {offsets = [2], sizes = [1], strides = [1]} : vector<16xi32> to vector<1xi32>
      %squeeze3A_530 = vector.extract %slice3A_529[0] : i32 from vector<1xi32>
      %sub3A_531 = arith.constant 0 : i32
      %sub3A_532 = arith.subi %mul3A_450, %sub3A_531 : i32
      %add3A_533 = arith.constant 2 : i32
      %add3A_534 = arith.addi %sub3A_532, %add3A_533 : i32
      %dma_start3A_535 = arith.constant 2 : i32
      %dma_start3A_536 = arith.constant 0 : i32
      %dma_start3A_537 = tpu.memref_slice %arg6[%add3A_534, %dma_start3A_536] : memref<512x64xf32, #tpu.memory_space<vmem>> -> memref<1x64xf32, #tpu.memory_space<vmem>>
      %dma_start3A_538 = arith.constant 0 : i32
      %dma_start3A_539 = tpu.memref_slice %arg3[%squeeze3A_530, %dma_start3A_538] : memref<1000000x64xf32, #tpu.memory_space<hbm>> -> memref<1x64xf32, #tpu.memory_space<hbm>>
      %dma_start3A_540 = tpu.memref_slice %arg7[%dma_start3A_535] : memref<4x!tpu.dma_semaphore, #tpu.memory_space<semaphore_mem>> -> memref<1x!tpu.dma_semaphore, #tpu.memory_space<semaphore_mem>>
      %dma_start3A_541 = tpu.memref_squeeze %dma_start3A_540 : memref<1x!tpu.dma_semaphore, #tpu.memory_space<semaphore_mem>> -> memref<!tpu.dma_semaphore, #tpu.memory_space<semaphore_mem>>
      %dma_start3A_542 = arith.constant 0 : i32
      %dma_start3A_543 = tpu.memref_slice %arg6[%add3A_534, %dma_start3A_542] : memref<512x64xf32, #tpu.memory_space<vmem>> -> memref<1x64xf32, #tpu.memory_space<vmem>>
      %dma_start3A_544 = arith.constant 0 : i32
      %dma_start3A_545 = tpu.memref_slice %arg3[%squeeze3A_530, %dma_start3A_544] : memref<1000000x64xf32, #tpu.memory_space<hbm>> -> memref<1x64xf32, #tpu.memory_space<hbm>>
      tpu.enqueue_dma source(%dma_start3A_545 : memref<1x64xf32, #tpu.memory_space<hbm>>) target(%dma_start3A_543 : memref<1x64xf32, #tpu.memory_space<vmem>>) target_semaphore(%dma_start3A_541 : memref<!tpu.dma_semaphore, #tpu.memory_space<semaphore_mem>>)
      %slice3A_546 = vector.extract_strided_slice %select_n3A_494 {offsets = [3], sizes = [1], strides = [1]} : vector<16xi32> to vector<1xi32>
      %squeeze3A_547 = vector.extract %slice3A_546[0] : i32 from vector<1xi32>
      %sub3A_548 = arith.constant 0 : i32
      %sub3A_549 = arith.subi %mul3A_450, %sub3A_548 : i32
      %add3A_550 = arith.constant 3 : i32
      %add3A_551 = arith.addi %sub3A_549, %add3A_550 : i32
      %dma_start3A_552 = arith.constant 3 : i32
      %dma_start3A_553 = arith.constant 0 : i32
      %dma_start3A_554 = tpu.memref_slice %arg6[%add3A_551, %dma_start3A_553] : memref<512x64xf32, #tpu.memory_space<vmem>> -> memref<1x64xf32, #tpu.memory_space<vmem>>
      %dma_start3A_555 = arith.constant 0 : i32
      %dma_start3A_556 = tpu.memref_slice %arg3[%squeeze3A_547, %dma_start3A_555] : memref<1000000x64xf32, #tpu.memory_space<hbm>> -> memref<1x64xf32, #tpu.memory_space<hbm>>
      %dma_start3A_557 = tpu.memref_slice %arg7[%dma_start3A_552] : memref<4x!tpu.dma_semaphore, #tpu.memory_space<semaphore_mem>> -> memref<1x!tpu.dma_semaphore, #tpu.memory_space<semaphore_mem>>
      %dma_start3A_558 = tpu.memref_squeeze %dma_start3A_557 : memref<1x!tpu.dma_semaphore, #tpu.memory_space<semaphore_mem>> -> memref<!tpu.dma_semaphore, #tpu.memory_space<semaphore_mem>>
      %dma_start3A_559 = arith.constant 0 : i32
      %dma_start3A_560 = tpu.memref_slice %arg6[%add3A_551, %dma_start3A_559] : memref<512x64xf32, #tpu.memory_space<vmem>> -> memref<1x64xf32, #tpu.memory_space<vmem>>
      %dma_start3A_561 = arith.constant 0 : i32
      %dma_start3A_562 = tpu.memref_slice %arg3[%squeeze3A_547, %dma_start3A_561] : memref<1000000x64xf32, #tpu.memory_space<hbm>> -> memref<1x64xf32, #tpu.memory_space<hbm>>
      tpu.enqueue_dma source(%dma_start3A_562 : memref<1x64xf32, #tpu.memory_space<hbm>>) target(%dma_start3A_560 : memref<1x64xf32, #tpu.memory_space<vmem>>) target_semaphore(%dma_start3A_558 : memref<!tpu.dma_semaphore, #tpu.memory_space<semaphore_mem>>)
      %slice3A_563 = vector.extract_strided_slice %select_n3A_494 {offsets = [4], sizes = [1], strides = [1]} : vector<16xi32> to vector<1xi32>
      %squeeze3A_564 = vector.extract %slice3A_563[0] : i32 from vector<1xi32>
      %sub3A_565 = arith.constant 0 : i32
      %sub3A_566 = arith.subi %mul3A_450, %sub3A_565 : i32
      %add3A_567 = arith.constant 4 : i32
      %add3A_568 = arith.addi %sub3A_566, %add3A_567 : i32
      %dma_start3A_569 = arith.constant 0 : i32
      %dma_start3A_570 = arith.constant 0 : i32
      %dma_start3A_571 = tpu.memref_slice %arg6[%add3A_568, %dma_start3A_570] : memref<512x64xf32, #tpu.memory_space<vmem>> -> memref<1x64xf32, #tpu.memory_space<vmem>>
      %dma_start3A_572 = arith.constant 0 : i32
      %dma_start3A_573 = tpu.memref_slice %arg3[%squeeze3A_564, %dma_start3A_572] : memref<1000000x64xf32, #tpu.memory_space<hbm>> -> memref<1x64xf32, #tpu.memory_space<hbm>>
      %dma_start3A_574 = tpu.memref_slice %arg7[%dma_start3A_569] : memref<4x!tpu.dma_semaphore, #tpu.memory_space<semaphore_mem>> -> memref<1x!tpu.dma_semaphore, #tpu.memory_space<semaphore_mem>>
      %dma_start3A_575 = tpu.memref_squeeze %dma_start3A_574 : memref<1x!tpu.dma_semaphore, #tpu.memory_space<semaphore_mem>> -> memref<!tpu.dma_semaphore, #tpu.memory_space<semaphore_mem>>
      %dma_start3A_576 = arith.constant 0 : i32
      %dma_start3A_577 = tpu.memref_slice %arg6[%add3A_568, %dma_start3A_576] : memref<512x64xf32, #tpu.memory_space<vmem>> -> memref<1x64xf32, #tpu.memory_space<vmem>>
      %dma_start3A_578 = arith.constant 0 : i32
      %dma_start3A_579 = tpu.memref_slice %arg3[%squeeze3A_564, %dma_start3A_578] : memref<1000000x64xf32, #tpu.memory_space<hbm>> -> memref<1x64xf32, #tpu.memory_space<hbm>>
      tpu.enqueue_dma source(%dma_start3A_579 : memref<1x64xf32, #tpu.memory_space<hbm>>) target(%dma_start3A_577 : memref<1x64xf32, #tpu.memory_space<vmem>>) target_semaphore(%dma_start3A_575 : memref<!tpu.dma_semaphore, #tpu.memory_space<semaphore_mem>>)
      %slice3A_580 = vector.extract_strided_slice %select_n3A_494 {offsets = [5], sizes = [1], strides = [1]} : vector<16xi32> to vector<1xi32>
      %squeeze3A_581 = vector.extract %slice3A_580[0] : i32 from vector<1xi32>
      %sub3A_582 = arith.constant 0 : i32
      %sub3A_583 = arith.subi %mul3A_450, %sub3A_582 : i32
      %add3A_584 = arith.constant 5 : i32
      %add3A_585 = arith.addi %sub3A_583, %add3A_584 : i32
      %dma_start3A_586 = arith.constant 1 : i32
      %dma_start3A_587 = arith.constant 0 : i32
      %dma_start3A_588 = tpu.memref_slice %arg6[%add3A_585, %dma_start3A_587] : memref<512x64xf32, #tpu.memory_space<vmem>> -> memref<1x64xf32, #tpu.memory_space<vmem>>
      %dma_start3A_589 = arith.constant 0 : i32
      %dma_start3A_590 = tpu.memref_slice %arg3[%squeeze3A_581, %dma_start3A_589] : memref<1000000x64xf32, #tpu.memory_space<hbm>> -> memref<1x64xf32, #tpu.memory_space<hbm>>
      %dma_start3A_591 = tpu.memref_slice %arg7[%dma_start3A_586] : memref<4x!tpu.dma_semaphore, #tpu.memory_space<semaphore_mem>> -> memref<1x!tpu.dma_semaphore, #tpu.memory_space<semaphore_mem>>
      %dma_start3A_592 = tpu.memref_squeeze %dma_start3A_591 : memref<1x!tpu.dma_semaphore, #tpu.memory_space<semaphore_mem>> -> memref<!tpu.dma_semaphore, #tpu.memory_space<semaphore_mem>>
      %dma_start3A_593 = arith.constant 0 : i32
      %dma_start3A_594 = tpu.memref_slice %arg6[%add3A_585, %dma_start3A_593] : memref<512x64xf32, #tpu.memory_space<vmem>> -> memref<1x64xf32, #tpu.memory_space<vmem>>
      %dma_start3A_595 = arith.constant 0 : i32
      %dma_start3A_596 = tpu.memref_slice %arg3[%squeeze3A_581, %dma_start3A_595] : memref<1000000x64xf32, #tpu.memory_space<hbm>> -> memref<1x64xf32, #tpu.memory_space<hbm>>
      tpu.enqueue_dma source(%dma_start3A_596 : memref<1x64xf32, #tpu.memory_space<hbm>>) target(%dma_start3A_594 : memref<1x64xf32, #tpu.memory_space<vmem>>) target_semaphore(%dma_start3A_592 : memref<!tpu.dma_semaphore, #tpu.memory_space<semaphore_mem>>)
      %slice3A_597 = vector.extract_strided_slice %select_n3A_494 {offsets = [6], sizes = [1], strides = [1]} : vector<16xi32> to vector<1xi32>
      %squeeze3A_598 = vector.extract %slice3A_597[0] : i32 from vector<1xi32>
      %sub3A_599 = arith.constant 0 : i32
      %sub3A_600 = arith.subi %mul3A_450, %sub3A_599 : i32
      %add3A_601 = arith.constant 6 : i32
      %add3A_602 = arith.addi %sub3A_600, %add3A_601 : i32
      %dma_start3A_603 = arith.constant 2 : i32
      %dma_start3A_604 = arith.constant 0 : i32
      %dma_start3A_605 = tpu.memref_slice %arg6[%add3A_602, %dma_start3A_604] : memref<512x64xf32, #tpu.memory_space<vmem>> -> memref<1x64xf32, #tpu.memory_space<vmem>>
      %dma_start3A_606 = arith.constant 0 : i32
      %dma_start3A_607 = tpu.memref_slice %arg3[%squeeze3A_598, %dma_start3A_606] : memref<1000000x64xf32, #tpu.memory_space<hbm>> -> memref<1x64xf32, #tpu.memory_space<hbm>>
      %dma_start3A_608 = tpu.memref_slice %arg7[%dma_start3A_603] : memref<4x!tpu.dma_semaphore, #tpu.memory_space<semaphore_mem>> -> memref<1x!tpu.dma_semaphore, #tpu.memory_space<semaphore_mem>>
      %dma_start3A_609 = tpu.memref_squeeze %dma_start3A_608 : memref<1x!tpu.dma_semaphore, #tpu.memory_space<semaphore_mem>> -> memref<!tpu.dma_semaphore, #tpu.memory_space<semaphore_mem>>
      %dma_start3A_610 = arith.constant 0 : i32
      %dma_start3A_611 = tpu.memref_slice %arg6[%add3A_602, %dma_start3A_610] : memref<512x64xf32, #tpu.memory_space<vmem>> -> memref<1x64xf32, #tpu.memory_space<vmem>>
      %dma_start3A_612 = arith.constant 0 : i32
      %dma_start3A_613 = tpu.memref_slice %arg3[%squeeze3A_598, %dma_start3A_612] : memref<1000000x64xf32, #tpu.memory_space<hbm>> -> memref<1x64xf32, #tpu.memory_space<hbm>>
      tpu.enqueue_dma source(%dma_start3A_613 : memref<1x64xf32, #tpu.memory_space<hbm>>) target(%dma_start3A_611 : memref<1x64xf32, #tpu.memory_space<vmem>>) target_semaphore(%dma_start3A_609 : memref<!tpu.dma_semaphore, #tpu.memory_space<semaphore_mem>>)
      %slice3A_614 = vector.extract_strided_slice %select_n3A_494 {offsets = [7], sizes = [1], strides = [1]} : vector<16xi32> to vector<1xi32>
      %squeeze3A_615 = vector.extract %slice3A_614[0] : i32 from vector<1xi32>
      %sub3A_616 = arith.constant 0 : i32
      %sub3A_617 = arith.subi %mul3A_450, %sub3A_616 : i32
      %add3A_618 = arith.constant 7 : i32
      %add3A_619 = arith.addi %sub3A_617, %add3A_618 : i32
      %dma_start3A_620 = arith.constant 3 : i32
      %dma_start3A_621 = arith.constant 0 : i32
      %dma_start3A_622 = tpu.memref_slice %arg6[%add3A_619, %dma_start3A_621] : memref<512x64xf32, #tpu.memory_space<vmem>> -> memref<1x64xf32, #tpu.memory_space<vmem>>
      %dma_start3A_623 = arith.constant 0 : i32
      %dma_start3A_624 = tpu.memref_slice %arg3[%squeeze3A_615, %dma_start3A_623] : memref<1000000x64xf32, #tpu.memory_space<hbm>> -> memref<1x64xf32, #tpu.memory_space<hbm>>
      %dma_start3A_625 = tpu.memref_slice %arg7[%dma_start3A_620] : memref<4x!tpu.dma_semaphore, #tpu.memory_space<semaphore_mem>> -> memref<1x!tpu.dma_semaphore, #tpu.memory_space<semaphore_mem>>
      %dma_start3A_626 = tpu.memref_squeeze %dma_start3A_625 : memref<1x!tpu.dma_semaphore, #tpu.memory_space<semaphore_mem>> -> memref<!tpu.dma_semaphore, #tpu.memory_space<semaphore_mem>>
      %dma_start3A_627 = arith.constant 0 : i32
      %dma_start3A_628 = tpu.memref_slice %arg6[%add3A_619, %dma_start3A_627] : memref<512x64xf32, #tpu.memory_space<vmem>> -> memref<1x64xf32, #tpu.memory_space<vmem>>
      %dma_start3A_629 = arith.constant 0 : i32
      %dma_start3A_630 = tpu.memref_slice %arg3[%squeeze3A_615, %dma_start3A_629] : memref<1000000x64xf32, #tpu.memory_space<hbm>> -> memref<1x64xf32, #tpu.memory_space<hbm>>
      tpu.enqueue_dma source(%dma_start3A_630 : memref<1x64xf32, #tpu.memory_space<hbm>>) target(%dma_start3A_628 : memref<1x64xf32, #tpu.memory_space<vmem>>) target_semaphore(%dma_start3A_626 : memref<!tpu.dma_semaphore, #tpu.memory_space<semaphore_mem>>)
      %slice3A_631 = vector.extract_strided_slice %select_n3A_494 {offsets = [8], sizes = [1], strides = [1]} : vector<16xi32> to vector<1xi32>
      %squeeze3A_632 = vector.extract %slice3A_631[0] : i32 from vector<1xi32>
      %sub3A_633 = arith.constant 0 : i32
      %sub3A_634 = arith.subi %mul3A_450, %sub3A_633 : i32
      %add3A_635 = arith.constant 8 : i32
      %add3A_636 = arith.addi %sub3A_634, %add3A_635 : i32
      %dma_start3A_637 = arith.constant 0 : i32
      %dma_start3A_638 = arith.constant 0 : i32
      %dma_start3A_639 = tpu.memref_slice %arg6[%add3A_636, %dma_start3A_638] : memref<512x64xf32, #tpu.memory_space<vmem>> -> memref<1x64xf32, #tpu.memory_space<vmem>>
      %dma_start3A_640 = arith.constant 0 : i32
      %dma_start3A_641 = tpu.memref_slice %arg3[%squeeze3A_632, %dma_start3A_640] : memref<1000000x64xf32, #tpu.memory_space<hbm>> -> memref<1x64xf32, #tpu.memory_space<hbm>>
      %dma_start3A_642 = tpu.memref_slice %arg7[%dma_start3A_637] : memref<4x!tpu.dma_semaphore, #tpu.memory_space<semaphore_mem>> -> memref<1x!tpu.dma_semaphore, #tpu.memory_space<semaphore_mem>>
      %dma_start3A_643 = tpu.memref_squeeze %dma_start3A_642 : memref<1x!tpu.dma_semaphore, #tpu.memory_space<semaphore_mem>> -> memref<!tpu.dma_semaphore, #tpu.memory_space<semaphore_mem>>
      %dma_start3A_644 = arith.constant 0 : i32
      %dma_start3A_645 = tpu.memref_slice %arg6[%add3A_636, %dma_start3A_644] : memref<512x64xf32, #tpu.memory_space<vmem>> -> memref<1x64xf32, #tpu.memory_space<vmem>>
      %dma_start3A_646 = arith.constant 0 : i32
      %dma_start3A_647 = tpu.memref_slice %arg3[%squeeze3A_632, %dma_start3A_646] : memref<1000000x64xf32, #tpu.memory_space<hbm>> -> memref<1x64xf32, #tpu.memory_space<hbm>>
      tpu.enqueue_dma source(%dma_start3A_647 : memref<1x64xf32, #tpu.memory_space<hbm>>) target(%dma_start3A_645 : memref<1x64xf32, #tpu.memory_space<vmem>>) target_semaphore(%dma_start3A_643 : memref<!tpu.dma_semaphore, #tpu.memory_space<semaphore_mem>>)
      %slice3A_648 = vector.extract_strided_slice %select_n3A_494 {offsets = [9], sizes = [1], strides = [1]} : vector<16xi32> to vector<1xi32>
      %squeeze3A_649 = vector.extract %slice3A_648[0] : i32 from vector<1xi32>
      %sub3A_650 = arith.constant 0 : i32
      %sub3A_651 = arith.subi %mul3A_450, %sub3A_650 : i32
      %add3A_652 = arith.constant 9 : i32
      %add3A_653 = arith.addi %sub3A_651, %add3A_652 : i32
      %dma_start3A_654 = arith.constant 1 : i32
      %dma_start3A_655 = arith.constant 0 : i32
      %dma_start3A_656 = tpu.memref_slice %arg6[%add3A_653, %dma_start3A_655] : memref<512x64xf32, #tpu.memory_space<vmem>> -> memref<1x64xf32, #tpu.memory_space<vmem>>
      %dma_start3A_657 = arith.constant 0 : i32
      %dma_start3A_658 = tpu.memref_slice %arg3[%squeeze3A_649, %dma_start3A_657] : memref<1000000x64xf32, #tpu.memory_space<hbm>> -> memref<1x64xf32, #tpu.memory_space<hbm>>
      %dma_start3A_659 = tpu.memref_slice %arg7[%dma_start3A_654] : memref<4x!tpu.dma_semaphore, #tpu.memory_space<semaphore_mem>> -> memref<1x!tpu.dma_semaphore, #tpu.memory_space<semaphore_mem>>
      %dma_start3A_660 = tpu.memref_squeeze %dma_start3A_659 : memref<1x!tpu.dma_semaphore, #tpu.memory_space<semaphore_mem>> -> memref<!tpu.dma_semaphore, #tpu.memory_space<semaphore_mem>>
      %dma_start3A_661 = arith.constant 0 : i32
      %dma_start3A_662 = tpu.memref_slice %arg6[%add3A_653, %dma_start3A_661] : memref<512x64xf32, #tpu.memory_space<vmem>> -> memref<1x64xf32, #tpu.memory_space<vmem>>
      %dma_start3A_663 = arith.constant 0 : i32
      %dma_start3A_664 = tpu.memref_slice %arg3[%squeeze3A_649, %dma_start3A_663] : memref<1000000x64xf32, #tpu.memory_space<hbm>> -> memref<1x64xf32, #tpu.memory_space<hbm>>
      tpu.enqueue_dma source(%dma_start3A_664 : memref<1x64xf32, #tpu.memory_space<hbm>>) target(%dma_start3A_662 : memref<1x64xf32, #tpu.memory_space<vmem>>) target_semaphore(%dma_start3A_660 : memref<!tpu.dma_semaphore, #tpu.memory_space<semaphore_mem>>)
      %slice3A_665 = vector.extract_strided_slice %select_n3A_494 {offsets = [10], sizes = [1], strides = [1]} : vector<16xi32> to vector<1xi32>
      %squeeze3A_666 = vector.extract %slice3A_665[0] : i32 from vector<1xi32>
      %sub3A_667 = arith.constant 0 : i32
      %sub3A_668 = arith.subi %mul3A_450, %sub3A_667 : i32
      %add3A_669 = arith.constant 10 : i32
      %add3A_670 = arith.addi %sub3A_668, %add3A_669 : i32
      %dma_start3A_671 = arith.constant 2 : i32
      %dma_start3A_672 = arith.constant 0 : i32
      %dma_start3A_673 = tpu.memref_slice %arg6[%add3A_670, %dma_start3A_672] : memref<512x64xf32, #tpu.memory_space<vmem>> -> memref<1x64xf32, #tpu.memory_space<vmem>>
      %dma_start3A_674 = arith.constant 0 : i32
      %dma_start3A_675 = tpu.memref_slice %arg3[%squeeze3A_666, %dma_start3A_674] : memref<1000000x64xf32, #tpu.memory_space<hbm>> -> memref<1x64xf32, #tpu.memory_space<hbm>>
      %dma_start3A_676 = tpu.memref_slice %arg7[%dma_start3A_671] : memref<4x!tpu.dma_semaphore, #tpu.memory_space<semaphore_mem>> -> memref<1x!tpu.dma_semaphore, #tpu.memory_space<semaphore_mem>>
      %dma_start3A_677 = tpu.memref_squeeze %dma_start3A_676 : memref<1x!tpu.dma_semaphore, #tpu.memory_space<semaphore_mem>> -> memref<!tpu.dma_semaphore, #tpu.memory_space<semaphore_mem>>
      %dma_start3A_678 = arith.constant 0 : i32
      %dma_start3A_679 = tpu.memref_slice %arg6[%add3A_670, %dma_start3A_678] : memref<512x64xf32, #tpu.memory_space<vmem>> -> memref<1x64xf32, #tpu.memory_space<vmem>>
      %dma_start3A_680 = arith.constant 0 : i32
      %dma_start3A_681 = tpu.memref_slice %arg3[%squeeze3A_666, %dma_start3A_680] : memref<1000000x64xf32, #tpu.memory_space<hbm>> -> memref<1x64xf32, #tpu.memory_space<hbm>>
      tpu.enqueue_dma source(%dma_start3A_681 : memref<1x64xf32, #tpu.memory_space<hbm>>) target(%dma_start3A_679 : memref<1x64xf32, #tpu.memory_space<vmem>>) target_semaphore(%dma_start3A_677 : memref<!tpu.dma_semaphore, #tpu.memory_space<semaphore_mem>>)
      %slice3A_682 = vector.extract_strided_slice %select_n3A_494 {offsets = [11], sizes = [1], strides = [1]} : vector<16xi32> to vector<1xi32>
      %squeeze3A_683 = vector.extract %slice3A_682[0] : i32 from vector<1xi32>
      %sub3A_684 = arith.constant 0 : i32
      %sub3A_685 = arith.subi %mul3A_450, %sub3A_684 : i32
      %add3A_686 = arith.constant 11 : i32
      %add3A_687 = arith.addi %sub3A_685, %add3A_686 : i32
      %dma_start3A_688 = arith.constant 3 : i32
      %dma_start3A_689 = arith.constant 0 : i32
      %dma_start3A_690 = tpu.memref_slice %arg6[%add3A_687, %dma_start3A_689] : memref<512x64xf32, #tpu.memory_space<vmem>> -> memref<1x64xf32, #tpu.memory_space<vmem>>
      %dma_start3A_691 = arith.constant 0 : i32
      %dma_start3A_692 = tpu.memref_slice %arg3[%squeeze3A_683, %dma_start3A_691] : memref<1000000x64xf32, #tpu.memory_space<hbm>> -> memref<1x64xf32, #tpu.memory_space<hbm>>
      %dma_start3A_693 = tpu.memref_slice %arg7[%dma_start3A_688] : memref<4x!tpu.dma_semaphore, #tpu.memory_space<semaphore_mem>> -> memref<1x!tpu.dma_semaphore, #tpu.memory_space<semaphore_mem>>
      %dma_start3A_694 = tpu.memref_squeeze %dma_start3A_693 : memref<1x!tpu.dma_semaphore, #tpu.memory_space<semaphore_mem>> -> memref<!tpu.dma_semaphore, #tpu.memory_space<semaphore_mem>>
      %dma_start3A_695 = arith.constant 0 : i32
      %dma_start3A_696 = tpu.memref_slice %arg6[%add3A_687, %dma_start3A_695] : memref<512x64xf32, #tpu.memory_space<vmem>> -> memref<1x64xf32, #tpu.memory_space<vmem>>
      %dma_start3A_697 = arith.constant 0 : i32
      %dma_start3A_698 = tpu.memref_slice %arg3[%squeeze3A_683, %dma_start3A_697] : memref<1000000x64xf32, #tpu.memory_space<hbm>> -> memref<1x64xf32, #tpu.memory_space<hbm>>
      tpu.enqueue_dma source(%dma_start3A_698 : memref<1x64xf32, #tpu.memory_space<hbm>>) target(%dma_start3A_696 : memref<1x64xf32, #tpu.memory_space<vmem>>) target_semaphore(%dma_start3A_694 : memref<!tpu.dma_semaphore, #tpu.memory_space<semaphore_mem>>)
      %slice3A_699 = vector.extract_strided_slice %select_n3A_494 {offsets = [12], sizes = [1], strides = [1]} : vector<16xi32> to vector<1xi32>
      %squeeze3A_700 = vector.extract %slice3A_699[0] : i32 from vector<1xi32>
      %sub3A_701 = arith.constant 0 : i32
      %sub3A_702 = arith.subi %mul3A_450, %sub3A_701 : i32
      %add3A_703 = arith.constant 12 : i32
      %add3A_704 = arith.addi %sub3A_702, %add3A_703 : i32
      %dma_start3A_705 = arith.constant 0 : i32
      %dma_start3A_706 = arith.constant 0 : i32
      %dma_start3A_707 = tpu.memref_slice %arg6[%add3A_704, %dma_start3A_706] : memref<512x64xf32, #tpu.memory_space<vmem>> -> memref<1x64xf32, #tpu.memory_space<vmem>>
      %dma_start3A_708 = arith.constant 0 : i32
      %dma_start3A_709 = tpu.memref_slice %arg3[%squeeze3A_700, %dma_start3A_708] : memref<1000000x64xf32, #tpu.memory_space<hbm>> -> memref<1x64xf32, #tpu.memory_space<hbm>>
      %dma_start3A_710 = tpu.memref_slice %arg7[%dma_start3A_705] : memref<4x!tpu.dma_semaphore, #tpu.memory_space<semaphore_mem>> -> memref<1x!tpu.dma_semaphore, #tpu.memory_space<semaphore_mem>>
      %dma_start3A_711 = tpu.memref_squeeze %dma_start3A_710 : memref<1x!tpu.dma_semaphore, #tpu.memory_space<semaphore_mem>> -> memref<!tpu.dma_semaphore, #tpu.memory_space<semaphore_mem>>
      %dma_start3A_712 = arith.constant 0 : i32
      %dma_start3A_713 = tpu.memref_slice %arg6[%add3A_704, %dma_start3A_712] : memref<512x64xf32, #tpu.memory_space<vmem>> -> memref<1x64xf32, #tpu.memory_space<vmem>>
      %dma_start3A_714 = arith.constant 0 : i32
      %dma_start3A_715 = tpu.memref_slice %arg3[%squeeze3A_700, %dma_start3A_714] : memref<1000000x64xf32, #tpu.memory_space<hbm>> -> memref<1x64xf32, #tpu.memory_space<hbm>>
      tpu.enqueue_dma source(%dma_start3A_715 : memref<1x64xf32, #tpu.memory_space<hbm>>) target(%dma_start3A_713 : memref<1x64xf32, #tpu.memory_space<vmem>>) target_semaphore(%dma_start3A_711 : memref<!tpu.dma_semaphore, #tpu.memory_space<semaphore_mem>>)
      %slice3A_716 = vector.extract_strided_slice %select_n3A_494 {offsets = [13], sizes = [1], strides = [1]} : vector<16xi32> to vector<1xi32>
      %squeeze3A_717 = vector.extract %slice3A_716[0] : i32 from vector<1xi32>
      %sub3A_718 = arith.constant 0 : i32
      %sub3A_719 = arith.subi %mul3A_450, %sub3A_718 : i32
      %add3A_720 = arith.constant 13 : i32
      %add3A_721 = arith.addi %sub3A_719, %add3A_720 : i32
      %dma_start3A_722 = arith.constant 1 : i32
      %dma_start3A_723 = arith.constant 0 : i32
      %dma_start3A_724 = tpu.memref_slice %arg6[%add3A_721, %dma_start3A_723] : memref<512x64xf32, #tpu.memory_space<vmem>> -> memref<1x64xf32, #tpu.memory_space<vmem>>
      %dma_start3A_725 = arith.constant 0 : i32
      %dma_start3A_726 = tpu.memref_slice %arg3[%squeeze3A_717, %dma_start3A_725] : memref<1000000x64xf32, #tpu.memory_space<hbm>> -> memref<1x64xf32, #tpu.memory_space<hbm>>
      %dma_start3A_727 = tpu.memref_slice %arg7[%dma_start3A_722] : memref<4x!tpu.dma_semaphore, #tpu.memory_space<semaphore_mem>> -> memref<1x!tpu.dma_semaphore, #tpu.memory_space<semaphore_mem>>
      %dma_start3A_728 = tpu.memref_squeeze %dma_start3A_727 : memref<1x!tpu.dma_semaphore, #tpu.memory_space<semaphore_mem>> -> memref<!tpu.dma_semaphore, #tpu.memory_space<semaphore_mem>>
      %dma_start3A_729 = arith.constant 0 : i32
      %dma_start3A_730 = tpu.memref_slice %arg6[%add3A_721, %dma_start3A_729] : memref<512x64xf32, #tpu.memory_space<vmem>> -> memref<1x64xf32, #tpu.memory_space<vmem>>
      %dma_start3A_731 = arith.constant 0 : i32
      %dma_start3A_732 = tpu.memref_slice %arg3[%squeeze3A_717, %dma_start3A_731] : memref<1000000x64xf32, #tpu.memory_space<hbm>> -> memref<1x64xf32, #tpu.memory_space<hbm>>
      tpu.enqueue_dma source(%dma_start3A_732 : memref<1x64xf32, #tpu.memory_space<hbm>>) target(%dma_start3A_730 : memref<1x64xf32, #tpu.memory_space<vmem>>) target_semaphore(%dma_start3A_728 : memref<!tpu.dma_semaphore, #tpu.memory_space<semaphore_mem>>)
      %slice3A_733 = vector.extract_strided_slice %select_n3A_494 {offsets = [14], sizes = [1], strides = [1]} : vector<16xi32> to vector<1xi32>
      %squeeze3A_734 = vector.extract %slice3A_733[0] : i32 from vector<1xi32>
      %sub3A_735 = arith.constant 0 : i32
      %sub3A_736 = arith.subi %mul3A_450, %sub3A_735 : i32
      %add3A_737 = arith.constant 14 : i32
      %add3A_738 = arith.addi %sub3A_736, %add3A_737 : i32
      %dma_start3A_739 = arith.constant 2 : i32
      %dma_start3A_740 = arith.constant 0 : i32
      %dma_start3A_741 = tpu.memref_slice %arg6[%add3A_738, %dma_start3A_740] : memref<512x64xf32, #tpu.memory_space<vmem>> -> memref<1x64xf32, #tpu.memory_space<vmem>>
      %dma_start3A_742 = arith.constant 0 : i32
      %dma_start3A_743 = tpu.memref_slice %arg3[%squeeze3A_734, %dma_start3A_742] : memref<1000000x64xf32, #tpu.memory_space<hbm>> -> memref<1x64xf32, #tpu.memory_space<hbm>>
      %dma_start3A_744 = tpu.memref_slice %arg7[%dma_start3A_739] : memref<4x!tpu.dma_semaphore, #tpu.memory_space<semaphore_mem>> -> memref<1x!tpu.dma_semaphore, #tpu.memory_space<semaphore_mem>>
      %dma_start3A_745 = tpu.memref_squeeze %dma_start3A_744 : memref<1x!tpu.dma_semaphore, #tpu.memory_space<semaphore_mem>> -> memref<!tpu.dma_semaphore, #tpu.memory_space<semaphore_mem>>
      %dma_start3A_746 = arith.constant 0 : i32
      %dma_start3A_747 = tpu.memref_slice %arg6[%add3A_738, %dma_start3A_746] : memref<512x64xf32, #tpu.memory_space<vmem>> -> memref<1x64xf32, #tpu.memory_space<vmem>>
      %dma_start3A_748 = arith.constant 0 : i32
      %dma_start3A_749 = tpu.memref_slice %arg3[%squeeze3A_734, %dma_start3A_748] : memref<1000000x64xf32, #tpu.memory_space<hbm>> -> memref<1x64xf32, #tpu.memory_space<hbm>>
      tpu.enqueue_dma source(%dma_start3A_749 : memref<1x64xf32, #tpu.memory_space<hbm>>) target(%dma_start3A_747 : memref<1x64xf32, #tpu.memory_space<vmem>>) target_semaphore(%dma_start3A_745 : memref<!tpu.dma_semaphore, #tpu.memory_space<semaphore_mem>>)
      %slice3A_750 = vector.extract_strided_slice %select_n3A_494 {offsets = [15], sizes = [1], strides = [1]} : vector<16xi32> to vector<1xi32>
      %squeeze3A_751 = vector.extract %slice3A_750[0] : i32 from vector<1xi32>
      %sub3A_752 = arith.constant 0 : i32
      %sub3A_753 = arith.subi %mul3A_450, %sub3A_752 : i32
      %add3A_754 = arith.constant 15 : i32
      %add3A_755 = arith.addi %sub3A_753, %add3A_754 : i32
      %dma_start3A_756 = arith.constant 3 : i32
      %dma_start3A_757 = arith.constant 0 : i32
      %dma_start3A_758 = tpu.memref_slice %arg6[%add3A_755, %dma_start3A_757] : memref<512x64xf32, #tpu.memory_space<vmem>> -> memref<1x64xf32, #tpu.memory_space<vmem>>
      %dma_start3A_759 = arith.constant 0 : i32
      %dma_start3A_760 = tpu.memref_slice %arg3[%squeeze3A_751, %dma_start3A_759] : memref<1000000x64xf32, #tpu.memory_space<hbm>> -> memref<1x64xf32, #tpu.memory_space<hbm>>
      %dma_start3A_761 = tpu.memref_slice %arg7[%dma_start3A_756] : memref<4x!tpu.dma_semaphore, #tpu.memory_space<semaphore_mem>> -> memref<1x!tpu.dma_semaphore, #tpu.memory_space<semaphore_mem>>
      %dma_start3A_762 = tpu.memref_squeeze %dma_start3A_761 : memref<1x!tpu.dma_semaphore, #tpu.memory_space<semaphore_mem>> -> memref<!tpu.dma_semaphore, #tpu.memory_space<semaphore_mem>>
      %dma_start3A_763 = arith.constant 0 : i32
      %dma_start3A_764 = tpu.memref_slice %arg6[%add3A_755, %dma_start3A_763] : memref<512x64xf32, #tpu.memory_space<vmem>> -> memref<1x64xf32, #tpu.memory_space<vmem>>
      %dma_start3A_765 = arith.constant 0 : i32
      %dma_start3A_766 = tpu.memref_slice %arg3[%squeeze3A_751, %dma_start3A_765] : memref<1000000x64xf32, #tpu.memory_space<hbm>> -> memref<1x64xf32, #tpu.memory_space<hbm>>
      tpu.enqueue_dma source(%dma_start3A_766 : memref<1x64xf32, #tpu.memory_space<hbm>>) target(%dma_start3A_764 : memref<1x64xf32, #tpu.memory_space<vmem>>) target_semaphore(%dma_start3A_762 : memref<!tpu.dma_semaphore, #tpu.memory_space<semaphore_mem>>)
      %scan3A_767 = arith.constant 0 : i32
      scf.yield %scan3A_767 : i32
    }
    %scan3A_8 = arith.constant 32 : i32
    %dma_wait3A = arith.constant 0 : i32
    %dma_wait3A_9 = arith.constant 0 : i32
    %dma_wait3A_10 = arith.constant 0 : i32
    %dma_wait3A_11 = tpu.memref_slice %arg6[%dma_wait3A_9, %dma_wait3A_10] : memref<512x64xf32, #tpu.memory_space<vmem>> -> memref<128x64xf32, #tpu.memory_space<vmem>>
    %dma_wait3A_12 = arith.constant 0 : i32
    %dma_wait3A_13 = arith.constant 0 : i32
    %dma_wait3A_14 = tpu.memref_slice %arg3[%dma_wait3A_12, %dma_wait3A_13] : memref<1000000x64xf32, #tpu.memory_space<hbm>> -> memref<128x64xf32, #tpu.memory_space<hbm>>
    %dma_wait3A_15 = tpu.memref_slice %arg7[%dma_wait3A] : memref<4x!tpu.dma_semaphore, #tpu.memory_space<semaphore_mem>> -> memref<1x!tpu.dma_semaphore, #tpu.memory_space<semaphore_mem>>
    %dma_wait3A_16 = tpu.memref_squeeze %dma_wait3A_15 : memref<1x!tpu.dma_semaphore, #tpu.memory_space<semaphore_mem>> -> memref<!tpu.dma_semaphore, #tpu.memory_space<semaphore_mem>>
    %dma_wait3A_17 = arith.constant 0 : i32
    %dma_wait3A_18 = arith.constant 0 : i32
    %dma_wait3A_19 = tpu.memref_slice %arg6[%dma_wait3A_17, %dma_wait3A_18] : memref<512x64xf32, #tpu.memory_space<vmem>> -> memref<128x64xf32, #tpu.memory_space<vmem>>
    %dma_wait3A_20 = arith.constant 0 : i32
    %dma_wait3A_21 = arith.constant 0 : i32
    %dma_wait3A_22 = tpu.memref_slice %arg3[%dma_wait3A_20, %dma_wait3A_21] : memref<1000000x64xf32, #tpu.memory_space<hbm>> -> memref<128x64xf32, #tpu.memory_space<hbm>>
    tpu.wait_dma2 semaphore(%dma_wait3A_16 : memref<!tpu.dma_semaphore, #tpu.memory_space<semaphore_mem>>) src(%dma_wait3A_22 : memref<128x64xf32, #tpu.memory_space<hbm>>) dst(%dma_wait3A_19 : memref<128x64xf32, #tpu.memory_space<vmem>>)
    %dma_wait3A_23 = arith.constant 1 : i32
    %dma_wait3A_24 = arith.constant 128 : i32
    %dma_wait3A_25 = arith.constant 0 : i32
    %dma_wait3A_26 = tpu.memref_slice %arg6[%dma_wait3A_24, %dma_wait3A_25] : memref<512x64xf32, #tpu.memory_space<vmem>> -> memref<128x64xf32, #tpu.memory_space<vmem>>
    %dma_wait3A_27 = arith.constant 0 : i32
    %dma_wait3A_28 = arith.constant 0 : i32
    %dma_wait3A_29 = tpu.memref_slice %arg3[%dma_wait3A_27, %dma_wait3A_28] : memref<1000000x64xf32, #tpu.memory_space<hbm>> -> memref<128x64xf32, #tpu.memory_space<hbm>>
    %dma_wait3A_30 = tpu.memref_slice %arg7[%dma_wait3A_23] : memref<4x!tpu.dma_semaphore, #tpu.memory_space<semaphore_mem>> -> memref<1x!tpu.dma_semaphore, #tpu.memory_space<semaphore_mem>>
    %dma_wait3A_31 = tpu.memref_squeeze %dma_wait3A_30 : memref<1x!tpu.dma_semaphore, #tpu.memory_space<semaphore_mem>> -> memref<!tpu.dma_semaphore, #tpu.memory_space<semaphore_mem>>
    %dma_wait3A_32 = arith.constant 128 : i32
    %dma_wait3A_33 = arith.constant 0 : i32
    %dma_wait3A_34 = tpu.memref_slice %arg6[%dma_wait3A_32, %dma_wait3A_33] : memref<512x64xf32, #tpu.memory_space<vmem>> -> memref<128x64xf32, #tpu.memory_space<vmem>>
    %dma_wait3A_35 = arith.constant 0 : i32
    %dma_wait3A_36 = arith.constant 0 : i32
    %dma_wait3A_37 = tpu.memref_slice %arg3[%dma_wait3A_35, %dma_wait3A_36] : memref<1000000x64xf32, #tpu.memory_space<hbm>> -> memref<128x64xf32, #tpu.memory_space<hbm>>
    tpu.wait_dma2 semaphore(%dma_wait3A_31 : memref<!tpu.dma_semaphore, #tpu.memory_space<semaphore_mem>>) src(%dma_wait3A_37 : memref<128x64xf32, #tpu.memory_space<hbm>>) dst(%dma_wait3A_34 : memref<128x64xf32, #tpu.memory_space<vmem>>)
    %dma_wait3A_38 = arith.constant 2 : i32
    %dma_wait3A_39 = arith.constant 256 : i32
    %dma_wait3A_40 = arith.constant 0 : i32
    %dma_wait3A_41 = tpu.memref_slice %arg6[%dma_wait3A_39, %dma_wait3A_40] : memref<512x64xf32, #tpu.memory_space<vmem>> -> memref<128x64xf32, #tpu.memory_space<vmem>>
    %dma_wait3A_42 = arith.constant 0 : i32
    %dma_wait3A_43 = arith.constant 0 : i32
    %dma_wait3A_44 = tpu.memref_slice %arg3[%dma_wait3A_42, %dma_wait3A_43] : memref<1000000x64xf32, #tpu.memory_space<hbm>> -> memref<128x64xf32, #tpu.memory_space<hbm>>
    %dma_wait3A_45 = tpu.memref_slice %arg7[%dma_wait3A_38] : memref<4x!tpu.dma_semaphore, #tpu.memory_space<semaphore_mem>> -> memref<1x!tpu.dma_semaphore, #tpu.memory_space<semaphore_mem>>
    %dma_wait3A_46 = tpu.memref_squeeze %dma_wait3A_45 : memref<1x!tpu.dma_semaphore, #tpu.memory_space<semaphore_mem>> -> memref<!tpu.dma_semaphore, #tpu.memory_space<semaphore_mem>>
    %dma_wait3A_47 = arith.constant 256 : i32
    %dma_wait3A_48 = arith.constant 0 : i32
    %dma_wait3A_49 = tpu.memref_slice %arg6[%dma_wait3A_47, %dma_wait3A_48] : memref<512x64xf32, #tpu.memory_space<vmem>> -> memref<128x64xf32, #tpu.memory_space<vmem>>
    %dma_wait3A_50 = arith.constant 0 : i32
    %dma_wait3A_51 = arith.constant 0 : i32
    %dma_wait3A_52 = tpu.memref_slice %arg3[%dma_wait3A_50, %dma_wait3A_51] : memref<1000000x64xf32, #tpu.memory_space<hbm>> -> memref<128x64xf32, #tpu.memory_space<hbm>>
    tpu.wait_dma2 semaphore(%dma_wait3A_46 : memref<!tpu.dma_semaphore, #tpu.memory_space<semaphore_mem>>) src(%dma_wait3A_52 : memref<128x64xf32, #tpu.memory_space<hbm>>) dst(%dma_wait3A_49 : memref<128x64xf32, #tpu.memory_space<vmem>>)
    %dma_wait3A_53 = arith.constant 3 : i32
    %dma_wait3A_54 = arith.constant 384 : i32
    %dma_wait3A_55 = arith.constant 0 : i32
    %dma_wait3A_56 = tpu.memref_slice %arg6[%dma_wait3A_54, %dma_wait3A_55] : memref<512x64xf32, #tpu.memory_space<vmem>> -> memref<128x64xf32, #tpu.memory_space<vmem>>
    %dma_wait3A_57 = arith.constant 0 : i32
    %dma_wait3A_58 = arith.constant 0 : i32
    %dma_wait3A_59 = tpu.memref_slice %arg3[%dma_wait3A_57, %dma_wait3A_58] : memref<1000000x64xf32, #tpu.memory_space<hbm>> -> memref<128x64xf32, #tpu.memory_space<hbm>>
    %dma_wait3A_60 = tpu.memref_slice %arg7[%dma_wait3A_53] : memref<4x!tpu.dma_semaphore, #tpu.memory_space<semaphore_mem>> -> memref<1x!tpu.dma_semaphore, #tpu.memory_space<semaphore_mem>>
    %dma_wait3A_61 = tpu.memref_squeeze %dma_wait3A_60 : memref<1x!tpu.dma_semaphore, #tpu.memory_space<semaphore_mem>> -> memref<!tpu.dma_semaphore, #tpu.memory_space<semaphore_mem>>
    %dma_wait3A_62 = arith.constant 384 : i32
    %dma_wait3A_63 = arith.constant 0 : i32
    %dma_wait3A_64 = tpu.memref_slice %arg6[%dma_wait3A_62, %dma_wait3A_63] : memref<512x64xf32, #tpu.memory_space<vmem>> -> memref<128x64xf32, #tpu.memory_space<vmem>>
    %dma_wait3A_65 = arith.constant 0 : i32
    %dma_wait3A_66 = arith.constant 0 : i32
    %dma_wait3A_67 = tpu.memref_slice %arg3[%dma_wait3A_65, %dma_wait3A_66] : memref<1000000x64xf32, #tpu.memory_space<hbm>> -> memref<128x64xf32, #tpu.memory_space<hbm>>
    tpu.wait_dma2 semaphore(%dma_wait3A_61 : memref<!tpu.dma_semaphore, #tpu.memory_space<semaphore_mem>>) src(%dma_wait3A_67 : memref<128x64xf32, #tpu.memory_space<hbm>>) dst(%dma_wait3A_64 : memref<128x64xf32, #tpu.memory_space<vmem>>)
    %add3A_68 = arith.constant 0 : i32
    %add3A_69 = arith.addi %mul3A_2, %add3A_68 : i32
    "tpu.region"() ({
      %run_scoped3A = tpu.sem_alloc : memref<!tpu.dma_semaphore, #tpu.memory_space<semaphore_mem>>
      %dma_start3A = arith.constant 0 : i32
      %dma_start3A_139 = tpu.memref_slice %arg4[%add3A_69, %dma_start3A] : memref<32768x64xf32, #tpu.memory_space<hbm>> -> memref<512x64xf32, #tpu.memory_space<hbm>>
      %dma_start3A_140 = arith.constant 0 : i32
      %dma_start3A_141 = tpu.memref_slice %arg4[%add3A_69, %dma_start3A_140] : memref<32768x64xf32, #tpu.memory_space<hbm>> -> memref<512x64xf32, #tpu.memory_space<hbm>>
      tpu.enqueue_dma source(%arg6 : memref<512x64xf32, #tpu.memory_space<vmem>>) target(%dma_start3A_141 : memref<512x64xf32, #tpu.memory_space<hbm>>) target_semaphore(%run_scoped3A : memref<!tpu.dma_semaphore, #tpu.memory_space<semaphore_mem>>)
      %dma_wait3A_142 = arith.constant 0 : i32
      %dma_wait3A_143 = tpu.memref_slice %arg4[%add3A_69, %dma_wait3A_142] : memref<32768x64xf32, #tpu.memory_space<hbm>> -> memref<512x64xf32, #tpu.memory_space<hbm>>
      %dma_wait3A_144 = arith.constant 0 : i32
      %dma_wait3A_145 = tpu.memref_slice %arg4[%add3A_69, %dma_wait3A_144] : memref<32768x64xf32, #tpu.memory_space<hbm>> -> memref<512x64xf32, #tpu.memory_space<hbm>>
      tpu.wait_dma2 semaphore(%run_scoped3A : memref<!tpu.dma_semaphore, #tpu.memory_space<semaphore_mem>>) src(%arg6 : memref<512x64xf32, #tpu.memory_space<vmem>>) dst(%dma_wait3A_145 : memref<512x64xf32, #tpu.memory_space<hbm>>)
      tpu.yield
    }) : () -> ()
    %scan3A_70 = arith.constant 0 : i32
    %scan3A_71 = arith.constant 32 : i32
    %scan3A_72 = arith.constant 32 : i32
    %scan3A_73 = arith.addi %scan3A_71, %scan3A_72 : i32
    %scan3A_74 = arith.constant 2 : i32
    %scan3A_75 = scf.for %scan3A_139 = %scan3A_71 to %scan3A_73 step %scan3A_74 iter_args(%scan3A_140 = %scan3A_70) -> (i32)  : i32 {
      %mul3A_141 = arith.constant 16 : i32
      %mul3A_142 = arith.muli %scan3A_139, %mul3A_141 : i32
      %add3A_143 = arith.constant 8 : i32
      %add3A_144 = arith.addi %mul3A_142, %add3A_143 : i32
      %get3A = arith.index_cast %add3A_144 : i32 to index
      %get3A_145 = tpu.vector_load %arg5[%get3A] {strides = array<i32>} : memref<1032xi32, #tpu.memory_space<vmem>>, vector<16xi32>,
      %add3A_146 = arith.constant 7 : i32
      %add3A_147 = arith.addi %mul3A_142, %add3A_146 : i32
      %get3A_148 = arith.index_cast %add3A_147 : i32 to index
      %get3A_149 = tpu.vector_load %arg5[%get3A_148] {strides = array<i32>} : memref<1032xi32, #tpu.memory_space<vmem>>, vector<16xi32>,
      %add3A_150 = arith.addi %mul3A_2, %mul3A_142 : i32
      %add3A_151 = vector.broadcast %add3A_150 : i32 to vector<16xi32>
      %add3A_152 = arith.addi %add3A_151, %iota3A : vector<16xi32>
      %and3A = arith.constant 8191 : i32
      %and3A_153 = vector.broadcast %and3A : i32 to vector<16xi32>
      %and3A_154 = arith.andi %add3A_152, %and3A_153 : vector<16xi32>
      %min3A = arith.constant 1 : i32
      %min3A_155 = vector.broadcast %min3A : i32 to vector<16xi32>
      %min3A_156 = arith.minsi %and3A_154, %min3A_155 : vector<16xi32>
      %mul3A_157 = arith.muli %get3A_149, %min3A_156 : vector<16xi32>
      %mul3A_158 = arith.constant 31 : i32
      %mul3A_159 = vector.broadcast %mul3A_158 : i32 to vector<16xi32>
      %mul3A_160 = arith.muli %mul3A_157, %mul3A_159 : vector<16xi32>
      %add3A_161 = arith.addi %mul3A_160, %get3A_145 : vector<16xi32>
      %jit3A = arith.constant 1000000 : i32
      %eq3A = arith.constant 0 : i32
      %eq3A_162 = arith.cmpi eq, %jit3A, %eq3A : i32
      %jit3A_163 = arith.constant 1 : i32
      %select_n3A = arith.select %eq3A_162, %jit3A_163, %jit3A : i32
      %rem3A = vector.broadcast %select_n3A : i32 to vector<16xi32>
      %rem3A_164 = arith.remsi %add3A_161, %rem3A : vector<16xi32>
      %ne3A = arith.constant 0 : i32
      %ne3A_165 = vector.broadcast %ne3A : i32 to vector<16xi32>
      %ne3A_166 = arith.cmpi ne, %rem3A_164, %ne3A_165 : vector<16xi32>
      %lt3A = arith.constant 0 : i32
      %lt3A_167 = vector.broadcast %lt3A : i32 to vector<16xi32>
      %lt3A_168 = arith.cmpi slt, %rem3A_164, %lt3A_167 : vector<16xi32>
      %lt3A_169 = arith.constant 0 : i32
      %lt3A_170 = arith.cmpi slt, %select_n3A, %lt3A_169 : i32
      %ne3A_171 = vector.broadcast %lt3A_170 : i1 to vector<16xi1>
      %ne3A_172 = vector.broadcast %ne3A_171 : vector<16xi1> to vector<16xi1>
      %ne3A_173 = arith.xori %lt3A_168, %ne3A_172 : vector<16xi1>
      %and3A_174 = arith.andi %ne3A_173, %ne3A_166 : vector<16xi1>
      %add3A_175 = vector.broadcast %select_n3A : i32 to vector<16xi32>
      %add3A_176 = arith.addi %rem3A_164, %add3A_175 : vector<16xi32>
      %select_n3A_177 = arith.select %and3A_174, %add3A_176, %rem3A_164 : vector<16xi1>, vector<16xi32>
      %slice3A = vector.extract_strided_slice %select_n3A_177 {offsets = [0], sizes = [1], strides = [1]} : vector<16xi32> to vector<1xi32>
      %squeeze3A = vector.extract %slice3A[0] : i32 from vector<1xi32>
      %sub3A = arith.constant 512 : i32
      %sub3A_178 = arith.subi %mul3A_142, %sub3A : i32
      %add3A_179 = arith.constant 0 : i32
      %add3A_180 = arith.addi %sub3A_178, %add3A_179 : i32
      %dma_start3A = arith.constant 0 : i32
      %dma_start3A_181 = arith.constant 0 : i32
      %dma_start3A_182 = tpu.memref_slice %arg6[%add3A_180, %dma_start3A_181] : memref<512x64xf32, #tpu.memory_space<vmem>> -> memref<1x64xf32, #tpu.memory_space<vmem>>
      %dma_start3A_183 = arith.constant 0 : i32
      %dma_start3A_184 = tpu.memref_slice %arg3[%squeeze3A, %dma_start3A_183] : memref<1000000x64xf32, #tpu.memory_space<hbm>> -> memref<1x64xf32, #tpu.memory_space<hbm>>
      %dma_start3A_185 = tpu.memref_slice %arg7[%dma_start3A] : memref<4x!tpu.dma_semaphore, #tpu.memory_space<semaphore_mem>> -> memref<1x!tpu.dma_semaphore, #tpu.memory_space<semaphore_mem>>
      %dma_start3A_186 = tpu.memref_squeeze %dma_start3A_185 : memref<1x!tpu.dma_semaphore, #tpu.memory_space<semaphore_mem>> -> memref<!tpu.dma_semaphore, #tpu.memory_space<semaphore_mem>>
      %dma_start3A_187 = arith.constant 0 : i32
      %dma_start3A_188 = tpu.memref_slice %arg6[%add3A_180, %dma_start3A_187] : memref<512x64xf32, #tpu.memory_space<vmem>> -> memref<1x64xf32, #tpu.memory_space<vmem>>
      %dma_start3A_189 = arith.constant 0 : i32
      %dma_start3A_190 = tpu.memref_slice %arg3[%squeeze3A, %dma_start3A_189] : memref<1000000x64xf32, #tpu.memory_space<hbm>> -> memref<1x64xf32, #tpu.memory_space<hbm>>
      tpu.enqueue_dma source(%dma_start3A_190 : memref<1x64xf32, #tpu.memory_space<hbm>>) target(%dma_start3A_188 : memref<1x64xf32, #tpu.memory_space<vmem>>) target_semaphore(%dma_start3A_186 : memref<!tpu.dma_semaphore, #tpu.memory_space<semaphore_mem>>)
      %slice3A_191 = vector.extract_strided_slice %select_n3A_177 {offsets = [1], sizes = [1], strides = [1]} : vector<16xi32> to vector<1xi32>
      %squeeze3A_192 = vector.extract %slice3A_191[0] : i32 from vector<1xi32>
      %sub3A_193 = arith.constant 512 : i32
      %sub3A_194 = arith.subi %mul3A_142, %sub3A_193 : i32
      %add3A_195 = arith.constant 1 : i32
      %add3A_196 = arith.addi %sub3A_194, %add3A_195 : i32
      %dma_start3A_197 = arith.constant 1 : i32
      %dma_start3A_198 = arith.constant 0 : i32
      %dma_start3A_199 = tpu.memref_slice %arg6[%add3A_196, %dma_start3A_198] : memref<512x64xf32, #tpu.memory_space<vmem>> -> memref<1x64xf32, #tpu.memory_space<vmem>>
      %dma_start3A_200 = arith.constant 0 : i32
      %dma_start3A_201 = tpu.memref_slice %arg3[%squeeze3A_192, %dma_start3A_200] : memref<1000000x64xf32, #tpu.memory_space<hbm>> -> memref<1x64xf32, #tpu.memory_space<hbm>>
      %dma_start3A_202 = tpu.memref_slice %arg7[%dma_start3A_197] : memref<4x!tpu.dma_semaphore, #tpu.memory_space<semaphore_mem>> -> memref<1x!tpu.dma_semaphore, #tpu.memory_space<semaphore_mem>>
      %dma_start3A_203 = tpu.memref_squeeze %dma_start3A_202 : memref<1x!tpu.dma_semaphore, #tpu.memory_space<semaphore_mem>> -> memref<!tpu.dma_semaphore, #tpu.memory_space<semaphore_mem>>
      %dma_start3A_204 = arith.constant 0 : i32
      %dma_start3A_205 = tpu.memref_slice %arg6[%add3A_196, %dma_start3A_204] : memref<512x64xf32, #tpu.memory_space<vmem>> -> memref<1x64xf32, #tpu.memory_space<vmem>>
      %dma_start3A_206 = arith.constant 0 : i32
      %dma_start3A_207 = tpu.memref_slice %arg3[%squeeze3A_192, %dma_start3A_206] : memref<1000000x64xf32, #tpu.memory_space<hbm>> -> memref<1x64xf32, #tpu.memory_space<hbm>>
      tpu.enqueue_dma source(%dma_start3A_207 : memref<1x64xf32, #tpu.memory_space<hbm>>) target(%dma_start3A_205 : memref<1x64xf32, #tpu.memory_space<vmem>>) target_semaphore(%dma_start3A_203 : memref<!tpu.dma_semaphore, #tpu.memory_space<semaphore_mem>>)
      %slice3A_208 = vector.extract_strided_slice %select_n3A_177 {offsets = [2], sizes = [1], strides = [1]} : vector<16xi32> to vector<1xi32>
      %squeeze3A_209 = vector.extract %slice3A_208[0] : i32 from vector<1xi32>
      %sub3A_210 = arith.constant 512 : i32
      %sub3A_211 = arith.subi %mul3A_142, %sub3A_210 : i32
      %add3A_212 = arith.constant 2 : i32
      %add3A_213 = arith.addi %sub3A_211, %add3A_212 : i32
      %dma_start3A_214 = arith.constant 2 : i32
      %dma_start3A_215 = arith.constant 0 : i32
      %dma_start3A_216 = tpu.memref_slice %arg6[%add3A_213, %dma_start3A_215] : memref<512x64xf32, #tpu.memory_space<vmem>> -> memref<1x64xf32, #tpu.memory_space<vmem>>
      %dma_start3A_217 = arith.constant 0 : i32
      %dma_start3A_218 = tpu.memref_slice %arg3[%squeeze3A_209, %dma_start3A_217] : memref<1000000x64xf32, #tpu.memory_space<hbm>> -> memref<1x64xf32, #tpu.memory_space<hbm>>
      %dma_start3A_219 = tpu.memref_slice %arg7[%dma_start3A_214] : memref<4x!tpu.dma_semaphore, #tpu.memory_space<semaphore_mem>> -> memref<1x!tpu.dma_semaphore, #tpu.memory_space<semaphore_mem>>
      %dma_start3A_220 = tpu.memref_squeeze %dma_start3A_219 : memref<1x!tpu.dma_semaphore, #tpu.memory_space<semaphore_mem>> -> memref<!tpu.dma_semaphore, #tpu.memory_space<semaphore_mem>>
      %dma_start3A_221 = arith.constant 0 : i32
      %dma_start3A_222 = tpu.memref_slice %arg6[%add3A_213, %dma_start3A_221] : memref<512x64xf32, #tpu.memory_space<vmem>> -> memref<1x64xf32, #tpu.memory_space<vmem>>
      %dma_start3A_223 = arith.constant 0 : i32
      %dma_start3A_224 = tpu.memref_slice %arg3[%squeeze3A_209, %dma_start3A_223] : memref<1000000x64xf32, #tpu.memory_space<hbm>> -> memref<1x64xf32, #tpu.memory_space<hbm>>
      tpu.enqueue_dma source(%dma_start3A_224 : memref<1x64xf32, #tpu.memory_space<hbm>>) target(%dma_start3A_222 : memref<1x64xf32, #tpu.memory_space<vmem>>) target_semaphore(%dma_start3A_220 : memref<!tpu.dma_semaphore, #tpu.memory_space<semaphore_mem>>)
      %slice3A_225 = vector.extract_strided_slice %select_n3A_177 {offsets = [3], sizes = [1], strides = [1]} : vector<16xi32> to vector<1xi32>
      %squeeze3A_226 = vector.extract %slice3A_225[0] : i32 from vector<1xi32>
      %sub3A_227 = arith.constant 512 : i32
      %sub3A_228 = arith.subi %mul3A_142, %sub3A_227 : i32
      %add3A_229 = arith.constant 3 : i32
      %add3A_230 = arith.addi %sub3A_228, %add3A_229 : i32
      %dma_start3A_231 = arith.constant 3 : i32
      %dma_start3A_232 = arith.constant 0 : i32
      %dma_start3A_233 = tpu.memref_slice %arg6[%add3A_230, %dma_start3A_232] : memref<512x64xf32, #tpu.memory_space<vmem>> -> memref<1x64xf32, #tpu.memory_space<vmem>>
      %dma_start3A_234 = arith.constant 0 : i32
      %dma_start3A_235 = tpu.memref_slice %arg3[%squeeze3A_226, %dma_start3A_234] : memref<1000000x64xf32, #tpu.memory_space<hbm>> -> memref<1x64xf32, #tpu.memory_space<hbm>>
      %dma_start3A_236 = tpu.memref_slice %arg7[%dma_start3A_231] : memref<4x!tpu.dma_semaphore, #tpu.memory_space<semaphore_mem>> -> memref<1x!tpu.dma_semaphore, #tpu.memory_space<semaphore_mem>>
      %dma_start3A_237 = tpu.memref_squeeze %dma_start3A_236 : memref<1x!tpu.dma_semaphore, #tpu.memory_space<semaphore_mem>> -> memref<!tpu.dma_semaphore, #tpu.memory_space<semaphore_mem>>
      %dma_start3A_238 = arith.constant 0 : i32
      %dma_start3A_239 = tpu.memref_slice %arg6[%add3A_230, %dma_start3A_238] : memref<512x64xf32, #tpu.memory_space<vmem>> -> memref<1x64xf32, #tpu.memory_space<vmem>>
      %dma_start3A_240 = arith.constant 0 : i32
      %dma_start3A_241 = tpu.memref_slice %arg3[%squeeze3A_226, %dma_start3A_240] : memref<1000000x64xf32, #tpu.memory_space<hbm>> -> memref<1x64xf32, #tpu.memory_space<hbm>>
      tpu.enqueue_dma source(%dma_start3A_241 : memref<1x64xf32, #tpu.memory_space<hbm>>) target(%dma_start3A_239 : memref<1x64xf32, #tpu.memory_space<vmem>>) target_semaphore(%dma_start3A_237 : memref<!tpu.dma_semaphore, #tpu.memory_space<semaphore_mem>>)
      %slice3A_242 = vector.extract_strided_slice %select_n3A_177 {offsets = [4], sizes = [1], strides = [1]} : vector<16xi32> to vector<1xi32>
      %squeeze3A_243 = vector.extract %slice3A_242[0] : i32 from vector<1xi32>
      %sub3A_244 = arith.constant 512 : i32
      %sub3A_245 = arith.subi %mul3A_142, %sub3A_244 : i32
      %add3A_246 = arith.constant 4 : i32
      %add3A_247 = arith.addi %sub3A_245, %add3A_246 : i32
      %dma_start3A_248 = arith.constant 0 : i32
      %dma_start3A_249 = arith.constant 0 : i32
      %dma_start3A_250 = tpu.memref_slice %arg6[%add3A_247, %dma_start3A_249] : memref<512x64xf32, #tpu.memory_space<vmem>> -> memref<1x64xf32, #tpu.memory_space<vmem>>
      %dma_start3A_251 = arith.constant 0 : i32
      %dma_start3A_252 = tpu.memref_slice %arg3[%squeeze3A_243, %dma_start3A_251] : memref<1000000x64xf32, #tpu.memory_space<hbm>> -> memref<1x64xf32, #tpu.memory_space<hbm>>
      %dma_start3A_253 = tpu.memref_slice %arg7[%dma_start3A_248] : memref<4x!tpu.dma_semaphore, #tpu.memory_space<semaphore_mem>> -> memref<1x!tpu.dma_semaphore, #tpu.memory_space<semaphore_mem>>
      %dma_start3A_254 = tpu.memref_squeeze %dma_start3A_253 : memref<1x!tpu.dma_semaphore, #tpu.memory_space<semaphore_mem>> -> memref<!tpu.dma_semaphore, #tpu.memory_space<semaphore_mem>>
      %dma_start3A_255 = arith.constant 0 : i32
      %dma_start3A_256 = tpu.memref_slice %arg6[%add3A_247, %dma_start3A_255] : memref<512x64xf32, #tpu.memory_space<vmem>> -> memref<1x64xf32, #tpu.memory_space<vmem>>
      %dma_start3A_257 = arith.constant 0 : i32
      %dma_start3A_258 = tpu.memref_slice %arg3[%squeeze3A_243, %dma_start3A_257] : memref<1000000x64xf32, #tpu.memory_space<hbm>> -> memref<1x64xf32, #tpu.memory_space<hbm>>
      tpu.enqueue_dma source(%dma_start3A_258 : memref<1x64xf32, #tpu.memory_space<hbm>>) target(%dma_start3A_256 : memref<1x64xf32, #tpu.memory_space<vmem>>) target_semaphore(%dma_start3A_254 : memref<!tpu.dma_semaphore, #tpu.memory_space<semaphore_mem>>)
      %slice3A_259 = vector.extract_strided_slice %select_n3A_177 {offsets = [5], sizes = [1], strides = [1]} : vector<16xi32> to vector<1xi32>
      %squeeze3A_260 = vector.extract %slice3A_259[0] : i32 from vector<1xi32>
      %sub3A_261 = arith.constant 512 : i32
      %sub3A_262 = arith.subi %mul3A_142, %sub3A_261 : i32
      %add3A_263 = arith.constant 5 : i32
      %add3A_264 = arith.addi %sub3A_262, %add3A_263 : i32
      %dma_start3A_265 = arith.constant 1 : i32
      %dma_start3A_266 = arith.constant 0 : i32
      %dma_start3A_267 = tpu.memref_slice %arg6[%add3A_264, %dma_start3A_266] : memref<512x64xf32, #tpu.memory_space<vmem>> -> memref<1x64xf32, #tpu.memory_space<vmem>>
      %dma_start3A_268 = arith.constant 0 : i32
      %dma_start3A_269 = tpu.memref_slice %arg3[%squeeze3A_260, %dma_start3A_268] : memref<1000000x64xf32, #tpu.memory_space<hbm>> -> memref<1x64xf32, #tpu.memory_space<hbm>>
      %dma_start3A_270 = tpu.memref_slice %arg7[%dma_start3A_265] : memref<4x!tpu.dma_semaphore, #tpu.memory_space<semaphore_mem>> -> memref<1x!tpu.dma_semaphore, #tpu.memory_space<semaphore_mem>>
      %dma_start3A_271 = tpu.memref_squeeze %dma_start3A_270 : memref<1x!tpu.dma_semaphore, #tpu.memory_space<semaphore_mem>> -> memref<!tpu.dma_semaphore, #tpu.memory_space<semaphore_mem>>
      %dma_start3A_272 = arith.constant 0 : i32
      %dma_start3A_273 = tpu.memref_slice %arg6[%add3A_264, %dma_start3A_272] : memref<512x64xf32, #tpu.memory_space<vmem>> -> memref<1x64xf32, #tpu.memory_space<vmem>>
      %dma_start3A_274 = arith.constant 0 : i32
      %dma_start3A_275 = tpu.memref_slice %arg3[%squeeze3A_260, %dma_start3A_274] : memref<1000000x64xf32, #tpu.memory_space<hbm>> -> memref<1x64xf32, #tpu.memory_space<hbm>>
      tpu.enqueue_dma source(%dma_start3A_275 : memref<1x64xf32, #tpu.memory_space<hbm>>) target(%dma_start3A_273 : memref<1x64xf32, #tpu.memory_space<vmem>>) target_semaphore(%dma_start3A_271 : memref<!tpu.dma_semaphore, #tpu.memory_space<semaphore_mem>>)
      %slice3A_276 = vector.extract_strided_slice %select_n3A_177 {offsets = [6], sizes = [1], strides = [1]} : vector<16xi32> to vector<1xi32>
      %squeeze3A_277 = vector.extract %slice3A_276[0] : i32 from vector<1xi32>
      %sub3A_278 = arith.constant 512 : i32
      %sub3A_279 = arith.subi %mul3A_142, %sub3A_278 : i32
      %add3A_280 = arith.constant 6 : i32
      %add3A_281 = arith.addi %sub3A_279, %add3A_280 : i32
      %dma_start3A_282 = arith.constant 2 : i32
      %dma_start3A_283 = arith.constant 0 : i32
      %dma_start3A_284 = tpu.memref_slice %arg6[%add3A_281, %dma_start3A_283] : memref<512x64xf32, #tpu.memory_space<vmem>> -> memref<1x64xf32, #tpu.memory_space<vmem>>
      %dma_start3A_285 = arith.constant 0 : i32
      %dma_start3A_286 = tpu.memref_slice %arg3[%squeeze3A_277, %dma_start3A_285] : memref<1000000x64xf32, #tpu.memory_space<hbm>> -> memref<1x64xf32, #tpu.memory_space<hbm>>
      %dma_start3A_287 = tpu.memref_slice %arg7[%dma_start3A_282] : memref<4x!tpu.dma_semaphore, #tpu.memory_space<semaphore_mem>> -> memref<1x!tpu.dma_semaphore, #tpu.memory_space<semaphore_mem>>
      %dma_start3A_288 = tpu.memref_squeeze %dma_start3A_287 : memref<1x!tpu.dma_semaphore, #tpu.memory_space<semaphore_mem>> -> memref<!tpu.dma_semaphore, #tpu.memory_space<semaphore_mem>>
      %dma_start3A_289 = arith.constant 0 : i32
      %dma_start3A_290 = tpu.memref_slice %arg6[%add3A_281, %dma_start3A_289] : memref<512x64xf32, #tpu.memory_space<vmem>> -> memref<1x64xf32, #tpu.memory_space<vmem>>
      %dma_start3A_291 = arith.constant 0 : i32
      %dma_start3A_292 = tpu.memref_slice %arg3[%squeeze3A_277, %dma_start3A_291] : memref<1000000x64xf32, #tpu.memory_space<hbm>> -> memref<1x64xf32, #tpu.memory_space<hbm>>
      tpu.enqueue_dma source(%dma_start3A_292 : memref<1x64xf32, #tpu.memory_space<hbm>>) target(%dma_start3A_290 : memref<1x64xf32, #tpu.memory_space<vmem>>) target_semaphore(%dma_start3A_288 : memref<!tpu.dma_semaphore, #tpu.memory_space<semaphore_mem>>)
      %slice3A_293 = vector.extract_strided_slice %select_n3A_177 {offsets = [7], sizes = [1], strides = [1]} : vector<16xi32> to vector<1xi32>
      %squeeze3A_294 = vector.extract %slice3A_293[0] : i32 from vector<1xi32>
      %sub3A_295 = arith.constant 512 : i32
      %sub3A_296 = arith.subi %mul3A_142, %sub3A_295 : i32
      %add3A_297 = arith.constant 7 : i32
      %add3A_298 = arith.addi %sub3A_296, %add3A_297 : i32
      %dma_start3A_299 = arith.constant 3 : i32
      %dma_start3A_300 = arith.constant 0 : i32
      %dma_start3A_301 = tpu.memref_slice %arg6[%add3A_298, %dma_start3A_300] : memref<512x64xf32, #tpu.memory_space<vmem>> -> memref<1x64xf32, #tpu.memory_space<vmem>>
      %dma_start3A_302 = arith.constant 0 : i32
      %dma_start3A_303 = tpu.memref_slice %arg3[%squeeze3A_294, %dma_start3A_302] : memref<1000000x64xf32, #tpu.memory_space<hbm>> -> memref<1x64xf32, #tpu.memory_space<hbm>>
      %dma_start3A_304 = tpu.memref_slice %arg7[%dma_start3A_299] : memref<4x!tpu.dma_semaphore, #tpu.memory_space<semaphore_mem>> -> memref<1x!tpu.dma_semaphore, #tpu.memory_space<semaphore_mem>>
      %dma_start3A_305 = tpu.memref_squeeze %dma_start3A_304 : memref<1x!tpu.dma_semaphore, #tpu.memory_space<semaphore_mem>> -> memref<!tpu.dma_semaphore, #tpu.memory_space<semaphore_mem>>
      %dma_start3A_306 = arith.constant 0 : i32
      %dma_start3A_307 = tpu.memref_slice %arg6[%add3A_298, %dma_start3A_306] : memref<512x64xf32, #tpu.memory_space<vmem>> -> memref<1x64xf32, #tpu.memory_space<vmem>>
      %dma_start3A_308 = arith.constant 0 : i32
      %dma_start3A_309 = tpu.memref_slice %arg3[%squeeze3A_294, %dma_start3A_308] : memref<1000000x64xf32, #tpu.memory_space<hbm>> -> memref<1x64xf32, #tpu.memory_space<hbm>>
      tpu.enqueue_dma source(%dma_start3A_309 : memref<1x64xf32, #tpu.memory_space<hbm>>) target(%dma_start3A_307 : memref<1x64xf32, #tpu.memory_space<vmem>>) target_semaphore(%dma_start3A_305 : memref<!tpu.dma_semaphore, #tpu.memory_space<semaphore_mem>>)
      %slice3A_310 = vector.extract_strided_slice %select_n3A_177 {offsets = [8], sizes = [1], strides = [1]} : vector<16xi32> to vector<1xi32>
      %squeeze3A_311 = vector.extract %slice3A_310[0] : i32 from vector<1xi32>
      %sub3A_312 = arith.constant 512 : i32
      %sub3A_313 = arith.subi %mul3A_142, %sub3A_312 : i32
      %add3A_314 = arith.constant 8 : i32
      %add3A_315 = arith.addi %sub3A_313, %add3A_314 : i32
      %dma_start3A_316 = arith.constant 0 : i32
      %dma_start3A_317 = arith.constant 0 : i32
      %dma_start3A_318 = tpu.memref_slice %arg6[%add3A_315, %dma_start3A_317] : memref<512x64xf32, #tpu.memory_space<vmem>> -> memref<1x64xf32, #tpu.memory_space<vmem>>
      %dma_start3A_319 = arith.constant 0 : i32
      %dma_start3A_320 = tpu.memref_slice %arg3[%squeeze3A_311, %dma_start3A_319] : memref<1000000x64xf32, #tpu.memory_space<hbm>> -> memref<1x64xf32, #tpu.memory_space<hbm>>
      %dma_start3A_321 = tpu.memref_slice %arg7[%dma_start3A_316] : memref<4x!tpu.dma_semaphore, #tpu.memory_space<semaphore_mem>> -> memref<1x!tpu.dma_semaphore, #tpu.memory_space<semaphore_mem>>
      %dma_start3A_322 = tpu.memref_squeeze %dma_start3A_321 : memref<1x!tpu.dma_semaphore, #tpu.memory_space<semaphore_mem>> -> memref<!tpu.dma_semaphore, #tpu.memory_space<semaphore_mem>>
      %dma_start3A_323 = arith.constant 0 : i32
      %dma_start3A_324 = tpu.memref_slice %arg6[%add3A_315, %dma_start3A_323] : memref<512x64xf32, #tpu.memory_space<vmem>> -> memref<1x64xf32, #tpu.memory_space<vmem>>
      %dma_start3A_325 = arith.constant 0 : i32
      %dma_start3A_326 = tpu.memref_slice %arg3[%squeeze3A_311, %dma_start3A_325] : memref<1000000x64xf32, #tpu.memory_space<hbm>> -> memref<1x64xf32, #tpu.memory_space<hbm>>
      tpu.enqueue_dma source(%dma_start3A_326 : memref<1x64xf32, #tpu.memory_space<hbm>>) target(%dma_start3A_324 : memref<1x64xf32, #tpu.memory_space<vmem>>) target_semaphore(%dma_start3A_322 : memref<!tpu.dma_semaphore, #tpu.memory_space<semaphore_mem>>)
      %slice3A_327 = vector.extract_strided_slice %select_n3A_177 {offsets = [9], sizes = [1], strides = [1]} : vector<16xi32> to vector<1xi32>
      %squeeze3A_328 = vector.extract %slice3A_327[0] : i32 from vector<1xi32>
      %sub3A_329 = arith.constant 512 : i32
      %sub3A_330 = arith.subi %mul3A_142, %sub3A_329 : i32
      %add3A_331 = arith.constant 9 : i32
      %add3A_332 = arith.addi %sub3A_330, %add3A_331 : i32
      %dma_start3A_333 = arith.constant 1 : i32
      %dma_start3A_334 = arith.constant 0 : i32
      %dma_start3A_335 = tpu.memref_slice %arg6[%add3A_332, %dma_start3A_334] : memref<512x64xf32, #tpu.memory_space<vmem>> -> memref<1x64xf32, #tpu.memory_space<vmem>>
      %dma_start3A_336 = arith.constant 0 : i32
      %dma_start3A_337 = tpu.memref_slice %arg3[%squeeze3A_328, %dma_start3A_336] : memref<1000000x64xf32, #tpu.memory_space<hbm>> -> memref<1x64xf32, #tpu.memory_space<hbm>>
      %dma_start3A_338 = tpu.memref_slice %arg7[%dma_start3A_333] : memref<4x!tpu.dma_semaphore, #tpu.memory_space<semaphore_mem>> -> memref<1x!tpu.dma_semaphore, #tpu.memory_space<semaphore_mem>>
      %dma_start3A_339 = tpu.memref_squeeze %dma_start3A_338 : memref<1x!tpu.dma_semaphore, #tpu.memory_space<semaphore_mem>> -> memref<!tpu.dma_semaphore, #tpu.memory_space<semaphore_mem>>
      %dma_start3A_340 = arith.constant 0 : i32
      %dma_start3A_341 = tpu.memref_slice %arg6[%add3A_332, %dma_start3A_340] : memref<512x64xf32, #tpu.memory_space<vmem>> -> memref<1x64xf32, #tpu.memory_space<vmem>>
      %dma_start3A_342 = arith.constant 0 : i32
      %dma_start3A_343 = tpu.memref_slice %arg3[%squeeze3A_328, %dma_start3A_342] : memref<1000000x64xf32, #tpu.memory_space<hbm>> -> memref<1x64xf32, #tpu.memory_space<hbm>>
      tpu.enqueue_dma source(%dma_start3A_343 : memref<1x64xf32, #tpu.memory_space<hbm>>) target(%dma_start3A_341 : memref<1x64xf32, #tpu.memory_space<vmem>>) target_semaphore(%dma_start3A_339 : memref<!tpu.dma_semaphore, #tpu.memory_space<semaphore_mem>>)
      %slice3A_344 = vector.extract_strided_slice %select_n3A_177 {offsets = [10], sizes = [1], strides = [1]} : vector<16xi32> to vector<1xi32>
      %squeeze3A_345 = vector.extract %slice3A_344[0] : i32 from vector<1xi32>
      %sub3A_346 = arith.constant 512 : i32
      %sub3A_347 = arith.subi %mul3A_142, %sub3A_346 : i32
      %add3A_348 = arith.constant 10 : i32
      %add3A_349 = arith.addi %sub3A_347, %add3A_348 : i32
      %dma_start3A_350 = arith.constant 2 : i32
      %dma_start3A_351 = arith.constant 0 : i32
      %dma_start3A_352 = tpu.memref_slice %arg6[%add3A_349, %dma_start3A_351] : memref<512x64xf32, #tpu.memory_space<vmem>> -> memref<1x64xf32, #tpu.memory_space<vmem>>
      %dma_start3A_353 = arith.constant 0 : i32
      %dma_start3A_354 = tpu.memref_slice %arg3[%squeeze3A_345, %dma_start3A_353] : memref<1000000x64xf32, #tpu.memory_space<hbm>> -> memref<1x64xf32, #tpu.memory_space<hbm>>
      %dma_start3A_355 = tpu.memref_slice %arg7[%dma_start3A_350] : memref<4x!tpu.dma_semaphore, #tpu.memory_space<semaphore_mem>> -> memref<1x!tpu.dma_semaphore, #tpu.memory_space<semaphore_mem>>
      %dma_start3A_356 = tpu.memref_squeeze %dma_start3A_355 : memref<1x!tpu.dma_semaphore, #tpu.memory_space<semaphore_mem>> -> memref<!tpu.dma_semaphore, #tpu.memory_space<semaphore_mem>>
      %dma_start3A_357 = arith.constant 0 : i32
      %dma_start3A_358 = tpu.memref_slice %arg6[%add3A_349, %dma_start3A_357] : memref<512x64xf32, #tpu.memory_space<vmem>> -> memref<1x64xf32, #tpu.memory_space<vmem>>
      %dma_start3A_359 = arith.constant 0 : i32
      %dma_start3A_360 = tpu.memref_slice %arg3[%squeeze3A_345, %dma_start3A_359] : memref<1000000x64xf32, #tpu.memory_space<hbm>> -> memref<1x64xf32, #tpu.memory_space<hbm>>
      tpu.enqueue_dma source(%dma_start3A_360 : memref<1x64xf32, #tpu.memory_space<hbm>>) target(%dma_start3A_358 : memref<1x64xf32, #tpu.memory_space<vmem>>) target_semaphore(%dma_start3A_356 : memref<!tpu.dma_semaphore, #tpu.memory_space<semaphore_mem>>)
      %slice3A_361 = vector.extract_strided_slice %select_n3A_177 {offsets = [11], sizes = [1], strides = [1]} : vector<16xi32> to vector<1xi32>
      %squeeze3A_362 = vector.extract %slice3A_361[0] : i32 from vector<1xi32>
      %sub3A_363 = arith.constant 512 : i32
      %sub3A_364 = arith.subi %mul3A_142, %sub3A_363 : i32
      %add3A_365 = arith.constant 11 : i32
      %add3A_366 = arith.addi %sub3A_364, %add3A_365 : i32
      %dma_start3A_367 = arith.constant 3 : i32
      %dma_start3A_368 = arith.constant 0 : i32
      %dma_start3A_369 = tpu.memref_slice %arg6[%add3A_366, %dma_start3A_368] : memref<512x64xf32, #tpu.memory_space<vmem>> -> memref<1x64xf32, #tpu.memory_space<vmem>>
      %dma_start3A_370 = arith.constant 0 : i32
      %dma_start3A_371 = tpu.memref_slice %arg3[%squeeze3A_362, %dma_start3A_370] : memref<1000000x64xf32, #tpu.memory_space<hbm>> -> memref<1x64xf32, #tpu.memory_space<hbm>>
      %dma_start3A_372 = tpu.memref_slice %arg7[%dma_start3A_367] : memref<4x!tpu.dma_semaphore, #tpu.memory_space<semaphore_mem>> -> memref<1x!tpu.dma_semaphore, #tpu.memory_space<semaphore_mem>>
      %dma_start3A_373 = tpu.memref_squeeze %dma_start3A_372 : memref<1x!tpu.dma_semaphore, #tpu.memory_space<semaphore_mem>> -> memref<!tpu.dma_semaphore, #tpu.memory_space<semaphore_mem>>
      %dma_start3A_374 = arith.constant 0 : i32
      %dma_start3A_375 = tpu.memref_slice %arg6[%add3A_366, %dma_start3A_374] : memref<512x64xf32, #tpu.memory_space<vmem>> -> memref<1x64xf32, #tpu.memory_space<vmem>>
      %dma_start3A_376 = arith.constant 0 : i32
      %dma_start3A_377 = tpu.memref_slice %arg3[%squeeze3A_362, %dma_start3A_376] : memref<1000000x64xf32, #tpu.memory_space<hbm>> -> memref<1x64xf32, #tpu.memory_space<hbm>>
      tpu.enqueue_dma source(%dma_start3A_377 : memref<1x64xf32, #tpu.memory_space<hbm>>) target(%dma_start3A_375 : memref<1x64xf32, #tpu.memory_space<vmem>>) target_semaphore(%dma_start3A_373 : memref<!tpu.dma_semaphore, #tpu.memory_space<semaphore_mem>>)
      %slice3A_378 = vector.extract_strided_slice %select_n3A_177 {offsets = [12], sizes = [1], strides = [1]} : vector<16xi32> to vector<1xi32>
      %squeeze3A_379 = vector.extract %slice3A_378[0] : i32 from vector<1xi32>
      %sub3A_380 = arith.constant 512 : i32
      %sub3A_381 = arith.subi %mul3A_142, %sub3A_380 : i32
      %add3A_382 = arith.constant 12 : i32
      %add3A_383 = arith.addi %sub3A_381, %add3A_382 : i32
      %dma_start3A_384 = arith.constant 0 : i32
      %dma_start3A_385 = arith.constant 0 : i32
      %dma_start3A_386 = tpu.memref_slice %arg6[%add3A_383, %dma_start3A_385] : memref<512x64xf32, #tpu.memory_space<vmem>> -> memref<1x64xf32, #tpu.memory_space<vmem>>
      %dma_start3A_387 = arith.constant 0 : i32
      %dma_start3A_388 = tpu.memref_slice %arg3[%squeeze3A_379, %dma_start3A_387] : memref<1000000x64xf32, #tpu.memory_space<hbm>> -> memref<1x64xf32, #tpu.memory_space<hbm>>
      %dma_start3A_389 = tpu.memref_slice %arg7[%dma_start3A_384] : memref<4x!tpu.dma_semaphore, #tpu.memory_space<semaphore_mem>> -> memref<1x!tpu.dma_semaphore, #tpu.memory_space<semaphore_mem>>
      %dma_start3A_390 = tpu.memref_squeeze %dma_start3A_389 : memref<1x!tpu.dma_semaphore, #tpu.memory_space<semaphore_mem>> -> memref<!tpu.dma_semaphore, #tpu.memory_space<semaphore_mem>>
      %dma_start3A_391 = arith.constant 0 : i32
      %dma_start3A_392 = tpu.memref_slice %arg6[%add3A_383, %dma_start3A_391] : memref<512x64xf32, #tpu.memory_space<vmem>> -> memref<1x64xf32, #tpu.memory_space<vmem>>
      %dma_start3A_393 = arith.constant 0 : i32
      %dma_start3A_394 = tpu.memref_slice %arg3[%squeeze3A_379, %dma_start3A_393] : memref<1000000x64xf32, #tpu.memory_space<hbm>> -> memref<1x64xf32, #tpu.memory_space<hbm>>
      tpu.enqueue_dma source(%dma_start3A_394 : memref<1x64xf32, #tpu.memory_space<hbm>>) target(%dma_start3A_392 : memref<1x64xf32, #tpu.memory_space<vmem>>) target_semaphore(%dma_start3A_390 : memref<!tpu.dma_semaphore, #tpu.memory_space<semaphore_mem>>)
      %slice3A_395 = vector.extract_strided_slice %select_n3A_177 {offsets = [13], sizes = [1], strides = [1]} : vector<16xi32> to vector<1xi32>
      %squeeze3A_396 = vector.extract %slice3A_395[0] : i32 from vector<1xi32>
      %sub3A_397 = arith.constant 512 : i32
      %sub3A_398 = arith.subi %mul3A_142, %sub3A_397 : i32
      %add3A_399 = arith.constant 13 : i32
      %add3A_400 = arith.addi %sub3A_398, %add3A_399 : i32
      %dma_start3A_401 = arith.constant 1 : i32
      %dma_start3A_402 = arith.constant 0 : i32
      %dma_start3A_403 = tpu.memref_slice %arg6[%add3A_400, %dma_start3A_402] : memref<512x64xf32, #tpu.memory_space<vmem>> -> memref<1x64xf32, #tpu.memory_space<vmem>>
      %dma_start3A_404 = arith.constant 0 : i32
      %dma_start3A_405 = tpu.memref_slice %arg3[%squeeze3A_396, %dma_start3A_404] : memref<1000000x64xf32, #tpu.memory_space<hbm>> -> memref<1x64xf32, #tpu.memory_space<hbm>>
      %dma_start3A_406 = tpu.memref_slice %arg7[%dma_start3A_401] : memref<4x!tpu.dma_semaphore, #tpu.memory_space<semaphore_mem>> -> memref<1x!tpu.dma_semaphore, #tpu.memory_space<semaphore_mem>>
      %dma_start3A_407 = tpu.memref_squeeze %dma_start3A_406 : memref<1x!tpu.dma_semaphore, #tpu.memory_space<semaphore_mem>> -> memref<!tpu.dma_semaphore, #tpu.memory_space<semaphore_mem>>
      %dma_start3A_408 = arith.constant 0 : i32
      %dma_start3A_409 = tpu.memref_slice %arg6[%add3A_400, %dma_start3A_408] : memref<512x64xf32, #tpu.memory_space<vmem>> -> memref<1x64xf32, #tpu.memory_space<vmem>>
      %dma_start3A_410 = arith.constant 0 : i32
      %dma_start3A_411 = tpu.memref_slice %arg3[%squeeze3A_396, %dma_start3A_410] : memref<1000000x64xf32, #tpu.memory_space<hbm>> -> memref<1x64xf32, #tpu.memory_space<hbm>>
      tpu.enqueue_dma source(%dma_start3A_411 : memref<1x64xf32, #tpu.memory_space<hbm>>) target(%dma_start3A_409 : memref<1x64xf32, #tpu.memory_space<vmem>>) target_semaphore(%dma_start3A_407 : memref<!tpu.dma_semaphore, #tpu.memory_space<semaphore_mem>>)
      %slice3A_412 = vector.extract_strided_slice %select_n3A_177 {offsets = [14], sizes = [1], strides = [1]} : vector<16xi32> to vector<1xi32>
      %squeeze3A_413 = vector.extract %slice3A_412[0] : i32 from vector<1xi32>
      %sub3A_414 = arith.constant 512 : i32
      %sub3A_415 = arith.subi %mul3A_142, %sub3A_414 : i32
      %add3A_416 = arith.constant 14 : i32
      %add3A_417 = arith.addi %sub3A_415, %add3A_416 : i32
      %dma_start3A_418 = arith.constant 2 : i32
      %dma_start3A_419 = arith.constant 0 : i32
      %dma_start3A_420 = tpu.memref_slice %arg6[%add3A_417, %dma_start3A_419] : memref<512x64xf32, #tpu.memory_space<vmem>> -> memref<1x64xf32, #tpu.memory_space<vmem>>
      %dma_start3A_421 = arith.constant 0 : i32
      %dma_start3A_422 = tpu.memref_slice %arg3[%squeeze3A_413, %dma_start3A_421] : memref<1000000x64xf32, #tpu.memory_space<hbm>> -> memref<1x64xf32, #tpu.memory_space<hbm>>
      %dma_start3A_423 = tpu.memref_slice %arg7[%dma_start3A_418] : memref<4x!tpu.dma_semaphore, #tpu.memory_space<semaphore_mem>> -> memref<1x!tpu.dma_semaphore, #tpu.memory_space<semaphore_mem>>
      %dma_start3A_424 = tpu.memref_squeeze %dma_start3A_423 : memref<1x!tpu.dma_semaphore, #tpu.memory_space<semaphore_mem>> -> memref<!tpu.dma_semaphore, #tpu.memory_space<semaphore_mem>>
      %dma_start3A_425 = arith.constant 0 : i32
      %dma_start3A_426 = tpu.memref_slice %arg6[%add3A_417, %dma_start3A_425] : memref<512x64xf32, #tpu.memory_space<vmem>> -> memref<1x64xf32, #tpu.memory_space<vmem>>
      %dma_start3A_427 = arith.constant 0 : i32
      %dma_start3A_428 = tpu.memref_slice %arg3[%squeeze3A_413, %dma_start3A_427] : memref<1000000x64xf32, #tpu.memory_space<hbm>> -> memref<1x64xf32, #tpu.memory_space<hbm>>
      tpu.enqueue_dma source(%dma_start3A_428 : memref<1x64xf32, #tpu.memory_space<hbm>>) target(%dma_start3A_426 : memref<1x64xf32, #tpu.memory_space<vmem>>) target_semaphore(%dma_start3A_424 : memref<!tpu.dma_semaphore, #tpu.memory_space<semaphore_mem>>)
      %slice3A_429 = vector.extract_strided_slice %select_n3A_177 {offsets = [15], sizes = [1], strides = [1]} : vector<16xi32> to vector<1xi32>
      %squeeze3A_430 = vector.extract %slice3A_429[0] : i32 from vector<1xi32>
      %sub3A_431 = arith.constant 512 : i32
      %sub3A_432 = arith.subi %mul3A_142, %sub3A_431 : i32
      %add3A_433 = arith.constant 15 : i32
      %add3A_434 = arith.addi %sub3A_432, %add3A_433 : i32
      %dma_start3A_435 = arith.constant 3 : i32
      %dma_start3A_436 = arith.constant 0 : i32
      %dma_start3A_437 = tpu.memref_slice %arg6[%add3A_434, %dma_start3A_436] : memref<512x64xf32, #tpu.memory_space<vmem>> -> memref<1x64xf32, #tpu.memory_space<vmem>>
      %dma_start3A_438 = arith.constant 0 : i32
      %dma_start3A_439 = tpu.memref_slice %arg3[%squeeze3A_430, %dma_start3A_438] : memref<1000000x64xf32, #tpu.memory_space<hbm>> -> memref<1x64xf32, #tpu.memory_space<hbm>>
      %dma_start3A_440 = tpu.memref_slice %arg7[%dma_start3A_435] : memref<4x!tpu.dma_semaphore, #tpu.memory_space<semaphore_mem>> -> memref<1x!tpu.dma_semaphore, #tpu.memory_space<semaphore_mem>>
      %dma_start3A_441 = tpu.memref_squeeze %dma_start3A_440 : memref<1x!tpu.dma_semaphore, #tpu.memory_space<semaphore_mem>> -> memref<!tpu.dma_semaphore, #tpu.memory_space<semaphore_mem>>
      %dma_start3A_442 = arith.constant 0 : i32
      %dma_start3A_443 = tpu.memref_slice %arg6[%add3A_434, %dma_start3A_442] : memref<512x64xf32, #tpu.memory_space<vmem>> -> memref<1x64xf32, #tpu.memory_space<vmem>>
      %dma_start3A_444 = arith.constant 0 : i32
      %dma_start3A_445 = tpu.memref_slice %arg3[%squeeze3A_430, %dma_start3A_444] : memref<1000000x64xf32, #tpu.memory_space<hbm>> -> memref<1x64xf32, #tpu.memory_space<hbm>>
      tpu.enqueue_dma source(%dma_start3A_445 : memref<1x64xf32, #tpu.memory_space<hbm>>) target(%dma_start3A_443 : memref<1x64xf32, #tpu.memory_space<vmem>>) target_semaphore(%dma_start3A_441 : memref<!tpu.dma_semaphore, #tpu.memory_space<semaphore_mem>>)
      %scan3A_446 = arith.constant 0 : i32
      %scan3A_447 = arith.constant 1 : i32
      %scan3A_448 = arith.addi %scan3A_139, %scan3A_447 : i32
      %mul3A_449 = arith.constant 16 : i32
      %mul3A_450 = arith.muli %scan3A_448, %mul3A_449 : i32
      %add3A_451 = arith.constant 8 : i32
      %add3A_452 = arith.addi %mul3A_450, %add3A_451 : i32
      %get3A_453 = arith.index_cast %add3A_452 : i32 to index
      %get3A_454 = tpu.vector_load %arg5[%get3A_453] {strides = array<i32>} : memref<1032xi32, #tpu.memory_space<vmem>>, vector<16xi32>,
      %add3A_455 = arith.constant 7 : i32
      %add3A_456 = arith.addi %mul3A_450, %add3A_455 : i32
      %get3A_457 = arith.index_cast %add3A_456 : i32 to index
      %get3A_458 = tpu.vector_load %arg5[%get3A_457] {strides = array<i32>} : memref<1032xi32, #tpu.memory_space<vmem>>, vector<16xi32>,
      %add3A_459 = arith.addi %mul3A_2, %mul3A_450 : i32
      %add3A_460 = vector.broadcast %add3A_459 : i32 to vector<16xi32>
      %add3A_461 = arith.addi %add3A_460, %iota3A : vector<16xi32>
      %and3A_462 = arith.constant 8191 : i32
      %and3A_463 = vector.broadcast %and3A_462 : i32 to vector<16xi32>
      %and3A_464 = arith.andi %add3A_461, %and3A_463 : vector<16xi32>
      %min3A_465 = arith.constant 1 : i32
      %min3A_466 = vector.broadcast %min3A_465 : i32 to vector<16xi32>
      %min3A_467 = arith.minsi %and3A_464, %min3A_466 : vector<16xi32>
      %mul3A_468 = arith.muli %get3A_458, %min3A_467 : vector<16xi32>
      %mul3A_469 = arith.constant 31 : i32
      %mul3A_470 = vector.broadcast %mul3A_469 : i32 to vector<16xi32>
      %mul3A_471 = arith.muli %mul3A_468, %mul3A_470 : vector<16xi32>
      %add3A_472 = arith.addi %mul3A_471, %get3A_454 : vector<16xi32>
      %jit3A_473 = arith.constant 1000000 : i32
      %eq3A_474 = arith.constant 0 : i32
      %eq3A_475 = arith.cmpi eq, %jit3A_473, %eq3A_474 : i32
      %jit3A_476 = arith.constant 1 : i32
      %select_n3A_477 = arith.select %eq3A_475, %jit3A_476, %jit3A_473 : i32
      %rem3A_478 = vector.broadcast %select_n3A_477 : i32 to vector<16xi32>
      %rem3A_479 = arith.remsi %add3A_472, %rem3A_478 : vector<16xi32>
      %ne3A_480 = arith.constant 0 : i32
      %ne3A_481 = vector.broadcast %ne3A_480 : i32 to vector<16xi32>
      %ne3A_482 = arith.cmpi ne, %rem3A_479, %ne3A_481 : vector<16xi32>
      %lt3A_483 = arith.constant 0 : i32
      %lt3A_484 = vector.broadcast %lt3A_483 : i32 to vector<16xi32>
      %lt3A_485 = arith.cmpi slt, %rem3A_479, %lt3A_484 : vector<16xi32>
      %lt3A_486 = arith.constant 0 : i32
      %lt3A_487 = arith.cmpi slt, %select_n3A_477, %lt3A_486 : i32
      %ne3A_488 = vector.broadcast %lt3A_487 : i1 to vector<16xi1>
      %ne3A_489 = vector.broadcast %ne3A_488 : vector<16xi1> to vector<16xi1>
      %ne3A_490 = arith.xori %lt3A_485, %ne3A_489 : vector<16xi1>
      %and3A_491 = arith.andi %ne3A_490, %ne3A_482 : vector<16xi1>
      %add3A_492 = vector.broadcast %select_n3A_477 : i32 to vector<16xi32>
      %add3A_493 = arith.addi %rem3A_479, %add3A_492 : vector<16xi32>
      %select_n3A_494 = arith.select %and3A_491, %add3A_493, %rem3A_479 : vector<16xi1>, vector<16xi32>
      %slice3A_495 = vector.extract_strided_slice %select_n3A_494 {offsets = [0], sizes = [1], strides = [1]} : vector<16xi32> to vector<1xi32>
      %squeeze3A_496 = vector.extract %slice3A_495[0] : i32 from vector<1xi32>
      %sub3A_497 = arith.constant 512 : i32
      %sub3A_498 = arith.subi %mul3A_450, %sub3A_497 : i32
      %add3A_499 = arith.constant 0 : i32
      %add3A_500 = arith.addi %sub3A_498, %add3A_499 : i32
      %dma_start3A_501 = arith.constant 0 : i32
      %dma_start3A_502 = arith.constant 0 : i32
      %dma_start3A_503 = tpu.memref_slice %arg6[%add3A_500, %dma_start3A_502] : memref<512x64xf32, #tpu.memory_space<vmem>> -> memref<1x64xf32, #tpu.memory_space<vmem>>
      %dma_start3A_504 = arith.constant 0 : i32
      %dma_start3A_505 = tpu.memref_slice %arg3[%squeeze3A_496, %dma_start3A_504] : memref<1000000x64xf32, #tpu.memory_space<hbm>> -> memref<1x64xf32, #tpu.memory_space<hbm>>
      %dma_start3A_506 = tpu.memref_slice %arg7[%dma_start3A_501] : memref<4x!tpu.dma_semaphore, #tpu.memory_space<semaphore_mem>> -> memref<1x!tpu.dma_semaphore, #tpu.memory_space<semaphore_mem>>
      %dma_start3A_507 = tpu.memref_squeeze %dma_start3A_506 : memref<1x!tpu.dma_semaphore, #tpu.memory_space<semaphore_mem>> -> memref<!tpu.dma_semaphore, #tpu.memory_space<semaphore_mem>>
      %dma_start3A_508 = arith.constant 0 : i32
      %dma_start3A_509 = tpu.memref_slice %arg6[%add3A_500, %dma_start3A_508] : memref<512x64xf32, #tpu.memory_space<vmem>> -> memref<1x64xf32, #tpu.memory_space<vmem>>
      %dma_start3A_510 = arith.constant 0 : i32
      %dma_start3A_511 = tpu.memref_slice %arg3[%squeeze3A_496, %dma_start3A_510] : memref<1000000x64xf32, #tpu.memory_space<hbm>> -> memref<1x64xf32, #tpu.memory_space<hbm>>
      tpu.enqueue_dma source(%dma_start3A_511 : memref<1x64xf32, #tpu.memory_space<hbm>>) target(%dma_start3A_509 : memref<1x64xf32, #tpu.memory_space<vmem>>) target_semaphore(%dma_start3A_507 : memref<!tpu.dma_semaphore, #tpu.memory_space<semaphore_mem>>)
      %slice3A_512 = vector.extract_strided_slice %select_n3A_494 {offsets = [1], sizes = [1], strides = [1]} : vector<16xi32> to vector<1xi32>
      %squeeze3A_513 = vector.extract %slice3A_512[0] : i32 from vector<1xi32>
      %sub3A_514 = arith.constant 512 : i32
      %sub3A_515 = arith.subi %mul3A_450, %sub3A_514 : i32
      %add3A_516 = arith.constant 1 : i32
      %add3A_517 = arith.addi %sub3A_515, %add3A_516 : i32
      %dma_start3A_518 = arith.constant 1 : i32
      %dma_start3A_519 = arith.constant 0 : i32
      %dma_start3A_520 = tpu.memref_slice %arg6[%add3A_517, %dma_start3A_519] : memref<512x64xf32, #tpu.memory_space<vmem>> -> memref<1x64xf32, #tpu.memory_space<vmem>>
      %dma_start3A_521 = arith.constant 0 : i32
      %dma_start3A_522 = tpu.memref_slice %arg3[%squeeze3A_513, %dma_start3A_521] : memref<1000000x64xf32, #tpu.memory_space<hbm>> -> memref<1x64xf32, #tpu.memory_space<hbm>>
      %dma_start3A_523 = tpu.memref_slice %arg7[%dma_start3A_518] : memref<4x!tpu.dma_semaphore, #tpu.memory_space<semaphore_mem>> -> memref<1x!tpu.dma_semaphore, #tpu.memory_space<semaphore_mem>>
      %dma_start3A_524 = tpu.memref_squeeze %dma_start3A_523 : memref<1x!tpu.dma_semaphore, #tpu.memory_space<semaphore_mem>> -> memref<!tpu.dma_semaphore, #tpu.memory_space<semaphore_mem>>
      %dma_start3A_525 = arith.constant 0 : i32
      %dma_start3A_526 = tpu.memref_slice %arg6[%add3A_517, %dma_start3A_525] : memref<512x64xf32, #tpu.memory_space<vmem>> -> memref<1x64xf32, #tpu.memory_space<vmem>>
      %dma_start3A_527 = arith.constant 0 : i32
      %dma_start3A_528 = tpu.memref_slice %arg3[%squeeze3A_513, %dma_start3A_527] : memref<1000000x64xf32, #tpu.memory_space<hbm>> -> memref<1x64xf32, #tpu.memory_space<hbm>>
      tpu.enqueue_dma source(%dma_start3A_528 : memref<1x64xf32, #tpu.memory_space<hbm>>) target(%dma_start3A_526 : memref<1x64xf32, #tpu.memory_space<vmem>>) target_semaphore(%dma_start3A_524 : memref<!tpu.dma_semaphore, #tpu.memory_space<semaphore_mem>>)
      %slice3A_529 = vector.extract_strided_slice %select_n3A_494 {offsets = [2], sizes = [1], strides = [1]} : vector<16xi32> to vector<1xi32>
      %squeeze3A_530 = vector.extract %slice3A_529[0] : i32 from vector<1xi32>
      %sub3A_531 = arith.constant 512 : i32
      %sub3A_532 = arith.subi %mul3A_450, %sub3A_531 : i32
      %add3A_533 = arith.constant 2 : i32
      %add3A_534 = arith.addi %sub3A_532, %add3A_533 : i32
      %dma_start3A_535 = arith.constant 2 : i32
      %dma_start3A_536 = arith.constant 0 : i32
      %dma_start3A_537 = tpu.memref_slice %arg6[%add3A_534, %dma_start3A_536] : memref<512x64xf32, #tpu.memory_space<vmem>> -> memref<1x64xf32, #tpu.memory_space<vmem>>
      %dma_start3A_538 = arith.constant 0 : i32
      %dma_start3A_539 = tpu.memref_slice %arg3[%squeeze3A_530, %dma_start3A_538] : memref<1000000x64xf32, #tpu.memory_space<hbm>> -> memref<1x64xf32, #tpu.memory_space<hbm>>
      %dma_start3A_540 = tpu.memref_slice %arg7[%dma_start3A_535] : memref<4x!tpu.dma_semaphore, #tpu.memory_space<semaphore_mem>> -> memref<1x!tpu.dma_semaphore, #tpu.memory_space<semaphore_mem>>
      %dma_start3A_541 = tpu.memref_squeeze %dma_start3A_540 : memref<1x!tpu.dma_semaphore, #tpu.memory_space<semaphore_mem>> -> memref<!tpu.dma_semaphore, #tpu.memory_space<semaphore_mem>>
      %dma_start3A_542 = arith.constant 0 : i32
      %dma_start3A_543 = tpu.memref_slice %arg6[%add3A_534, %dma_start3A_542] : memref<512x64xf32, #tpu.memory_space<vmem>> -> memref<1x64xf32, #tpu.memory_space<vmem>>
      %dma_start3A_544 = arith.constant 0 : i32
      %dma_start3A_545 = tpu.memref_slice %arg3[%squeeze3A_530, %dma_start3A_544] : memref<1000000x64xf32, #tpu.memory_space<hbm>> -> memref<1x64xf32, #tpu.memory_space<hbm>>
      tpu.enqueue_dma source(%dma_start3A_545 : memref<1x64xf32, #tpu.memory_space<hbm>>) target(%dma_start3A_543 : memref<1x64xf32, #tpu.memory_space<vmem>>) target_semaphore(%dma_start3A_541 : memref<!tpu.dma_semaphore, #tpu.memory_space<semaphore_mem>>)
      %slice3A_546 = vector.extract_strided_slice %select_n3A_494 {offsets = [3], sizes = [1], strides = [1]} : vector<16xi32> to vector<1xi32>
      %squeeze3A_547 = vector.extract %slice3A_546[0] : i32 from vector<1xi32>
      %sub3A_548 = arith.constant 512 : i32
      %sub3A_549 = arith.subi %mul3A_450, %sub3A_548 : i32
      %add3A_550 = arith.constant 3 : i32
      %add3A_551 = arith.addi %sub3A_549, %add3A_550 : i32
      %dma_start3A_552 = arith.constant 3 : i32
      %dma_start3A_553 = arith.constant 0 : i32
      %dma_start3A_554 = tpu.memref_slice %arg6[%add3A_551, %dma_start3A_553] : memref<512x64xf32, #tpu.memory_space<vmem>> -> memref<1x64xf32, #tpu.memory_space<vmem>>
      %dma_start3A_555 = arith.constant 0 : i32
      %dma_start3A_556 = tpu.memref_slice %arg3[%squeeze3A_547, %dma_start3A_555] : memref<1000000x64xf32, #tpu.memory_space<hbm>> -> memref<1x64xf32, #tpu.memory_space<hbm>>
      %dma_start3A_557 = tpu.memref_slice %arg7[%dma_start3A_552] : memref<4x!tpu.dma_semaphore, #tpu.memory_space<semaphore_mem>> -> memref<1x!tpu.dma_semaphore, #tpu.memory_space<semaphore_mem>>
      %dma_start3A_558 = tpu.memref_squeeze %dma_start3A_557 : memref<1x!tpu.dma_semaphore, #tpu.memory_space<semaphore_mem>> -> memref<!tpu.dma_semaphore, #tpu.memory_space<semaphore_mem>>
      %dma_start3A_559 = arith.constant 0 : i32
      %dma_start3A_560 = tpu.memref_slice %arg6[%add3A_551, %dma_start3A_559] : memref<512x64xf32, #tpu.memory_space<vmem>> -> memref<1x64xf32, #tpu.memory_space<vmem>>
      %dma_start3A_561 = arith.constant 0 : i32
      %dma_start3A_562 = tpu.memref_slice %arg3[%squeeze3A_547, %dma_start3A_561] : memref<1000000x64xf32, #tpu.memory_space<hbm>> -> memref<1x64xf32, #tpu.memory_space<hbm>>
      tpu.enqueue_dma source(%dma_start3A_562 : memref<1x64xf32, #tpu.memory_space<hbm>>) target(%dma_start3A_560 : memref<1x64xf32, #tpu.memory_space<vmem>>) target_semaphore(%dma_start3A_558 : memref<!tpu.dma_semaphore, #tpu.memory_space<semaphore_mem>>)
      %slice3A_563 = vector.extract_strided_slice %select_n3A_494 {offsets = [4], sizes = [1], strides = [1]} : vector<16xi32> to vector<1xi32>
      %squeeze3A_564 = vector.extract %slice3A_563[0] : i32 from vector<1xi32>
      %sub3A_565 = arith.constant 512 : i32
      %sub3A_566 = arith.subi %mul3A_450, %sub3A_565 : i32
      %add3A_567 = arith.constant 4 : i32
      %add3A_568 = arith.addi %sub3A_566, %add3A_567 : i32
      %dma_start3A_569 = arith.constant 0 : i32
      %dma_start3A_570 = arith.constant 0 : i32
      %dma_start3A_571 = tpu.memref_slice %arg6[%add3A_568, %dma_start3A_570] : memref<512x64xf32, #tpu.memory_space<vmem>> -> memref<1x64xf32, #tpu.memory_space<vmem>>
      %dma_start3A_572 = arith.constant 0 : i32
      %dma_start3A_573 = tpu.memref_slice %arg3[%squeeze3A_564, %dma_start3A_572] : memref<1000000x64xf32, #tpu.memory_space<hbm>> -> memref<1x64xf32, #tpu.memory_space<hbm>>
      %dma_start3A_574 = tpu.memref_slice %arg7[%dma_start3A_569] : memref<4x!tpu.dma_semaphore, #tpu.memory_space<semaphore_mem>> -> memref<1x!tpu.dma_semaphore, #tpu.memory_space<semaphore_mem>>
      %dma_start3A_575 = tpu.memref_squeeze %dma_start3A_574 : memref<1x!tpu.dma_semaphore, #tpu.memory_space<semaphore_mem>> -> memref<!tpu.dma_semaphore, #tpu.memory_space<semaphore_mem>>
      %dma_start3A_576 = arith.constant 0 : i32
      %dma_start3A_577 = tpu.memref_slice %arg6[%add3A_568, %dma_start3A_576] : memref<512x64xf32, #tpu.memory_space<vmem>> -> memref<1x64xf32, #tpu.memory_space<vmem>>
      %dma_start3A_578 = arith.constant 0 : i32
      %dma_start3A_579 = tpu.memref_slice %arg3[%squeeze3A_564, %dma_start3A_578] : memref<1000000x64xf32, #tpu.memory_space<hbm>> -> memref<1x64xf32, #tpu.memory_space<hbm>>
      tpu.enqueue_dma source(%dma_start3A_579 : memref<1x64xf32, #tpu.memory_space<hbm>>) target(%dma_start3A_577 : memref<1x64xf32, #tpu.memory_space<vmem>>) target_semaphore(%dma_start3A_575 : memref<!tpu.dma_semaphore, #tpu.memory_space<semaphore_mem>>)
      %slice3A_580 = vector.extract_strided_slice %select_n3A_494 {offsets = [5], sizes = [1], strides = [1]} : vector<16xi32> to vector<1xi32>
      %squeeze3A_581 = vector.extract %slice3A_580[0] : i32 from vector<1xi32>
      %sub3A_582 = arith.constant 512 : i32
      %sub3A_583 = arith.subi %mul3A_450, %sub3A_582 : i32
      %add3A_584 = arith.constant 5 : i32
      %add3A_585 = arith.addi %sub3A_583, %add3A_584 : i32
      %dma_start3A_586 = arith.constant 1 : i32
      %dma_start3A_587 = arith.constant 0 : i32
      %dma_start3A_588 = tpu.memref_slice %arg6[%add3A_585, %dma_start3A_587] : memref<512x64xf32, #tpu.memory_space<vmem>> -> memref<1x64xf32, #tpu.memory_space<vmem>>
      %dma_start3A_589 = arith.constant 0 : i32
      %dma_start3A_590 = tpu.memref_slice %arg3[%squeeze3A_581, %dma_start3A_589] : memref<1000000x64xf32, #tpu.memory_space<hbm>> -> memref<1x64xf32, #tpu.memory_space<hbm>>
      %dma_start3A_591 = tpu.memref_slice %arg7[%dma_start3A_586] : memref<4x!tpu.dma_semaphore, #tpu.memory_space<semaphore_mem>> -> memref<1x!tpu.dma_semaphore, #tpu.memory_space<semaphore_mem>>
      %dma_start3A_592 = tpu.memref_squeeze %dma_start3A_591 : memref<1x!tpu.dma_semaphore, #tpu.memory_space<semaphore_mem>> -> memref<!tpu.dma_semaphore, #tpu.memory_space<semaphore_mem>>
      %dma_start3A_593 = arith.constant 0 : i32
      %dma_start3A_594 = tpu.memref_slice %arg6[%add3A_585, %dma_start3A_593] : memref<512x64xf32, #tpu.memory_space<vmem>> -> memref<1x64xf32, #tpu.memory_space<vmem>>
      %dma_start3A_595 = arith.constant 0 : i32
      %dma_start3A_596 = tpu.memref_slice %arg3[%squeeze3A_581, %dma_start3A_595] : memref<1000000x64xf32, #tpu.memory_space<hbm>> -> memref<1x64xf32, #tpu.memory_space<hbm>>
      tpu.enqueue_dma source(%dma_start3A_596 : memref<1x64xf32, #tpu.memory_space<hbm>>) target(%dma_start3A_594 : memref<1x64xf32, #tpu.memory_space<vmem>>) target_semaphore(%dma_start3A_592 : memref<!tpu.dma_semaphore, #tpu.memory_space<semaphore_mem>>)
      %slice3A_597 = vector.extract_strided_slice %select_n3A_494 {offsets = [6], sizes = [1], strides = [1]} : vector<16xi32> to vector<1xi32>
      %squeeze3A_598 = vector.extract %slice3A_597[0] : i32 from vector<1xi32>
      %sub3A_599 = arith.constant 512 : i32
      %sub3A_600 = arith.subi %mul3A_450, %sub3A_599 : i32
      %add3A_601 = arith.constant 6 : i32
      %add3A_602 = arith.addi %sub3A_600, %add3A_601 : i32
      %dma_start3A_603 = arith.constant 2 : i32
      %dma_start3A_604 = arith.constant 0 : i32
      %dma_start3A_605 = tpu.memref_slice %arg6[%add3A_602, %dma_start3A_604] : memref<512x64xf32, #tpu.memory_space<vmem>> -> memref<1x64xf32, #tpu.memory_space<vmem>>
      %dma_start3A_606 = arith.constant 0 : i32
      %dma_start3A_607 = tpu.memref_slice %arg3[%squeeze3A_598, %dma_start3A_606] : memref<1000000x64xf32, #tpu.memory_space<hbm>> -> memref<1x64xf32, #tpu.memory_space<hbm>>
      %dma_start3A_608 = tpu.memref_slice %arg7[%dma_start3A_603] : memref<4x!tpu.dma_semaphore, #tpu.memory_space<semaphore_mem>> -> memref<1x!tpu.dma_semaphore, #tpu.memory_space<semaphore_mem>>
      %dma_start3A_609 = tpu.memref_squeeze %dma_start3A_608 : memref<1x!tpu.dma_semaphore, #tpu.memory_space<semaphore_mem>> -> memref<!tpu.dma_semaphore, #tpu.memory_space<semaphore_mem>>
      %dma_start3A_610 = arith.constant 0 : i32
      %dma_start3A_611 = tpu.memref_slice %arg6[%add3A_602, %dma_start3A_610] : memref<512x64xf32, #tpu.memory_space<vmem>> -> memref<1x64xf32, #tpu.memory_space<vmem>>
      %dma_start3A_612 = arith.constant 0 : i32
      %dma_start3A_613 = tpu.memref_slice %arg3[%squeeze3A_598, %dma_start3A_612] : memref<1000000x64xf32, #tpu.memory_space<hbm>> -> memref<1x64xf32, #tpu.memory_space<hbm>>
      tpu.enqueue_dma source(%dma_start3A_613 : memref<1x64xf32, #tpu.memory_space<hbm>>) target(%dma_start3A_611 : memref<1x64xf32, #tpu.memory_space<vmem>>) target_semaphore(%dma_start3A_609 : memref<!tpu.dma_semaphore, #tpu.memory_space<semaphore_mem>>)
      %slice3A_614 = vector.extract_strided_slice %select_n3A_494 {offsets = [7], sizes = [1], strides = [1]} : vector<16xi32> to vector<1xi32>
      %squeeze3A_615 = vector.extract %slice3A_614[0] : i32 from vector<1xi32>
      %sub3A_616 = arith.constant 512 : i32
      %sub3A_617 = arith.subi %mul3A_450, %sub3A_616 : i32
      %add3A_618 = arith.constant 7 : i32
      %add3A_619 = arith.addi %sub3A_617, %add3A_618 : i32
      %dma_start3A_620 = arith.constant 3 : i32
      %dma_start3A_621 = arith.constant 0 : i32
      %dma_start3A_622 = tpu.memref_slice %arg6[%add3A_619, %dma_start3A_621] : memref<512x64xf32, #tpu.memory_space<vmem>> -> memref<1x64xf32, #tpu.memory_space<vmem>>
      %dma_start3A_623 = arith.constant 0 : i32
      %dma_start3A_624 = tpu.memref_slice %arg3[%squeeze3A_615, %dma_start3A_623] : memref<1000000x64xf32, #tpu.memory_space<hbm>> -> memref<1x64xf32, #tpu.memory_space<hbm>>
      %dma_start3A_625 = tpu.memref_slice %arg7[%dma_start3A_620] : memref<4x!tpu.dma_semaphore, #tpu.memory_space<semaphore_mem>> -> memref<1x!tpu.dma_semaphore, #tpu.memory_space<semaphore_mem>>
      %dma_start3A_626 = tpu.memref_squeeze %dma_start3A_625 : memref<1x!tpu.dma_semaphore, #tpu.memory_space<semaphore_mem>> -> memref<!tpu.dma_semaphore, #tpu.memory_space<semaphore_mem>>
      %dma_start3A_627 = arith.constant 0 : i32
      %dma_start3A_628 = tpu.memref_slice %arg6[%add3A_619, %dma_start3A_627] : memref<512x64xf32, #tpu.memory_space<vmem>> -> memref<1x64xf32, #tpu.memory_space<vmem>>
      %dma_start3A_629 = arith.constant 0 : i32
      %dma_start3A_630 = tpu.memref_slice %arg3[%squeeze3A_615, %dma_start3A_629] : memref<1000000x64xf32, #tpu.memory_space<hbm>> -> memref<1x64xf32, #tpu.memory_space<hbm>>
      tpu.enqueue_dma source(%dma_start3A_630 : memref<1x64xf32, #tpu.memory_space<hbm>>) target(%dma_start3A_628 : memref<1x64xf32, #tpu.memory_space<vmem>>) target_semaphore(%dma_start3A_626 : memref<!tpu.dma_semaphore, #tpu.memory_space<semaphore_mem>>)
      %slice3A_631 = vector.extract_strided_slice %select_n3A_494 {offsets = [8], sizes = [1], strides = [1]} : vector<16xi32> to vector<1xi32>
      %squeeze3A_632 = vector.extract %slice3A_631[0] : i32 from vector<1xi32>
      %sub3A_633 = arith.constant 512 : i32
      %sub3A_634 = arith.subi %mul3A_450, %sub3A_633 : i32
      %add3A_635 = arith.constant 8 : i32
      %add3A_636 = arith.addi %sub3A_634, %add3A_635 : i32
      %dma_start3A_637 = arith.constant 0 : i32
      %dma_start3A_638 = arith.constant 0 : i32
      %dma_start3A_639 = tpu.memref_slice %arg6[%add3A_636, %dma_start3A_638] : memref<512x64xf32, #tpu.memory_space<vmem>> -> memref<1x64xf32, #tpu.memory_space<vmem>>
      %dma_start3A_640 = arith.constant 0 : i32
      %dma_start3A_641 = tpu.memref_slice %arg3[%squeeze3A_632, %dma_start3A_640] : memref<1000000x64xf32, #tpu.memory_space<hbm>> -> memref<1x64xf32, #tpu.memory_space<hbm>>
      %dma_start3A_642 = tpu.memref_slice %arg7[%dma_start3A_637] : memref<4x!tpu.dma_semaphore, #tpu.memory_space<semaphore_mem>> -> memref<1x!tpu.dma_semaphore, #tpu.memory_space<semaphore_mem>>
      %dma_start3A_643 = tpu.memref_squeeze %dma_start3A_642 : memref<1x!tpu.dma_semaphore, #tpu.memory_space<semaphore_mem>> -> memref<!tpu.dma_semaphore, #tpu.memory_space<semaphore_mem>>
      %dma_start3A_644 = arith.constant 0 : i32
      %dma_start3A_645 = tpu.memref_slice %arg6[%add3A_636, %dma_start3A_644] : memref<512x64xf32, #tpu.memory_space<vmem>> -> memref<1x64xf32, #tpu.memory_space<vmem>>
      %dma_start3A_646 = arith.constant 0 : i32
      %dma_start3A_647 = tpu.memref_slice %arg3[%squeeze3A_632, %dma_start3A_646] : memref<1000000x64xf32, #tpu.memory_space<hbm>> -> memref<1x64xf32, #tpu.memory_space<hbm>>
      tpu.enqueue_dma source(%dma_start3A_647 : memref<1x64xf32, #tpu.memory_space<hbm>>) target(%dma_start3A_645 : memref<1x64xf32, #tpu.memory_space<vmem>>) target_semaphore(%dma_start3A_643 : memref<!tpu.dma_semaphore, #tpu.memory_space<semaphore_mem>>)
      %slice3A_648 = vector.extract_strided_slice %select_n3A_494 {offsets = [9], sizes = [1], strides = [1]} : vector<16xi32> to vector<1xi32>
      %squeeze3A_649 = vector.extract %slice3A_648[0] : i32 from vector<1xi32>
      %sub3A_650 = arith.constant 512 : i32
      %sub3A_651 = arith.subi %mul3A_450, %sub3A_650 : i32
      %add3A_652 = arith.constant 9 : i32
      %add3A_653 = arith.addi %sub3A_651, %add3A_652 : i32
      %dma_start3A_654 = arith.constant 1 : i32
      %dma_start3A_655 = arith.constant 0 : i32
      %dma_start3A_656 = tpu.memref_slice %arg6[%add3A_653, %dma_start3A_655] : memref<512x64xf32, #tpu.memory_space<vmem>> -> memref<1x64xf32, #tpu.memory_space<vmem>>
      %dma_start3A_657 = arith.constant 0 : i32
      %dma_start3A_658 = tpu.memref_slice %arg3[%squeeze3A_649, %dma_start3A_657] : memref<1000000x64xf32, #tpu.memory_space<hbm>> -> memref<1x64xf32, #tpu.memory_space<hbm>>
      %dma_start3A_659 = tpu.memref_slice %arg7[%dma_start3A_654] : memref<4x!tpu.dma_semaphore, #tpu.memory_space<semaphore_mem>> -> memref<1x!tpu.dma_semaphore, #tpu.memory_space<semaphore_mem>>
      %dma_start3A_660 = tpu.memref_squeeze %dma_start3A_659 : memref<1x!tpu.dma_semaphore, #tpu.memory_space<semaphore_mem>> -> memref<!tpu.dma_semaphore, #tpu.memory_space<semaphore_mem>>
      %dma_start3A_661 = arith.constant 0 : i32
      %dma_start3A_662 = tpu.memref_slice %arg6[%add3A_653, %dma_start3A_661] : memref<512x64xf32, #tpu.memory_space<vmem>> -> memref<1x64xf32, #tpu.memory_space<vmem>>
      %dma_start3A_663 = arith.constant 0 : i32
      %dma_start3A_664 = tpu.memref_slice %arg3[%squeeze3A_649, %dma_start3A_663] : memref<1000000x64xf32, #tpu.memory_space<hbm>> -> memref<1x64xf32, #tpu.memory_space<hbm>>
      tpu.enqueue_dma source(%dma_start3A_664 : memref<1x64xf32, #tpu.memory_space<hbm>>) target(%dma_start3A_662 : memref<1x64xf32, #tpu.memory_space<vmem>>) target_semaphore(%dma_start3A_660 : memref<!tpu.dma_semaphore, #tpu.memory_space<semaphore_mem>>)
      %slice3A_665 = vector.extract_strided_slice %select_n3A_494 {offsets = [10], sizes = [1], strides = [1]} : vector<16xi32> to vector<1xi32>
      %squeeze3A_666 = vector.extract %slice3A_665[0] : i32 from vector<1xi32>
      %sub3A_667 = arith.constant 512 : i32
      %sub3A_668 = arith.subi %mul3A_450, %sub3A_667 : i32
      %add3A_669 = arith.constant 10 : i32
      %add3A_670 = arith.addi %sub3A_668, %add3A_669 : i32
      %dma_start3A_671 = arith.constant 2 : i32
      %dma_start3A_672 = arith.constant 0 : i32
      %dma_start3A_673 = tpu.memref_slice %arg6[%add3A_670, %dma_start3A_672] : memref<512x64xf32, #tpu.memory_space<vmem>> -> memref<1x64xf32, #tpu.memory_space<vmem>>
      %dma_start3A_674 = arith.constant 0 : i32
      %dma_start3A_675 = tpu.memref_slice %arg3[%squeeze3A_666, %dma_start3A_674] : memref<1000000x64xf32, #tpu.memory_space<hbm>> -> memref<1x64xf32, #tpu.memory_space<hbm>>
      %dma_start3A_676 = tpu.memref_slice %arg7[%dma_start3A_671] : memref<4x!tpu.dma_semaphore, #tpu.memory_space<semaphore_mem>> -> memref<1x!tpu.dma_semaphore, #tpu.memory_space<semaphore_mem>>
      %dma_start3A_677 = tpu.memref_squeeze %dma_start3A_676 : memref<1x!tpu.dma_semaphore, #tpu.memory_space<semaphore_mem>> -> memref<!tpu.dma_semaphore, #tpu.memory_space<semaphore_mem>>
      %dma_start3A_678 = arith.constant 0 : i32
      %dma_start3A_679 = tpu.memref_slice %arg6[%add3A_670, %dma_start3A_678] : memref<512x64xf32, #tpu.memory_space<vmem>> -> memref<1x64xf32, #tpu.memory_space<vmem>>
      %dma_start3A_680 = arith.constant 0 : i32
      %dma_start3A_681 = tpu.memref_slice %arg3[%squeeze3A_666, %dma_start3A_680] : memref<1000000x64xf32, #tpu.memory_space<hbm>> -> memref<1x64xf32, #tpu.memory_space<hbm>>
      tpu.enqueue_dma source(%dma_start3A_681 : memref<1x64xf32, #tpu.memory_space<hbm>>) target(%dma_start3A_679 : memref<1x64xf32, #tpu.memory_space<vmem>>) target_semaphore(%dma_start3A_677 : memref<!tpu.dma_semaphore, #tpu.memory_space<semaphore_mem>>)
      %slice3A_682 = vector.extract_strided_slice %select_n3A_494 {offsets = [11], sizes = [1], strides = [1]} : vector<16xi32> to vector<1xi32>
      %squeeze3A_683 = vector.extract %slice3A_682[0] : i32 from vector<1xi32>
      %sub3A_684 = arith.constant 512 : i32
      %sub3A_685 = arith.subi %mul3A_450, %sub3A_684 : i32
      %add3A_686 = arith.constant 11 : i32
      %add3A_687 = arith.addi %sub3A_685, %add3A_686 : i32
      %dma_start3A_688 = arith.constant 3 : i32
      %dma_start3A_689 = arith.constant 0 : i32
      %dma_start3A_690 = tpu.memref_slice %arg6[%add3A_687, %dma_start3A_689] : memref<512x64xf32, #tpu.memory_space<vmem>> -> memref<1x64xf32, #tpu.memory_space<vmem>>
      %dma_start3A_691 = arith.constant 0 : i32
      %dma_start3A_692 = tpu.memref_slice %arg3[%squeeze3A_683, %dma_start3A_691] : memref<1000000x64xf32, #tpu.memory_space<hbm>> -> memref<1x64xf32, #tpu.memory_space<hbm>>
      %dma_start3A_693 = tpu.memref_slice %arg7[%dma_start3A_688] : memref<4x!tpu.dma_semaphore, #tpu.memory_space<semaphore_mem>> -> memref<1x!tpu.dma_semaphore, #tpu.memory_space<semaphore_mem>>
      %dma_start3A_694 = tpu.memref_squeeze %dma_start3A_693 : memref<1x!tpu.dma_semaphore, #tpu.memory_space<semaphore_mem>> -> memref<!tpu.dma_semaphore, #tpu.memory_space<semaphore_mem>>
      %dma_start3A_695 = arith.constant 0 : i32
      %dma_start3A_696 = tpu.memref_slice %arg6[%add3A_687, %dma_start3A_695] : memref<512x64xf32, #tpu.memory_space<vmem>> -> memref<1x64xf32, #tpu.memory_space<vmem>>
      %dma_start3A_697 = arith.constant 0 : i32
      %dma_start3A_698 = tpu.memref_slice %arg3[%squeeze3A_683, %dma_start3A_697] : memref<1000000x64xf32, #tpu.memory_space<hbm>> -> memref<1x64xf32, #tpu.memory_space<hbm>>
      tpu.enqueue_dma source(%dma_start3A_698 : memref<1x64xf32, #tpu.memory_space<hbm>>) target(%dma_start3A_696 : memref<1x64xf32, #tpu.memory_space<vmem>>) target_semaphore(%dma_start3A_694 : memref<!tpu.dma_semaphore, #tpu.memory_space<semaphore_mem>>)
      %slice3A_699 = vector.extract_strided_slice %select_n3A_494 {offsets = [12], sizes = [1], strides = [1]} : vector<16xi32> to vector<1xi32>
      %squeeze3A_700 = vector.extract %slice3A_699[0] : i32 from vector<1xi32>
      %sub3A_701 = arith.constant 512 : i32
      %sub3A_702 = arith.subi %mul3A_450, %sub3A_701 : i32
      %add3A_703 = arith.constant 12 : i32
      %add3A_704 = arith.addi %sub3A_702, %add3A_703 : i32
      %dma_start3A_705 = arith.constant 0 : i32
      %dma_start3A_706 = arith.constant 0 : i32
      %dma_start3A_707 = tpu.memref_slice %arg6[%add3A_704, %dma_start3A_706] : memref<512x64xf32, #tpu.memory_space<vmem>> -> memref<1x64xf32, #tpu.memory_space<vmem>>
      %dma_start3A_708 = arith.constant 0 : i32
      %dma_start3A_709 = tpu.memref_slice %arg3[%squeeze3A_700, %dma_start3A_708] : memref<1000000x64xf32, #tpu.memory_space<hbm>> -> memref<1x64xf32, #tpu.memory_space<hbm>>
      %dma_start3A_710 = tpu.memref_slice %arg7[%dma_start3A_705] : memref<4x!tpu.dma_semaphore, #tpu.memory_space<semaphore_mem>> -> memref<1x!tpu.dma_semaphore, #tpu.memory_space<semaphore_mem>>
      %dma_start3A_711 = tpu.memref_squeeze %dma_start3A_710 : memref<1x!tpu.dma_semaphore, #tpu.memory_space<semaphore_mem>> -> memref<!tpu.dma_semaphore, #tpu.memory_space<semaphore_mem>>
      %dma_start3A_712 = arith.constant 0 : i32
      %dma_start3A_713 = tpu.memref_slice %arg6[%add3A_704, %dma_start3A_712] : memref<512x64xf32, #tpu.memory_space<vmem>> -> memref<1x64xf32, #tpu.memory_space<vmem>>
      %dma_start3A_714 = arith.constant 0 : i32
      %dma_start3A_715 = tpu.memref_slice %arg3[%squeeze3A_700, %dma_start3A_714] : memref<1000000x64xf32, #tpu.memory_space<hbm>> -> memref<1x64xf32, #tpu.memory_space<hbm>>
      tpu.enqueue_dma source(%dma_start3A_715 : memref<1x64xf32, #tpu.memory_space<hbm>>) target(%dma_start3A_713 : memref<1x64xf32, #tpu.memory_space<vmem>>) target_semaphore(%dma_start3A_711 : memref<!tpu.dma_semaphore, #tpu.memory_space<semaphore_mem>>)
      %slice3A_716 = vector.extract_strided_slice %select_n3A_494 {offsets = [13], sizes = [1], strides = [1]} : vector<16xi32> to vector<1xi32>
      %squeeze3A_717 = vector.extract %slice3A_716[0] : i32 from vector<1xi32>
      %sub3A_718 = arith.constant 512 : i32
      %sub3A_719 = arith.subi %mul3A_450, %sub3A_718 : i32
      %add3A_720 = arith.constant 13 : i32
      %add3A_721 = arith.addi %sub3A_719, %add3A_720 : i32
      %dma_start3A_722 = arith.constant 1 : i32
      %dma_start3A_723 = arith.constant 0 : i32
      %dma_start3A_724 = tpu.memref_slice %arg6[%add3A_721, %dma_start3A_723] : memref<512x64xf32, #tpu.memory_space<vmem>> -> memref<1x64xf32, #tpu.memory_space<vmem>>
      %dma_start3A_725 = arith.constant 0 : i32
      %dma_start3A_726 = tpu.memref_slice %arg3[%squeeze3A_717, %dma_start3A_725] : memref<1000000x64xf32, #tpu.memory_space<hbm>> -> memref<1x64xf32, #tpu.memory_space<hbm>>
      %dma_start3A_727 = tpu.memref_slice %arg7[%dma_start3A_722] : memref<4x!tpu.dma_semaphore, #tpu.memory_space<semaphore_mem>> -> memref<1x!tpu.dma_semaphore, #tpu.memory_space<semaphore_mem>>
      %dma_start3A_728 = tpu.memref_squeeze %dma_start3A_727 : memref<1x!tpu.dma_semaphore, #tpu.memory_space<semaphore_mem>> -> memref<!tpu.dma_semaphore, #tpu.memory_space<semaphore_mem>>
      %dma_start3A_729 = arith.constant 0 : i32
      %dma_start3A_730 = tpu.memref_slice %arg6[%add3A_721, %dma_start3A_729] : memref<512x64xf32, #tpu.memory_space<vmem>> -> memref<1x64xf32, #tpu.memory_space<vmem>>
      %dma_start3A_731 = arith.constant 0 : i32
      %dma_start3A_732 = tpu.memref_slice %arg3[%squeeze3A_717, %dma_start3A_731] : memref<1000000x64xf32, #tpu.memory_space<hbm>> -> memref<1x64xf32, #tpu.memory_space<hbm>>
      tpu.enqueue_dma source(%dma_start3A_732 : memref<1x64xf32, #tpu.memory_space<hbm>>) target(%dma_start3A_730 : memref<1x64xf32, #tpu.memory_space<vmem>>) target_semaphore(%dma_start3A_728 : memref<!tpu.dma_semaphore, #tpu.memory_space<semaphore_mem>>)
      %slice3A_733 = vector.extract_strided_slice %select_n3A_494 {offsets = [14], sizes = [1], strides = [1]} : vector<16xi32> to vector<1xi32>
      %squeeze3A_734 = vector.extract %slice3A_733[0] : i32 from vector<1xi32>
      %sub3A_735 = arith.constant 512 : i32
      %sub3A_736 = arith.subi %mul3A_450, %sub3A_735 : i32
      %add3A_737 = arith.constant 14 : i32
      %add3A_738 = arith.addi %sub3A_736, %add3A_737 : i32
      %dma_start3A_739 = arith.constant 2 : i32
      %dma_start3A_740 = arith.constant 0 : i32
      %dma_start3A_741 = tpu.memref_slice %arg6[%add3A_738, %dma_start3A_740] : memref<512x64xf32, #tpu.memory_space<vmem>> -> memref<1x64xf32, #tpu.memory_space<vmem>>
      %dma_start3A_742 = arith.constant 0 : i32
      %dma_start3A_743 = tpu.memref_slice %arg3[%squeeze3A_734, %dma_start3A_742] : memref<1000000x64xf32, #tpu.memory_space<hbm>> -> memref<1x64xf32, #tpu.memory_space<hbm>>
      %dma_start3A_744 = tpu.memref_slice %arg7[%dma_start3A_739] : memref<4x!tpu.dma_semaphore, #tpu.memory_space<semaphore_mem>> -> memref<1x!tpu.dma_semaphore, #tpu.memory_space<semaphore_mem>>
      %dma_start3A_745 = tpu.memref_squeeze %dma_start3A_744 : memref<1x!tpu.dma_semaphore, #tpu.memory_space<semaphore_mem>> -> memref<!tpu.dma_semaphore, #tpu.memory_space<semaphore_mem>>
      %dma_start3A_746 = arith.constant 0 : i32
      %dma_start3A_747 = tpu.memref_slice %arg6[%add3A_738, %dma_start3A_746] : memref<512x64xf32, #tpu.memory_space<vmem>> -> memref<1x64xf32, #tpu.memory_space<vmem>>
      %dma_start3A_748 = arith.constant 0 : i32
      %dma_start3A_749 = tpu.memref_slice %arg3[%squeeze3A_734, %dma_start3A_748] : memref<1000000x64xf32, #tpu.memory_space<hbm>> -> memref<1x64xf32, #tpu.memory_space<hbm>>
      tpu.enqueue_dma source(%dma_start3A_749 : memref<1x64xf32, #tpu.memory_space<hbm>>) target(%dma_start3A_747 : memref<1x64xf32, #tpu.memory_space<vmem>>) target_semaphore(%dma_start3A_745 : memref<!tpu.dma_semaphore, #tpu.memory_space<semaphore_mem>>)
      %slice3A_750 = vector.extract_strided_slice %select_n3A_494 {offsets = [15], sizes = [1], strides = [1]} : vector<16xi32> to vector<1xi32>
      %squeeze3A_751 = vector.extract %slice3A_750[0] : i32 from vector<1xi32>
      %sub3A_752 = arith.constant 512 : i32
      %sub3A_753 = arith.subi %mul3A_450, %sub3A_752 : i32
      %add3A_754 = arith.constant 15 : i32
      %add3A_755 = arith.addi %sub3A_753, %add3A_754 : i32
      %dma_start3A_756 = arith.constant 3 : i32
      %dma_start3A_757 = arith.constant 0 : i32
      %dma_start3A_758 = tpu.memref_slice %arg6[%add3A_755, %dma_start3A_757] : memref<512x64xf32, #tpu.memory_space<vmem>> -> memref<1x64xf32, #tpu.memory_space<vmem>>
      %dma_start3A_759 = arith.constant 0 : i32
      %dma_start3A_760 = tpu.memref_slice %arg3[%squeeze3A_751, %dma_start3A_759] : memref<1000000x64xf32, #tpu.memory_space<hbm>> -> memref<1x64xf32, #tpu.memory_space<hbm>>
      %dma_start3A_761 = tpu.memref_slice %arg7[%dma_start3A_756] : memref<4x!tpu.dma_semaphore, #tpu.memory_space<semaphore_mem>> -> memref<1x!tpu.dma_semaphore, #tpu.memory_space<semaphore_mem>>
      %dma_start3A_762 = tpu.memref_squeeze %dma_start3A_761 : memref<1x!tpu.dma_semaphore, #tpu.memory_space<semaphore_mem>> -> memref<!tpu.dma_semaphore, #tpu.memory_space<semaphore_mem>>
      %dma_start3A_763 = arith.constant 0 : i32
      %dma_start3A_764 = tpu.memref_slice %arg6[%add3A_755, %dma_start3A_763] : memref<512x64xf32, #tpu.memory_space<vmem>> -> memref<1x64xf32, #tpu.memory_space<vmem>>
      %dma_start3A_765 = arith.constant 0 : i32
      %dma_start3A_766 = tpu.memref_slice %arg3[%squeeze3A_751, %dma_start3A_765] : memref<1000000x64xf32, #tpu.memory_space<hbm>> -> memref<1x64xf32, #tpu.memory_space<hbm>>
      tpu.enqueue_dma source(%dma_start3A_766 : memref<1x64xf32, #tpu.memory_space<hbm>>) target(%dma_start3A_764 : memref<1x64xf32, #tpu.memory_space<vmem>>) target_semaphore(%dma_start3A_762 : memref<!tpu.dma_semaphore, #tpu.memory_space<semaphore_mem>>)
      %scan3A_767 = arith.constant 0 : i32
      scf.yield %scan3A_767 : i32
    }
    %scan3A_76 = arith.constant 32 : i32
    %dma_wait3A_77 = arith.constant 0 : i32
    %dma_wait3A_78 = arith.constant 0 : i32
    %dma_wait3A_79 = arith.constant 0 : i32
    %dma_wait3A_80 = tpu.memref_slice %arg6[%dma_wait3A_78, %dma_wait3A_79] : memref<512x64xf32, #tpu.memory_space<vmem>> -> memref<128x64xf32, #tpu.memory_space<vmem>>
    %dma_wait3A_81 = arith.constant 0 : i32
    %dma_wait3A_82 = arith.constant 0 : i32
    %dma_wait3A_83 = tpu.memref_slice %arg3[%dma_wait3A_81, %dma_wait3A_82] : memref<1000000x64xf32, #tpu.memory_space<hbm>> -> memref<128x64xf32, #tpu.memory_space<hbm>>
    %dma_wait3A_84 = tpu.memref_slice %arg7[%dma_wait3A_77] : memref<4x!tpu.dma_semaphore, #tpu.memory_space<semaphore_mem>> -> memref<1x!tpu.dma_semaphore, #tpu.memory_space<semaphore_mem>>
    %dma_wait3A_85 = tpu.memref_squeeze %dma_wait3A_84 : memref<1x!tpu.dma_semaphore, #tpu.memory_space<semaphore_mem>> -> memref<!tpu.dma_semaphore, #tpu.memory_space<semaphore_mem>>
    %dma_wait3A_86 = arith.constant 0 : i32
    %dma_wait3A_87 = arith.constant 0 : i32
    %dma_wait3A_88 = tpu.memref_slice %arg6[%dma_wait3A_86, %dma_wait3A_87] : memref<512x64xf32, #tpu.memory_space<vmem>> -> memref<128x64xf32, #tpu.memory_space<vmem>>
    %dma_wait3A_89 = arith.constant 0 : i32
    %dma_wait3A_90 = arith.constant 0 : i32
    %dma_wait3A_91 = tpu.memref_slice %arg3[%dma_wait3A_89, %dma_wait3A_90] : memref<1000000x64xf32, #tpu.memory_space<hbm>> -> memref<128x64xf32, #tpu.memory_space<hbm>>
    tpu.wait_dma2 semaphore(%dma_wait3A_85 : memref<!tpu.dma_semaphore, #tpu.memory_space<semaphore_mem>>) src(%dma_wait3A_91 : memref<128x64xf32, #tpu.memory_space<hbm>>) dst(%dma_wait3A_88 : memref<128x64xf32, #tpu.memory_space<vmem>>)
    %dma_wait3A_92 = arith.constant 1 : i32
    %dma_wait3A_93 = arith.constant 128 : i32
    %dma_wait3A_94 = arith.constant 0 : i32
    %dma_wait3A_95 = tpu.memref_slice %arg6[%dma_wait3A_93, %dma_wait3A_94] : memref<512x64xf32, #tpu.memory_space<vmem>> -> memref<128x64xf32, #tpu.memory_space<vmem>>
    %dma_wait3A_96 = arith.constant 0 : i32
    %dma_wait3A_97 = arith.constant 0 : i32
    %dma_wait3A_98 = tpu.memref_slice %arg3[%dma_wait3A_96, %dma_wait3A_97] : memref<1000000x64xf32, #tpu.memory_space<hbm>> -> memref<128x64xf32, #tpu.memory_space<hbm>>
    %dma_wait3A_99 = tpu.memref_slice %arg7[%dma_wait3A_92] : memref<4x!tpu.dma_semaphore, #tpu.memory_space<semaphore_mem>> -> memref<1x!tpu.dma_semaphore, #tpu.memory_space<semaphore_mem>>
    %dma_wait3A_100 = tpu.memref_squeeze %dma_wait3A_99 : memref<1x!tpu.dma_semaphore, #tpu.memory_space<semaphore_mem>> -> memref<!tpu.dma_semaphore, #tpu.memory_space<semaphore_mem>>
    %dma_wait3A_101 = arith.constant 128 : i32
    %dma_wait3A_102 = arith.constant 0 : i32
    %dma_wait3A_103 = tpu.memref_slice %arg6[%dma_wait3A_101, %dma_wait3A_102] : memref<512x64xf32, #tpu.memory_space<vmem>> -> memref<128x64xf32, #tpu.memory_space<vmem>>
    %dma_wait3A_104 = arith.constant 0 : i32
    %dma_wait3A_105 = arith.constant 0 : i32
    %dma_wait3A_106 = tpu.memref_slice %arg3[%dma_wait3A_104, %dma_wait3A_105] : memref<1000000x64xf32, #tpu.memory_space<hbm>> -> memref<128x64xf32, #tpu.memory_space<hbm>>
    tpu.wait_dma2 semaphore(%dma_wait3A_100 : memref<!tpu.dma_semaphore, #tpu.memory_space<semaphore_mem>>) src(%dma_wait3A_106 : memref<128x64xf32, #tpu.memory_space<hbm>>) dst(%dma_wait3A_103 : memref<128x64xf32, #tpu.memory_space<vmem>>)
    %dma_wait3A_107 = arith.constant 2 : i32
    %dma_wait3A_108 = arith.constant 256 : i32
    %dma_wait3A_109 = arith.constant 0 : i32
    %dma_wait3A_110 = tpu.memref_slice %arg6[%dma_wait3A_108, %dma_wait3A_109] : memref<512x64xf32, #tpu.memory_space<vmem>> -> memref<128x64xf32, #tpu.memory_space<vmem>>
    %dma_wait3A_111 = arith.constant 0 : i32
    %dma_wait3A_112 = arith.constant 0 : i32
    %dma_wait3A_113 = tpu.memref_slice %arg3[%dma_wait3A_111, %dma_wait3A_112] : memref<1000000x64xf32, #tpu.memory_space<hbm>> -> memref<128x64xf32, #tpu.memory_space<hbm>>
    %dma_wait3A_114 = tpu.memref_slice %arg7[%dma_wait3A_107] : memref<4x!tpu.dma_semaphore, #tpu.memory_space<semaphore_mem>> -> memref<1x!tpu.dma_semaphore, #tpu.memory_space<semaphore_mem>>
    %dma_wait3A_115 = tpu.memref_squeeze %dma_wait3A_114 : memref<1x!tpu.dma_semaphore, #tpu.memory_space<semaphore_mem>> -> memref<!tpu.dma_semaphore, #tpu.memory_space<semaphore_mem>>
    %dma_wait3A_116 = arith.constant 256 : i32
    %dma_wait3A_117 = arith.constant 0 : i32
    %dma_wait3A_118 = tpu.memref_slice %arg6[%dma_wait3A_116, %dma_wait3A_117] : memref<512x64xf32, #tpu.memory_space<vmem>> -> memref<128x64xf32, #tpu.memory_space<vmem>>
    %dma_wait3A_119 = arith.constant 0 : i32
    %dma_wait3A_120 = arith.constant 0 : i32
    %dma_wait3A_121 = tpu.memref_slice %arg3[%dma_wait3A_119, %dma_wait3A_120] : memref<1000000x64xf32, #tpu.memory_space<hbm>> -> memref<128x64xf32, #tpu.memory_space<hbm>>
    tpu.wait_dma2 semaphore(%dma_wait3A_115 : memref<!tpu.dma_semaphore, #tpu.memory_space<semaphore_mem>>) src(%dma_wait3A_121 : memref<128x64xf32, #tpu.memory_space<hbm>>) dst(%dma_wait3A_118 : memref<128x64xf32, #tpu.memory_space<vmem>>)
    %dma_wait3A_122 = arith.constant 3 : i32
    %dma_wait3A_123 = arith.constant 384 : i32
    %dma_wait3A_124 = arith.constant 0 : i32
    %dma_wait3A_125 = tpu.memref_slice %arg6[%dma_wait3A_123, %dma_wait3A_124] : memref<512x64xf32, #tpu.memory_space<vmem>> -> memref<128x64xf32, #tpu.memory_space<vmem>>
    %dma_wait3A_126 = arith.constant 0 : i32
    %dma_wait3A_127 = arith.constant 0 : i32
    %dma_wait3A_128 = tpu.memref_slice %arg3[%dma_wait3A_126, %dma_wait3A_127] : memref<1000000x64xf32, #tpu.memory_space<hbm>> -> memref<128x64xf32, #tpu.memory_space<hbm>>
    %dma_wait3A_129 = tpu.memref_slice %arg7[%dma_wait3A_122] : memref<4x!tpu.dma_semaphore, #tpu.memory_space<semaphore_mem>> -> memref<1x!tpu.dma_semaphore, #tpu.memory_space<semaphore_mem>>
    %dma_wait3A_130 = tpu.memref_squeeze %dma_wait3A_129 : memref<1x!tpu.dma_semaphore, #tpu.memory_space<semaphore_mem>> -> memref<!tpu.dma_semaphore, #tpu.memory_space<semaphore_mem>>
    %dma_wait3A_131 = arith.constant 384 : i32
    %dma_wait3A_132 = arith.constant 0 : i32
    %dma_wait3A_133 = tpu.memref_slice %arg6[%dma_wait3A_131, %dma_wait3A_132] : memref<512x64xf32, #tpu.memory_space<vmem>> -> memref<128x64xf32, #tpu.memory_space<vmem>>
    %dma_wait3A_134 = arith.constant 0 : i32
    %dma_wait3A_135 = arith.constant 0 : i32
    %dma_wait3A_136 = tpu.memref_slice %arg3[%dma_wait3A_134, %dma_wait3A_135] : memref<1000000x64xf32, #tpu.memory_space<hbm>> -> memref<128x64xf32, #tpu.memory_space<hbm>>
    tpu.wait_dma2 semaphore(%dma_wait3A_130 : memref<!tpu.dma_semaphore, #tpu.memory_space<semaphore_mem>>) src(%dma_wait3A_136 : memref<128x64xf32, #tpu.memory_space<hbm>>) dst(%dma_wait3A_133 : memref<128x64xf32, #tpu.memory_space<vmem>>)
    %add3A_137 = arith.constant 512 : i32
    %add3A_138 = arith.addi %mul3A_2, %add3A_137 : i32
    "tpu.region"() ({
      %run_scoped3A = tpu.sem_alloc : memref<!tpu.dma_semaphore, #tpu.memory_space<semaphore_mem>>
      %dma_start3A = arith.constant 0 : i32
      %dma_start3A_139 = tpu.memref_slice %arg4[%add3A_138, %dma_start3A] : memref<32768x64xf32, #tpu.memory_space<hbm>> -> memref<512x64xf32, #tpu.memory_space<hbm>>
      %dma_start3A_140 = arith.constant 0 : i32
      %dma_start3A_141 = tpu.memref_slice %arg4[%add3A_138, %dma_start3A_140] : memref<32768x64xf32, #tpu.memory_space<hbm>> -> memref<512x64xf32, #tpu.memory_space<hbm>>
      tpu.enqueue_dma source(%arg6 : memref<512x64xf32, #tpu.memory_space<vmem>>) target(%dma_start3A_141 : memref<512x64xf32, #tpu.memory_space<hbm>>) target_semaphore(%run_scoped3A : memref<!tpu.dma_semaphore, #tpu.memory_space<semaphore_mem>>)
      %dma_wait3A_142 = arith.constant 0 : i32
      %dma_wait3A_143 = tpu.memref_slice %arg4[%add3A_138, %dma_wait3A_142] : memref<32768x64xf32, #tpu.memory_space<hbm>> -> memref<512x64xf32, #tpu.memory_space<hbm>>
      %dma_wait3A_144 = arith.constant 0 : i32
      %dma_wait3A_145 = tpu.memref_slice %arg4[%add3A_138, %dma_wait3A_144] : memref<32768x64xf32, #tpu.memory_space<hbm>> -> memref<512x64xf32, #tpu.memory_space<hbm>>
      tpu.wait_dma2 semaphore(%run_scoped3A : memref<!tpu.dma_semaphore, #tpu.memory_space<semaphore_mem>>) src(%arg6 : memref<512x64xf32, #tpu.memory_space<vmem>>) dst(%dma_wait3A_145 : memref<512x64xf32, #tpu.memory_space<hbm>>)
      tpu.yield
    }) : () -> ()
    return
  }
}

</mosaic_0001>

<sc_bundles>
// kernel: kernel.3.cloned.1.call-start
scs
__scs_entry_jumppad:
0x0: {  	(pc) =	sbr.rel $0x88, $3  }
0x1: {  	(tag) =	ssettag $0x0;
	lr =	simm.s32 $0x1  }
0x2: {  	[smem:$0x3F9F] =	sst lr;
	_ =	strace $0xD0000000  }
0x3: {  	_ = 	snop  }
0x4: {  	_ = 	snop  }
0x5: {  	_ = 	snop  }
0x6: {  	_ = 	snop  }
0x7: {  	_ = 	snop  }
__scs_overlays_trampoline_lowered:
0x8: {  	[smem:$0x3FAE] =	sst s0  }
0x9: {  	[smem:$0x3FAF] =	sst s1  }
0xa: {  	[smem:$0x3FB0] =	sst s2  }
0xb: {  	[smem:$0x3FB1] =	sst s3  }
0xc: {  	[smem:$0x3FB2] =	sst s4  }
0xd: {  	[smem:$0x3FB3] =	sst s5  }
0xe: {  	[smem:$0x3FB4] =	sst s6  }
0xf: {  	[smem:$0x3FB5] =	sst s7  }
0x10: {  	[smem:$0x3FB6] =	sst s8  }
0x11: {  	[smem:$0x3FB7] =	sst s9;
	s0 =	simm.s32 @!p0 $0x0  }
0x12: {  	s1 =	sld [smem:$0x3F9D];
	s0 =	simm.s32 @p0 $0x1  }
0x13: {  	[smem:$0x3FB8] =	sst s0;
	s0 =	simm.s32 @!p1 $0x0  }
0x14: {  	s2 =	sld [smem:$0x3F9C];
	s0 =	simm.s32 @p1 $0x1  }
0x15: {  	[smem:$0x3FB9] =	sst s0;
	s0 =	simm.s32 @!p2 $0x0  }
0x16: {  	s3 =	sld [smem:$0x3FDB];
	s0 =	simm.s32 @p2 $0x1  }
0x17: {  	s4 =	simm.s32 $0x1BF5;
	[smem:$0x3FBB] =	sst s0  }
0x18: {  	s0 =	sld [smem:$0x3F9E];
	_ =	swait.ge [sflag:s4], $0x0  }
0x19: {  	s7 =	sld [smem:$0x3F9F]  }
0x1a: {  	s8 =	sadd.s32 $0xFFFFE003, lr  }
0x1b: {  	s9 =	sadd.s32 $0xFFFFFEF7, lr;
	s5 =	simm.s32 $0xFFFFFFFF;
	p2 =	slt.u32 s8, $0xFFFFF086  }
0x1c: {  	p1 =	slt.u32 s9, $0xF7A;
	s5 =	simm.s32 @!p2 $0x0  }
0x1d: {  	s5 =	simm.s32 @p1 $0x1;
	p0 =	seq.s32 s7, s2  }
0x1e: {  	s7 =	smul.u32 @!p0 $0xF7A, s2;
	p2 =	seq.s32 @!p0 s5, $0x0  }
0x1f: {  	s9 =	smul.u32 $0xF7A, s1;
	s8 =	simm.s32 @!p0 $0x1BF5;
	p2 =	por !p2, p0  }
0x20: {  	[sflag:s8] =	ssyncset.s32 @!p0 $0xFFFFF086;
	s6 =	sadd.s32 @!p0 s3, s7;
	s7 =	simm.s32 @!p0 $0x108  }
0x21: {  	s3 =	sadd.s32 s3, s9;
	s6 =	sadd.s32 @!p0 $0x88, s6;
	s7 =	simm.s32 @p2 $0x1082  }
0x22: {  	[simem:s7], [sflag:s8] =	dma.local @!p0 [hbm:s6], $0xF7A  }
0x23: {  	s9 =	sor.u32 $0xD0000000, s2;
	s6 =	simm.s32 $0x108;
	_ =	swait.ge @!p0 [sflag:s8], $0x0  }
0x24: {  	s3 =	sadd.s32 $0x88, s3;
	s6 =	simm.s32 @!p1 $0x1082;
	[sflag:s4] =	ssyncset.s32 $0xFFFFF086  }
0x25: {  	[simem:s6], [sflag:s4] =	dma.local [hbm:s3], $0xF7A  }
0x26: {  	[smem:$0x3F9F] =	sst s1;
	(tag) =	ssettag s2;
	_ =	strace s9  }
0x27: {  	s1 =	sld [smem:$0x3FAF]  }
0x28: {  	s2 =	sld [smem:$0x3FB0]  }
0x29: {  	s4 =	sld [smem:$0x3FB2]  }
0x2a: {  	p0 =	seq.s32 s5, $0x0;
	s5 =	sld [smem:$0x3FB3]  }
0x2b: {  	s6 =	sld [smem:$0x3FB4]  }
0x2c: {  	s7 =	sld [smem:$0x3FB5]  }
0x2d: {  	s3 =	simm.s32 $0x108;
	s8 =	sld [smem:$0x3FB6]  }
0x2e: {  	s3 =	simm.s32 @!p0 $0x1082;
	s9 =	sld [smem:$0x3FB7]  }
0x2f: {  	lr =	sadd.s32 s0, s3;
	s0 =	sld [smem:$0x3FAE]  }
0x30: {  	s3 =	sld [smem:$0x3FB1]  }
0x31: {  	[smem:$0x3FBA] =	sst s10  }
0x32: {  	s10 =	sld [smem:$0x3FB8];
	_ =	sdelay $0x3  }
0x33: {  	p0 =	seq.s32 s10, $0x1;
	s10 =	sld [smem:$0x3FBA];
	_ =	sdelay $0x3  }
0x34: {  	[smem:$0x3FBA] =	sst s10  }
0x35: {  	s10 =	sld [smem:$0x3FB9];
	_ =	sdelay $0x3  }
0x36: {  	p1 =	seq.s32 s10, $0x1;
	s10 =	sld [smem:$0x3FBA];
	_ =	sdelay $0x3  }
0x37: {  	[smem:$0x3FBA] =	sst s10  }
0x38: {  	s10 =	sld [smem:$0x3FBB]  }
0x39: {  	_ = 	snop;
	(pc) =	sbr.ind lr, $3  }
0x3a: {  	_ = 	snop  }
0x3b: {  	_ = 	snop  }
0x3c: {  	p2 =	seq.s32 s10, $0x1;
	s10 =	sld [smem:$0x3FBA]  }
0x3d: {  	_ =	shalt  }
0x3e: {  	_ =	shalt  }
0x3f: {  	_ =	shalt  }
0x40: {  	_ =	shalt  }
0x41: {  	_ =	shalt  }
0x42: {  	_ =	shalt  }
0x43: {  	_ =	shalt  }
0x44: {  	_ =	shalt  }
0x45: {  	_ =	shalt  }
0x46: {  	_ =	shalt  }
0x47: {  	_ =	shalt  }
0x48: {  	_ =	shalt  }
0x49: {  	_ =	shalt  }
0x4a: {  	_ =	shalt  }
0x4b: {  	_ =	shalt  }
0x4c: {  	_ =	shalt  }
0x4d: {  	_ =	shalt  }
0x4e: {  	_ =	shalt  }
0x4f: {  	_ =	shalt  }
0x50: {  	_ =	shalt  }
0x51: {  	_ =	shalt  }
0x52: {  	_ =	shalt  }
0x53: {  	_ =	shalt  }
0x54: {  	_ =	shalt  }
0x55: {  	_ =	shalt  }
0x56: {  	_ =	shalt  }
0x57: {  	_ =	shalt  }
0x58: {  	_ =	shalt  }
0x59: {  	_ =	shalt  }
0x5a: {  	_ =	shalt  }
0x5b: {  	_ =	shalt  }
0x5c: {  	_ =	shalt  }
0x5d: {  	_ =	shalt  }
0x5e: {  	_ =	shalt  }
0x5f: {  	_ =	shalt  }
0x60: {  	_ =	shalt  }
0x61: {  	_ =	shalt  }
0x62: {  	_ =	shalt  }
0x63: {  	_ =	shalt  }
0x64: {  	_ =	shalt  }
0x65: {  	_ =	shalt  }
0x66: {  	_ =	shalt  }
0x67: {  	_ =	shalt  }
0x68: {  	_ =	shalt  }
0x69: {  	_ =	shalt  }
0x6a: {  	_ =	shalt  }
0x6b: {  	_ =	shalt  }
0x6c: {  	_ =	shalt  }
0x6d: {  	_ =	shalt  }
0x6e: {  	_ =	shalt  }
0x6f: {  	_ =	shalt  }
0x70: {  	_ =	shalt  }
0x71: {  	_ =	shalt  }
0x72: {  	_ =	shalt  }
0x73: {  	_ =	shalt  }
0x74: {  	_ =	shalt  }
0x75: {  	_ =	shalt  }
0x76: {  	_ =	shalt  }
0x77: {  	_ =	shalt  }
0x78: {  	_ =	shalt  }
0x79: {  	_ =	shalt  }
0x7a: {  	_ =	shalt  }
0x7b: {  	_ =	shalt  }
0x7c: {  	_ =	shalt  }
0x7d: {  	_ =	shalt  }
0x7e: {  	_ =	shalt  }
0x7f: {  	_ =	shalt  }
0x80: {  	_ =	shalt  }
0x81: {  	_ =	shalt  }
0x82: {  	_ =	shalt  }
0x83: {  	_ =	shalt  }
0x84: {  	_ =	shalt  }
0x85: {  	_ =	shalt  }
0x86: {  	_ =	shalt  }
0x87: {  	_ =	shalt  }
.Lfunc_end0:
.L_simem_size_0:
called_computation_lowered:
.L_overlay_start_0:
0x88: {  	s2 =	sld [smem:$0x3FD9]  }
0x89: {  	s3 =	sld [smem:$0x3FFE];
	_ =	sdelay $0x1  }
0x8a: {  	s1 =	srdreg.scid  }
0x8b: {  	s0 =	sand.u32 $0x1, s1  }
0x8c: {  	s17 =	sshll.u32 s0, $0xA;
	s2 =	sadd.s32 s3, s2  }
0x8d: {  	s2 =	sadd.s32 s2, s17  }
0x8e: {  	[smem:$0x3FC6] =	sst s2  }
0x8f: {  	_ = 	snop  }
0x90: {  	s2 =	sld [smem:$0x3FD0];
	(tm) =	ssettm $0x1  }
0x91: {  	s18 =	sld [smem:$0x3FFB];
	_ =	sdelay $0x3  }
0x92: {  	_ =	strace s18  }
0x93: {  	s3 =	sld [smem:$0x3FFC];
	_ =	sdelay $0x3  }
0x94: {  	_ =	strace s3  }
0x95: {  	s3 =	sld [smem:$0x3FFD];
	_ =	sdelay $0x3  }
0x96: {  	_ =	strace s3  }
0x97: {  	_ =	strace $0x8FFFFFFF  }
0x98: {  	s19 =	sld [smem:$0x3FDB];
	_ =	sdelay $0x1  }
0x99: {  	s4 =	simm.s32 $_scs_section_size  }
0x9a: {  	s5 =	simm.s32 $_size__tile_overlayer_lowered;
	s6 =	simm.s32 $_tile_overlayer_lowered  }
0x9b: {  	s22 =	simm.s32 $0x1BFF;
	s21 =	sshll.u32 s6, $0x1;
	s3 =	sadd.s32 s4, s19  }
0x9c: {  	s7 =	simm.s32 $0x0;
	s20 =	sshll.u32 s5, $0x1;
	s5 =	sadd.s32 s21, s3  }
0x9d: {  	[timem:s7], [sflag:s22] =	dma.local [hbm:s5], s20  }
0x9e: {  	_ =	swait.ge [sflag:s22], s20  }
0x9f: {  	s4 =	ssub.s32 $0x0, s20;
	[sflag:s22] =	ssyncset.done $0x0  }
0xa0: {  	[sflag:s22] =	ssyncadd.s32 s4;
	_ =	sdelay $0x1  }
0xa1: {  	s23 =	simm.s32 $0x1B8B  }
0xa2: {  	_ =	swait.ge [sflag:s23], $0x1  }
0xa3: {  	[sflag:s23] =	ssyncset.done $0x0  }
0xa4: {  	s25 =	simm.s32 $0x1B8E;
	s24 =	sld [smem:$0x3FFE];
	[sflag:s23] =	ssyncadd.s32 $0xFFFFFFFF  }
0xa5: {  	s26 =	simm.s32 $execute0_lowered;
	[smem:$0x3FD2] =	sst s25  }
0xa6: {  	s5 =	sshll.u32 s26, $0x1;
	_ =	strace $0x80000046;
	[dreg:$0x1] =	wrdreg $0xFFFFFFFF  }
0xa7: {  	s28 =	simm.s32 $_size_execute0_lowered;
	s3 =	sadd.s32 s3, s5;
	[dreg:$0x0] =	wrdreg $0x0  }
0xa8: {  	s5 =	sshll.u32 s28, $0x1;
	[dreg:$0x2] =	wrdreg s3  }
0xa9: {  	[dreg:$0x3] =	wrdreg s5  }
0xaa: {  	[dreg:$0x4] =	wrdreg $0xC0  }
0xab: {  	_ =	task [dreg:s7], $0x5FFFF  }
0xac: {  	[dreg:$0x1] =	wrdreg $0xFFFFFFFF  }
0xad: {  	[dreg:$0x0] =	wrdreg $0x60  }
0xae: {  	[dreg:$0x2] =	wrdreg s2  }
0xaf: {  	[dreg:$0x3] =	wrdreg s24  }
0xb0: {  	[dreg:$0x4] =	wrdreg $0x9  }
0xb1: {  	_ =	task.clear_ibuf [dreg:s7], $0x5FFFF;
	_ =	strace $0x90000046  }
0xb2: {  	s29 =	simm.s32 $0x9;
	_ =	strace $0x80000048  }
0xb3: {  	_ =	swait.ge [sflag:s29], $0x1  }
0xb4: {  	[sflag:s29] =	ssyncadd.s32 $0xFFFFFFFF  }
0xb5: {  	_ =	strace $0x90000048  }
0xb6: {  	_ =	sfence  }
0xb7: {  	s30 =	sld [smem:$0x0];
	_ =	sdelay $0x2  }
0xb8: {  	s31 =	sshll.u32 s1, $0xD;
	s1 =	sshrl.u32 s1, $0x2  }
0xb9: {  	s3 =	sand.u32 $0x4000, s31;
	s1 =	sadd.s32 s1, s30  }
0xba: {  	s0 =	sor.u32 s3, s0;
	s1 =	sshll.u32 s1, $0x11  }
0xbb: {  	s0 =	sor.u32 s1, s0  }
0xbc: {  	s0 =	sadd.s32 $0x8F2B, s0  }
0xbd: {  	[sflag:s0] =	ssyncadd.remote.s32 $0x1  }
0xbe: {  	_ =	sfence.sel $0xFFFF  }
0xbf: {  	[dreg:$0x0] =	wrdreg $0xFFFFFFFF;
	(pc) =	sbr.abs _section_cstart, $3  }
0xc0: {  	[dreg:$0x1] =	wrdreg $0xFFFFFFFF  }
0xc1: {  	_ =	task.clear_ibuf [dreg:s7], $0x2FFFF;
	_ =	strace $0x9FFFFFFF  }
0xc2: {  	(tm) =	ssettm $0x7FFFFFFF  }
0xc3: {  	_ =	shalt  }
tec
execute0_lowered:
.L_overlay_start_1:
0x0: {  	(tag) =	ssettag $0x1  }
0x1: {  	s0 =	rddreg [dreg:$0x0]  }
0x2: {  	s1 =	rddreg [dreg:$0x1];
	s2 =	srdreg.scid  }
0x3: {  	s3 =	stileid.u32;
	s5 =	sand.u32 $0x1, s2;
	s2 =	simm.s32 $0x0  }
0x4: {  	s3 =	sshll.u32 s3, $0xB;
	s4 =	sshll.u32 s5, $0xA;
	[smem:$0x7FF] =	sst s2  }
0x5: {  	s5 =	ssub.s32 $0x2, s5;
	s3 =	sor.u32 s4, s3;
	_ =	strace $0x80000047  }
0x6: {  	s4 =	sadd.s32 $0x600, s1;
	s28 =	sshrl.u32 s5, $0x1;
	s6 =	sshll.u32 s3, $0x4  }
0x7: {  	s7 =	sshrl.u32 s3, $0x3;
	[dreg:$0x3] =	wrdreg s3;
	s31 =	sor.u32 $0x200, s3  }
0x8: {  	v1 =	vimm.s32 $0xECA86420;
	s5 =	ssub.s32 s5, s28;
	s0 =	sadd.s32 s0, s7;
	[dreg:$0x8] =	wrdreg s31  }
0x9: {  	v0 =	vlaneseq.u32;
	vm0 =	vcmask $0xB08;
	vm1 =	vcmask $0x1310;
	s1 =	sadd.s32 s6, s1;
	s30 =	smax.u32 s5, $0x1;
	[dreg:$0x5] =	wrdreg s0  }
0xa: {  	vm2 =	vcmask $0x1B18;
	vm4 =	vcmask $0x300;
	v1 =	vunpack.c.l.s4.s8 v1;
	s8 =	sadd.s32 $0xF42A00, s1;
	[dreg:$0x7] =	wrdreg s30  }
0xb: {  	vm3 =	vcmask $0x2320;
	vm6 =	vcmask $0x2B28;
	vm7 =	vcmask $0x3330;
	s29 =	sadd.s32 $0xF44A00, s1;
	[dreg:$0x4] =	wrdreg s8  }
0xc: {  	vm8 =	vmmov $0xff;
	v2 =	vmul.u32 $0x2, v0;
	v1 =	vunpack.c.0.s8.s32 v1;
	s3 =	simm.s32 $0x0;
	s1 =	simm.s32 $0x5;
	[dreg:$0x6] =	wrdreg s29  }
.LBB2_1:
0xd: {  	[dreg:$0x9] =	wrdreg s3  }
0xe: {  	s0 =	rddreg [dreg:$0x5]  }
0xf: {  	[tilespmem:s2], [sflag:$0x5] =	stream.linear.gather [hbm4b:s0+s2], $0x408, $0x38;
	[tilespmem:$0x10480] =	vst v63  }
0x10: {  	_ =	swait.ge [sflag:s1], $0x408  }
0x11: {  	s18 =	simm.s32 $0x1400;
	s0 =	simm.s32 $0xFFFFFFFE;
	[sflag:s1] =	ssyncset.done $0x0  }
0x12: {  	vm13 =	vcmask $0x1F1C;
	vm15 =	vcmask $0x2F2C;
	s3 =	rddreg [dreg:$0x3];
	[sflag:s1] =	ssyncadd.s32 $0xFFFFFBF8;
	s1 =	simm.s32 $0x17  }
.LBB2_2:
0x13: {  	v3 =	vld [tilespmem:s1+$0xFFFFFFF0];
	_ =	sdelay $0x2  }
0x14: {  	v4 =	vld [tilespmem:s1+$0xFFFFFFF1]  }
0x15: {  	v5 =	vor.u32 s3, v0  }
0x16: {  	v5 =	vand.u32 $0x1DEF, v5;
	v3 =	vmul.u32 $0x1F, v3  }
0x17: {  	vm9 =	veq.s32 v5, $0x0  }
0x18: {  	v3 =	vsel vm9, $0x0, v3  }
0x19: {  	v3 =	vadd.s32 v4, v3  }
0x1a: {  	(v2sf) =	vpush v3, $0xD;
	_ =	sdelay $0x1  }
0x1b: {  	(v2sf) =	vpush v3, $0xC;
	_ =	sdelay $0x1  }
0x1c: {  	(v2sf) =	vpush v3, $0xE;
	_ =	sdelay $0x1  }
0x1d: {  	(v2sf) =	vpush v3, $0xF;
	_ =	sdelay $0x1  }
0x1e: {  	(v2sf) =	vpush v3, $0x9;
	_ =	sdelay $0x1  }
0x1f: {  	(v2sf) =	vpush v3, $0x8;
	_ =	sdelay $0x1  }
0x20: {  	(v2sf) =	vpush v3, $0xA;
	_ =	sdelay $0x1  }
0x21: {  	(v2sf) =	vpush v3, $0xB  }
0x22: {  	s9 =	spop (v2sf)  }
0x23: {  	[dreg:$0xa] =	wrdreg s0;
	(v2sf) =	vpush v3, $0x0;
	s10 =	smulhi.u32 $0x431BDE83, s9;
	s0 =	sshra.s32 s9, $0x1F  }
0x24: {  	s5 =	spop (v2sf);
	s0 =	smul.u32 $0x431BDE83, s0  }
0x25: {  	(v2sf) =	vpush v3, $0x1;
	s22 =	smulhi.u32 $0x431BDE83, s5;
	s5 =	sshra.s32 s5, $0x1F  }
0x26: {  	(v2sf) =	vpush v3, $0x2;
	s21 =	spop (v2sf);
	s5 =	smul.u32 $0x431BDE83, s5  }
0x27: {  	[dreg:$0xe] =	wrdreg s3;
	(v2sf) =	vpush v3, $0x3;
	s23 =	smulhi.u32 $0x431BDE83, s21;
	s21 =	sshra.s32 s21, $0x1F  }
0x28: {  	s24 =	spop (v2sf);
	(v2sf) =	vpush v3, $0x4;
	s25 =	smul.u32 $0x431BDE83, s21  }
0x29: {  	[dreg:$0xc] =	wrdreg s1;
	s11 =	smulhi.u32 $0x431BDE83, s24;
	s12 =	sshra.s32 s24, $0x1F;
	(v2sf) =	vpush v3, $0x5  }
0x2a: {  	s13 =	spop (v2sf);
	s26 =	smul.u32 $0x431BDE83, s12;
	(v2sf) =	vpush v3, $0x6  }
0x2b: {  	s21 =	sadd.s32 s0, s10;
	s28 =	smulhi.u32 $0x431BDE83, s13;
	s1 =	sshra.s32 s13, $0x1F;
	(v2sf) =	vpush v3, $0x7  }
0x2c: {  	s31 =	sshrl.u32 s21, $0x1F;
	s14 =	spop (v2sf);
	s29 =	smul.u32 $0x431BDE83, s1  }
0x2d: {  	s24 =	sadd.s32 s5, s22;
	s30 =	smulhi.u32 $0x431BDE83, s14;
	s15 =	sshra.s32 s14, $0x1F  }
0x2e: {  	s22 =	sadd.s32 s25, s23;
	s16 =	spop (v2sf);
	s7 =	smul.u32 $0x431BDE83, s15  }
0x2f: {  	s23 =	sadd.s32 s26, s11;
	s26 =	smulhi.u32 $0x431BDE83, s16;
	s17 =	sshra.s32 s16, $0x1F  }
0x30: {  	s6 =	sshrl.u32 s24, $0x1F;
	s19 =	spop (v2sf);
	s15 =	smul.u32 $0x431BDE83, s17  }
0x31: {  	s1 =	sshrl.u32 s22, $0x1F;
	s20 =	smulhi.u32 $0x431BDE83, s19;
	s14 =	sshra.s32 s19, $0x1F  }
0x32: {  	s5 =	sshrl.u32 s23, $0x1F;
	s8 =	smul.u32 $0x431BDE83, s14;
	s16 =	spop (v2sf)  }
0x33: {  	s25 =	sadd.s32 s29, s28;
	s9 =	smulhi.u32 $0x431BDE83, s16;
	s17 =	sshra.s32 s16, $0x1F  }
0x34: {  	s29 =	sadd.s32 s7, s30;
	s11 =	spop (v2sf);
	s3 =	smul.u32 $0x431BDE83, s17  }
0x35: {  	s19 =	spop (v2sf);
	s12 =	smulhi.u32 $0x431BDE83, s11;
	s11 =	sshra.s32 s11, $0x1F  }
0x36: {  	s30 =	sadd.s32 s15, s26;
	s13 =	spop (v2sf);
	s11 =	smul.u32 $0x431BDE83, s11  }
0x37: {  	s16 =	smulhi.u32 $0x431BDE83, s19;
	s7 =	sshra.s32 s19, $0x1F;
	s10 =	spop (v2sf)  }
0x38: {  	s26 =	sadd.s32 s8, s20;
	s7 =	smul.u32 $0x431BDE83, s7;
	s17 =	spop (v2sf)  }
0x39: {  	s8 =	smulhi.u32 $0x431BDE83, s13;
	s19 =	sshra.s32 s13, $0x1F;
	s15 =	spop (v2sf)  }
0x3a: {  	s11 =	sadd.s32 s11, s12;
	s12 =	smul.u32 $0x431BDE83, s19;
	s20 =	spop (v2sf)  }
0x3b: {  	s3 =	sadd.s32 s3, s9;
	s9 =	smulhi.u32 $0x431BDE83, s20;
	s28 =	sshra.s32 s20, $0x1F  }
0x3c: {  	v55 =	vmov s6;
	s0 =	sshrl.u32 s25, $0x1F;
	s14 =	sshrl.u32 s29, $0x1F;
	s28 =	smul.u32 $0x431BDE83, s28  }
0x3d: {  	v5 =	vsel vm0, s31, v55;
	s19 =	sshra.s32 s3, $0x12;
	s7 =	sadd.s32 s7, s16;
	s16 =	sshrl.u32 s26, $0x1F  }
0x3e: {  	vm11 =	vcmask $0x704;
	v5 =	vsel vm1, s1, v5;
	s8 =	sadd.s32 s12, s8;
	s12 =	smulhi.u32 $0x431BDE83, s10;
	s28 =	sadd.s32 s28, s9  }
0x3f: {  	vm5 =	vcmask $0xF0C;
	vm14 =	vmmov vm13;
	v5 =	vsel vm2, s5, v5;
	s10 =	sshra.s32 s10, $0x1F;
	s5 =	smulhi.u32 $0x431BDE83, s15;
	s13 =	sshra.s32 s28, $0x1F  }
0x40: {  	vm13 =	vcmask $0x1714;
	v7 =	vmov s14;
	s31 =	sshra.s32 s11, $0x12;
	s20 =	sshrl.u32 s30, $0x1F;
	s6 =	smul.u32 $0x431BDE83, s10;
	v54 =	vmov s13  }
0x41: {  	vm10 =	vmmov vm15;
	v7 =	vsel vm0, s0, v7;
	s10 =	sshrl.u32 s7, $0x1F;
	s9 =	sshrl.u32 s3, $0x1F;
	s3 =	sshra.s32 s3, $0x1F;
	v4 =	vsel vm4, s19, v54  }
0x42: {  	vm15 =	vcmask $0x2724;
	v7 =	vsel vm1, s20, v7;
	s20 =	sshra.s32 s30, $0x12;
	s6 =	sadd.s32 s6, s12;
	s12 =	sshra.s32 s24, $0x12;
	v4 =	vsel vm11, s3, v4  }
0x43: {  	vm12 =	vmmov vm8;
	v6 =	vmov s9;
	s9 =	smulhi.u32 $0x431BDE83, s17;
	s13 =	sshrl.u32 s11, $0x1F;
	s11 =	sshra.s32 s11, $0x1F;
	v4 =	vsel vm0, s31, v4  }
0x44: {  	vm8 =	vcmask $0x3B38;
	v7 =	vsel vm2, s16, v7;
	s17 =	sshra.s32 s17, $0x1F;
	s31 =	sshra.s32 s15, $0x1F;
	s15 =	sshra.s32 s7, $0x12;
	v4 =	vsel vm5, s11, v4  }
0x45: {  	s16 =	sshra.s32 s25, $0x12;
	v5 =	vcombine.low v7, v5;
	v6 =	vnsel vm4, $0x0, v6;
	s3 =	smul.u32 $0x431BDE83, s17;
	s7 =	sshra.s32 s7, $0x1F;
	v4 =	vsel vm1, s15, v4  }
0x46: {  	v56 =	vmov s12;
	v6 =	vsel vm0, s13, v6;
	s13 =	sshra.s32 s29, $0x12;
	s17 =	smul.u32 $0x431BDE83, s31;
	s31 =	sshra.s32 s8, $0x12;
	v4 =	vsel vm13, s7, v4  }
0x47: {  	s19 =	sshrl.u32 s8, $0x1F;
	v6 =	vsel vm1, s10, v6;
	v8 =	vmov s13;
	s1 =	sadd.s32 s3, s9;
	s9 =	sshra.s32 s8, $0x1F;
	v4 =	vsel vm2, s31, v4  }
0x48: {  	s14 =	sshra.s32 s6, $0x1F;
	v6 =	vsel vm2, s19, v6;
	s19 =	sshrl.u32 s6, $0x1F;
	v8 =	vsel vm0, s16, v8;
	s11 =	sshra.s32 s6, $0x12;
	v4 =	vsel vm14, s9, v4  }
0x49: {  	v6 =	vsel vm3, s19, v6;
	s19 =	sshra.s32 s22, $0x12;
	v8 =	vsel vm1, s20, v8;
	s22 =	sshra.s32 s26, $0x12;
	s15 =	sshra.s32 s21, $0x12;
	v4 =	vsel vm3, s11, v4  }
0x4a: {  	vm5 =	vmmov vm3;
	v8 =	vsel vm2, s22, v8;
	s7 =	sshrl.u32 s1, $0x1F;
	s5 =	sadd.s32 s17, s5;
	s17 =	sshra.s32 s1, $0x12;
	v4 =	vsel vm15, s14, v4  }
0x4b: {  	v7 =	vsel vm0, s15, v56;
	s1 =	sshra.s32 s1, $0x1F;
	v6 =	vsel vm6, s7, v6;
	s10 =	sshrl.u32 s5, $0x1F;
	v4 =	vsel vm6, s17, v4  }
0x4c: {  	s21 =	sshra.s32 s23, $0x12;
	v7 =	vsel vm1, s19, v7;
	s23 =	sshra.s32 s5, $0x12;
	v6 =	vsel vm7, s10, v6;
	v4 =	vsel vm10, s1, v4  }
0x4d: {  	s24 =	sshrl.u32 s28, $0x1F;
	s25 =	sshra.s32 s5, $0x1F;
	v7 =	vsel vm2, s21, v7;
	vm3 =	vcmask $0x3734;
	v4 =	vsel vm7, s23, v4  }
0x4e: {  	s26 =	sshra.s32 s28, $0x12;
	v6 =	vsel vm8, s24, v6;
	v7 =	vcombine.low v8, v7;
	v4 =	vsel vm3, s25, v4  }
0x4f: {  	v5 =	vperm.xlane v5, v1;
	v6 =	vperm.xlane v6, v2;
	v4 =	vsel vm8, s26, v4  }
0x50: {  	v7 =	vperm.xlane v7, v1;
	v4 =	vperm.xlane v4, v2;
	_ =	sdelay $0x1  }
0x51: {  	v5 =	vsel vm12, v6, v5;
	v4 =	vsel vm12, v4, v7  }
0x52: {  	v4 =	vadd.s32 v5, v4  }
0x53: {  	v4 =	vmul.u32 $0xF4240, v4;
	_ =	sdelay $0x1  }
0x54: {  	v3 =	vsub.s32 v3, v4  }
0x55: {  	vm9 =	vlt.s32 v3, $0x0;
	v4 =	vadd.s32 $0xF4240, v3  }
0x56: {  	v3 =	vsel vm9, v4, v3  }
0x57: {  	v3 =	vshll.u32 v3, $0x4  }
0x58: {  	(v2sf) =	vpush v3, $0x0;
	_ =	sdelay $0x1  }
0x59: {  	(v2sf) =	vpush v3, $0x1;
	_ =	sdelay $0x2  }
0x5a: {  	(v2sf) =	vpush v3, $0x2;
	_ =	sdelay $0x2  }
0x5b: {  	(v2sf) =	vpush v3, $0x3;
	_ =	sdelay $0x2  }
0x5c: {  	(v2sf) =	vpush v3, $0x4;
	_ =	sdelay $0x2  }
0x5d: {  	(v2sf) =	vpush v3, $0x5  }
0x5e: {  	s28 =	spop (v2sf)  }
0x5f: {  	s0 =	sand.u32 $0x1FFFFFF0, s28  }
0x60: {  	s29 =	sadd.s32 $0xFFFFF080, s18;
	(v2sf) =	vpush v3, $0x6;
	s30 =	spop (v2sf);
	s0 =	sadd.s32 s4, s0  }
0x61: {  	[tilespmem:s29], [sflag:$0x1] =	stream.linear.gather [hbm4b:s0+s2], $0x80, $0x38;
	[tilespmem:$0x10480] =	vst v63  }
0x62: {  	s0 =	sand.u32 $0x1FFFFFF0, s30  }
0x63: {  	s31 =	sadd.s32 $0xFFFFF100, s18;
	(v2sf) =	vpush v3, $0x7;
	s3 =	spop (v2sf);
	s0 =	sadd.s32 s4, s0  }
0x64: {  	[tilespmem:s31], [sflag:$0x2] =	stream.linear.gather [hbm4b:s0+s2], $0x80, $0x38;
	[tilespmem:$0x10480] =	vst v63  }
0x65: {  	s0 =	sand.u32 $0x1FFFFFF0, s3  }
0x66: {  	s5 =	sadd.s32 $0xFFFFF180, s18;
	(v2sf) =	vpush v3, $0x8;
	s6 =	spop (v2sf);
	s0 =	sadd.s32 s4, s0  }
0x67: {  	[tilespmem:s5], [sflag:$0x3] =	stream.linear.gather [hbm4b:s0+s2], $0x80, $0x38;
	[tilespmem:$0x10480] =	vst v63  }
0x68: {  	s0 =	sand.u32 $0x1FFFFFF0, s6  }
0x69: {  	s7 =	sadd.s32 $0xFFFFF200, s18;
	(v2sf) =	vpush v3, $0x9;
	s8 =	spop (v2sf);
	s0 =	sadd.s32 s4, s0  }
0x6a: {  	[tilespmem:s7], [sflag:$0x4] =	stream.linear.gather [hbm4b:s0+s2], $0x80, $0x38;
	[tilespmem:$0x10480] =	vst v63  }
0x6b: {  	s0 =	sand.u32 $0x1FFFFFF0, s8  }
0x6c: {  	s9 =	sadd.s32 $0xFFFFF280, s18;
	(v2sf) =	vpush v3, $0xA;
	s10 =	spop (v2sf);
	s0 =	sadd.s32 s4, s0  }
0x6d: {  	[tilespmem:s9], [sflag:$0x1] =	stream.linear.gather [hbm4b:s0+s2], $0x80, $0x38;
	[tilespmem:$0x10480] =	vst v63  }
0x6e: {  	s0 =	sand.u32 $0x1FFFFFF0, s10  }
0x6f: {  	s11 =	sadd.s32 $0xFFFFF300, s18;
	(v2sf) =	vpush v3, $0xB;
	s12 =	spop (v2sf);
	s0 =	sadd.s32 s4, s0  }
0x70: {  	[tilespmem:s11], [sflag:$0x2] =	stream.linear.gather [hbm4b:s0+s2], $0x80, $0x38;
	[tilespmem:$0x10480] =	vst v63  }
0x71: {  	s0 =	sand.u32 $0x1FFFFFF0, s12  }
0x72: {  	s13 =	sadd.s32 $0xFFFFF380, s18;
	(v2sf) =	vpush v3, $0xC;
	s14 =	spop (v2sf);
	s0 =	sadd.s32 s4, s0  }
0x73: {  	[tilespmem:s13], [sflag:$0x3] =	stream.linear.gather [hbm4b:s0+s2], $0x80, $0x38;
	[tilespmem:$0x10480] =	vst v63  }
0x74: {  	s0 =	sand.u32 $0x1FFFFFF0, s14  }
0x75: {  	s15 =	sadd.s32 $0xFFFFF400, s18;
	(v2sf) =	vpush v3, $0xD;
	s16 =	spop (v2sf);
	s0 =	sadd.s32 s4, s0  }
0x76: {  	[tilespmem:s15], [sflag:$0x4] =	stream.linear.gather [hbm4b:s0+s2], $0x80, $0x38;
	[tilespmem:$0x10480] =	vst v63  }
0x77: {  	s0 =	sand.u32 $0x1FFFFFF0, s16  }
0x78: {  	s17 =	sadd.s32 $0xFFFFF480, s18;
	(v2sf) =	vpush v3, $0xE;
	s19 =	spop (v2sf);
	s0 =	sadd.s32 s4, s0  }
0x79: {  	[tilespmem:s17], [sflag:$0x1] =	stream.linear.gather [hbm4b:s0+s2], $0x80, $0x38;
	[tilespmem:$0x10480] =	vst v63  }
0x7a: {  	s0 =	sand.u32 $0x1FFFFFF0, s19  }
0x7b: {  	s20 =	sadd.s32 $0xFFFFF500, s18;
	(v2sf) =	vpush v3, $0xF;
	s21 =	spop (v2sf);
	s0 =	sadd.s32 s4, s0  }
0x7c: {  	[tilespmem:s20], [sflag:$0x2] =	stream.linear.gather [hbm4b:s0+s2], $0x80, $0x38;
	[tilespmem:$0x10480] =	vst v63  }
0x7d: {  	s0 =	sand.u32 $0x1FFFFFF0, s21  }
0x7e: {  	s22 =	sadd.s32 $0xFFFFF580, s18;
	s23 =	spop (v2sf);
	s0 =	sadd.s32 s4, s0  }
0x7f: {  	[tilespmem:s22], [sflag:$0x3] =	stream.linear.gather [hbm4b:s0+s2], $0x80, $0x38;
	[tilespmem:$0x10480] =	vst v63  }
0x80: {  	s0 =	sand.u32 $0x1FFFFFF0, s23  }
0x81: {  	s24 =	sadd.s32 $0xFFFFF600, s18;
	s25 =	spop (v2sf);
	s0 =	sadd.s32 s4, s0  }
0x82: {  	[tilespmem:s24], [sflag:$0x4] =	stream.linear.gather [hbm4b:s0+s2], $0x80, $0x38;
	[tilespmem:$0x10480] =	vst v63  }
0x83: {  	s0 =	sand.u32 $0x1FFFFFF0, s25  }
0x84: {  	s26 =	sadd.s32 $0xFFFFF680, s18;
	s28 =	spop (v2sf);
	s0 =	sadd.s32 s4, s0  }
0x85: {  	[tilespmem:s26], [sflag:$0x1] =	stream.linear.gather [hbm4b:s0+s2], $0x80, $0x38;
	[tilespmem:$0x10480] =	vst v63  }
0x86: {  	s0 =	sand.u32 $0x1FFFFFF0, s28  }
0x87: {  	s29 =	sadd.s32 $0xFFFFF700, s18;
	s30 =	spop (v2sf);
	s0 =	sadd.s32 s4, s0  }
0x88: {  	[tilespmem:s29], [sflag:$0x2] =	stream.linear.gather [hbm4b:s0+s2], $0x80, $0x38;
	[tilespmem:$0x10480] =	vst v63  }
0x89: {  	s0 =	sand.u32 $0x1FFFFFF0, s30  }
0x8a: {  	s31 =	sadd.s32 $0xFFFFF780, s18;
	s3 =	spop (v2sf);
	s0 =	sadd.s32 s4, s0  }
0x8b: {  	[tilespmem:s31], [sflag:$0x3] =	stream.linear.gather [hbm4b:s0+s2], $0x80, $0x38;
	[tilespmem:$0x10480] =	vst v63  }
0x8c: {  	s0 =	sand.u32 $0x1FFFFFF0, s3  }
0x8d: {  	s5 =	sadd.s32 $0xFFFFF800, s18;
	s6 =	rddreg [dreg:$0xc];
	s0 =	sadd.s32 s4, s0  }
0x8e: {  	[tilespmem:s5], [sflag:$0x4] =	stream.linear.gather [hbm4b:s0+s2], $0x80, $0x38;
	[tilespmem:$0x10480] =	vst v63  }
0x8f: {  	v3 =	vld [tilespmem:s6+$0x0]  }
0x90: {  	s7 =	rddreg [dreg:$0xc]  }
0x91: {  	v57 =	vld [tilespmem:s7+$0x1];
	_ =	sdelay $0x2  }
0x92: {  	v3 =	vmul.u32 $0x1F, v3;
	_ =	sdelay $0x1  }
0x93: {  	v3 =	vadd.s32 v57, v3  }
0x94: {  	(v2sf) =	vpush v3, $0xD;
	_ =	sdelay $0x1  }
0x95: {  	(v2sf) =	vpush v3, $0xC;
	_ =	sdelay $0x1  }
0x96: {  	(v2sf) =	vpush v3, $0xE;
	_ =	sdelay $0x1  }
0x97: {  	(v2sf) =	vpush v3, $0xF;
	_ =	sdelay $0x1  }
0x98: {  	(v2sf) =	vpush v3, $0x9;
	_ =	sdelay $0x1  }
0x99: {  	(v2sf) =	vpush v3, $0x8;
	_ =	sdelay $0x1  }
0x9a: {  	(v2sf) =	vpush v3, $0xA;
	_ =	sdelay $0x1  }
0x9b: {  	(v2sf) =	vpush v3, $0xB  }
0x9c: {  	s8 =	spop (v2sf)  }
0x9d: {  	(v2sf) =	vpush v3, $0x0;
	s9 =	smulhi.u32 $0x431BDE83, s8;
	s0 =	sshra.s32 s8, $0x1F  }
0x9e: {  	s11 =	spop (v2sf);
	s0 =	smul.u32 $0x431BDE83, s0  }
0x9f: {  	(v2sf) =	vpush v3, $0x1;
	s12 =	smulhi.u32 $0x431BDE83, s11;
	s3 =	sshra.s32 s11, $0x1F  }
0xa0: {  	(v2sf) =	vpush v3, $0x2;
	s14 =	spop (v2sf);
	s3 =	smul.u32 $0x431BDE83, s3  }
0xa1: {  	(v2sf) =	vpush v3, $0x3;
	s15 =	smulhi.u32 $0x431BDE83, s14;
	s6 =	sshra.s32 s14, $0x1F  }
0xa2: {  	(v2sf) =	vpush v3, $0x4;
	s20 =	spop (v2sf);
	s6 =	smul.u32 $0x431BDE83, s6  }
0xa3: {  	(v2sf) =	vpush v3, $0x5;
	s21 =	smulhi.u32 $0x431BDE83, s20;
	s8 =	sshra.s32 s20, $0x1F  }
0xa4: {  	(v2sf) =	vpush v3, $0x6;
	s23 =	spop (v2sf);
	s8 =	smul.u32 $0x431BDE83, s8  }
0xa5: {  	(v2sf) =	vpush v3, $0x7;
	s25 =	smulhi.u32 $0x431BDE83, s23;
	s10 =	sshra.s32 s23, $0x1F  }
0xa6: {  	s24 =	spop (v2sf);
	s10 =	smul.u32 $0x431BDE83, s10  }
0xa7: {  	s22 =	sadd.s32 s0, s9;
	s16 =	smulhi.u32 $0x431BDE83, s24;
	s11 =	sshra.s32 s24, $0x1F  }
0xa8: {  	s19 =	sshrl.u32 s22, $0x1F;
	s29 =	spop (v2sf);
	s11 =	smul.u32 $0x431BDE83, s11  }
0xa9: {  	s24 =	sadd.s32 s3, s12;
	s20 =	smulhi.u32 $0x431BDE83, s29;
	s26 =	sshra.s32 s29, $0x1F  }
0xaa: {  	s23 =	sadd.s32 s6, s15;
	s30 =	spop (v2sf);
	s1 =	smul.u32 $0x431BDE83, s26  }
0xab: {  	s14 =	sshrl.u32 s24, $0x1F;
	s29 =	smulhi.u32 $0x431BDE83, s30;
	s30 =	sshra.s32 s30, $0x1F  }
0xac: {  	s21 =	sadd.s32 s8, s21;
	s31 =	spop (v2sf);
	s5 =	smul.u32 $0x431BDE83, s30  }
0xad: {  	s8 =	sshrl.u32 s23, $0x1F;
	s6 =	smulhi.u32 $0x431BDE83, s31;
	s31 =	sshra.s32 s31, $0x1F  }
0xae: {  	s25 =	sadd.s32 s10, s25;
	s17 =	spop (v2sf);
	s7 =	smul.u32 $0x431BDE83, s31  }
0xaf: {  	s28 =	spop (v2sf);
	s10 =	smulhi.u32 $0x431BDE83, s17;
	s15 =	sshra.s32 s17, $0x1F  }
0xb0: {  	s30 =	sadd.s32 s11, s16;
	s11 =	smul.u32 $0x431BDE83, s15;
	s17 =	spop (v2sf)  }
0xb1: {  	s15 =	smulhi.u32 $0x431BDE83, s28;
	s13 =	sshra.s32 s28, $0x1F;
	s16 =	spop (v2sf)  }
0xb2: {  	s26 =	sadd.s32 s1, s20;
	s20 =	smul.u32 $0x431BDE83, s13;
	s1 =	spop (v2sf)  }
0xb3: {  	s13 =	smulhi.u32 $0x431BDE83, s17;
	s12 =	sshra.s32 s17, $0x1F;
	s17 =	spop (v2sf)  }
0xb4: {  	s28 =	sadd.s32 s5, s29;
	s3 =	smul.u32 $0x431BDE83, s12;
	s29 =	spop (v2sf)  }
0xb5: {  	s9 =	sshrl.u32 s21, $0x1F;
	s31 =	smulhi.u32 $0x431BDE83, s29;
	s5 =	sshra.s32 s29, $0x1F  }
0xb6: {  	s6 =	sadd.s32 s7, s6;
	s10 =	sadd.s32 s11, s10;
	s5 =	smul.u32 $0x431BDE83, s5  }
0xb7: {  	s0 =	sadd.s32 s20, s15;
	s20 =	smulhi.u32 $0x431BDE83, s16;
	s29 =	sshra.s32 s16, $0x1F  }
0xb8: {  	s12 =	sshrl.u32 s25, $0x1F;
	s15 =	smul.u32 $0x431BDE83, s29;
	s29 =	sadd.s32 s5, s31  }
0xb9: {  	v59 =	vmov s14;
	s14 =	smulhi.u32 $0x431BDE83, s1;
	s1 =	sshra.s32 s1, $0x1F;
	s7 =	sshra.s32 s29, $0x1F  }
0xba: {  	s3 =	sadd.s32 s3, s13;
	s13 =	sshrl.u32 s28, $0x1F;
	s31 =	sshra.s32 s6, $0x12;
	v58 =	vmov s7  }
0xbb: {  	v5 =	vsel vm0, s19, v59;
	s11 =	sadd.s32 s15, s20;
	s15 =	sshrl.u32 s6, $0x1F;
	s6 =	sshra.s32 s6, $0x1F;
	v4 =	vsel vm4, s31, v58  }
0xbc: {  	vm9 =	vcmask $0xF0C;
	v5 =	vsel vm1, s8, v5;
	s1 =	smul.u32 $0x431BDE83, s1;
	s16 =	sshrl.u32 s30, $0x1F;
	s31 =	sshra.s32 s10, $0x12;
	v4 =	vsel vm11, s6, v4  }
0xbd: {  	s19 =	smulhi.u32 $0x431BDE83, s17;
	s8 =	sshrl.u32 s3, $0x1F;
	v61 =	vmov s16;
	v60 =	vmov s15;
	s15 =	sshra.s32 s10, $0x1F;
	v4 =	vsel vm0, s31, v4  }
0xbe: {  	v7 =	vsel vm0, s12, v61;
	s5 =	sshrl.u32 s26, $0x1F;
	s20 =	sshrl.u32 s10, $0x1F;
	v6 =	vnsel vm4, $0x0, v60;
	s31 =	sshra.s32 s0, $0x12;
	v4 =	vsel vm9, s15, v4  }
0xbf: {  	v7 =	vsel vm1, s5, v7;
	v6 =	vsel vm0, s20, v6;
	s20 =	sshra.s32 s17, $0x1F;
	s6 =	sshrl.u32 s0, $0x1F;
	s0 =	sshra.s32 s0, $0x1F;
	v4 =	vsel vm1, s31, v4  }
0xc0: {  	v5 =	vsel vm2, s9, v5;
	s1 =	sadd.s32 s1, s14;
	s12 =	sshra.s32 s3, $0x12;
	v7 =	vsel vm2, s13, v7;
	s9 =	smul.u32 $0x431BDE83, s20;
	v4 =	vsel vm13, s0, v4  }
0xc1: {  	s10 =	sshrl.u32 s11, $0x1F;
	v5 =	vcombine.low v7, v5;
	s20 =	sshra.s32 s30, $0x12;
	v6 =	vsel vm1, s6, v6;
	s15 =	sshra.s32 s3, $0x1F;
	v4 =	vsel vm2, s12, v4  }
0xc2: {  	s17 =	sshra.s32 s11, $0x12;
	v63 =	vmov s20;
	v6 =	vsel vm2, s8, v6;
	s6 =	sadd.s32 s9, s19;
	s19 =	sshra.s32 s24, $0x12;
	v4 =	vsel vm14, s15, v4  }
0xc3: {  	s14 =	sshrl.u32 s1, $0x1F;
	s30 =	sshra.s32 s22, $0x12;
	s24 =	sshra.s32 s11, $0x1F;
	v6 =	vsel vm5, s10, v6;
	v62 =	vmov s19;
	v4 =	vsel vm5, s17, v4  }
0xc4: {  	s8 =	sshra.s32 s1, $0x12;
	s16 =	sshrl.u32 s6, $0x1F;
	s31 =	sshra.s32 s25, $0x12;
	v6 =	vsel vm6, s14, v6;
	v7 =	vsel vm0, s30, v62;
	v4 =	vsel vm15, s24, v4  }
0xc5: {  	s9 =	sshra.s32 s23, $0x12;
	s11 =	sshra.s32 s1, $0x1F;
	s10 =	sshra.s32 s26, $0x12;
	v8 =	vsel vm0, s31, v63;
	v6 =	vsel vm7, s16, v6;
	v4 =	vsel vm6, s8, v4  }
0xc6: {  	s13 =	sshra.s32 s28, $0x12;
	s14 =	sshra.s32 s6, $0x12;
	v7 =	vsel vm1, s9, v7;
	s12 =	sshra.s32 s21, $0x12;
	v8 =	vsel vm1, s10, v8;
	v4 =	vsel vm10, s11, v4  }
0xc7: {  	s16 =	sshra.s32 s6, $0x1F;
	s15 =	sshrl.u32 s29, $0x1F;
	v7 =	vsel vm2, s12, v7;
	v8 =	vsel vm2, s13, v8;
	v4 =	vsel vm7, s14, v4  }
0xc8: {  	v7 =	vcombine.low v8, v7;
	v6 =	vsel vm8, s15, v6;
	s17 =	sshra.s32 s29, $0x12;
	v4 =	vsel vm3, s16, v4  }
0xc9: {  	v5 =	vperm.xlane v5, v1;
	v6 =	vperm.xlane v6, v2;
	v4 =	vsel vm8, s17, v4  }
0xca: {  	v7 =	vperm.xlane v7, v1;
	v4 =	vperm.xlane v4, v2;
	_ =	sdelay $0x1  }
0xcb: {  	v5 =	vsel vm12, v6, v5;
	v4 =	vsel vm12, v4, v7  }
0xcc: {  	v4 =	vadd.s32 v5, v4  }
0xcd: {  	v4 =	vmul.u32 $0xF4240, v4;
	_ =	sdelay $0x1  }
0xce: {  	v3 =	vsub.s32 v3, v4  }
0xcf: {  	vm9 =	vlt.s32 v3, $0x0;
	v4 =	vadd.s32 $0xF4240, v3  }
0xd0: {  	v3 =	vsel vm9, v4, v3  }
0xd1: {  	v3 =	vshll.u32 v3, $0x4  }
0xd2: {  	(v2sf) =	vpush v3, $0x0;
	_ =	sdelay $0x2  }
0xd3: {  	(v2sf) =	vpush v3, $0x1  }
0xd4: {  	(v2sf) =	vpush v3, $0x2;
	_ =	sdelay $0x2  }
0xd5: {  	(v2sf) =	vpush v3, $0x3;
	_ =	sdelay $0x1  }
0xd6: {  	(v2sf) =	vpush v3, $0x4;
	_ =	sdelay $0x5  }
0xd7: {  	s19 =	spop (v2sf);
	(v2sf) =	vpush v3, $0x5;
	_ =	sdelay $0x2  }
0xd8: {  	s0 =	sand.u32 $0x1FFFFFF0, s19;
	s21 =	spop (v2sf)  }
0xd9: {  	s20 =	sadd.s32 $0xFFFFF880, s18;
	s0 =	sadd.s32 s4, s0;
	s23 =	spop (v2sf)  }
0xda: {  	(v2sf) =	vpush v3, $0x6;
	[tilespmem:s20], [sflag:$0x1] =	stream.linear.gather [hbm4b:s0+s2], $0x80, $0x38;
	[tilespmem:$0x10480] =	vst v63  }
0xdb: {  	s0 =	sand.u32 $0x1FFFFFF0, s21  }
0xdc: {  	s22 =	sadd.s32 $0xFFFFF900, s18;
	s25 =	spop (v2sf);
	(v2sf) =	vpush v3, $0x7;
	s0 =	sadd.s32 s4, s0  }
0xdd: {  	[tilespmem:s22], [sflag:$0x2] =	stream.linear.gather [hbm4b:s0+s2], $0x80, $0x38;
	[tilespmem:$0x10480] =	vst v63  }
0xde: {  	s28 =	spop (v2sf);
	(v2sf) =	vpush v3, $0x8;
	s0 =	sand.u32 $0x1FFFFFF0, s23  }
0xdf: {  	s24 =	sadd.s32 $0xFFFFF980, s18;
	s0 =	sadd.s32 s4, s0  }
0xe0: {  	[tilespmem:s24], [sflag:$0x3] =	stream.linear.gather [hbm4b:s0+s2], $0x80, $0x38;
	[tilespmem:$0x10480] =	vst v63  }
0xe1: {  	s0 =	sand.u32 $0x1FFFFFF0, s25  }
0xe2: {  	s26 =	sadd.s32 $0xFFFFFA00, s18;
	s0 =	sadd.s32 s4, s0  }
0xe3: {  	[tilespmem:s26], [sflag:$0x4] =	stream.linear.gather [hbm4b:s0+s2], $0x80, $0x38;
	[tilespmem:$0x10480] =	vst v63  }
0xe4: {  	s30 =	spop (v2sf);
	(v2sf) =	vpush v3, $0x9  }
0xe5: {  	s0 =	sand.u32 $0x1FFFFFF0, s28  }
0xe6: {  	s29 =	sadd.s32 $0xFFFFFA80, s18;
	s0 =	sadd.s32 s4, s0;
	(v2sf) =	vpush v3, $0xA  }
0xe7: {  	[tilespmem:s29], [sflag:$0x1] =	stream.linear.gather [hbm4b:s0+s2], $0x80, $0x38;
	[tilespmem:$0x10480] =	vst v63  }
0xe8: {  	s0 =	sand.u32 $0x1FFFFFF0, s30  }
0xe9: {  	s31 =	sadd.s32 $0xFFFFFB00, s18;
	s0 =	sadd.s32 s4, s0;
	s3 =	spop (v2sf)  }
0xea: {  	(v2sf) =	vpush v3, $0xB;
	[tilespmem:s31], [sflag:$0x2] =	stream.linear.gather [hbm4b:s0+s2], $0x80, $0x38;
	[tilespmem:$0x10480] =	vst v63  }
0xeb: {  	s6 =	spop (v2sf);
	(v2sf) =	vpush v3, $0xC  }
0xec: {  	s0 =	sand.u32 $0x1FFFFFF0, s3  }
0xed: {  	s5 =	sadd.s32 $0xFFFFFB80, s18;
	s0 =	sadd.s32 s4, s0;
	s8 =	spop (v2sf);
	(v2sf) =	vpush v3, $0xD  }
0xee: {  	[tilespmem:s5], [sflag:$0x3] =	stream.linear.gather [hbm4b:s0+s2], $0x80, $0x38;
	[tilespmem:$0x10480] =	vst v63  }
0xef: {  	s0 =	sand.u32 $0x1FFFFFF0, s6  }
0xf0: {  	s7 =	sadd.s32 $0xFFFFFC00, s18;
	s0 =	sadd.s32 s4, s0  }
0xf1: {  	[tilespmem:s7], [sflag:$0x4] =	stream.linear.gather [hbm4b:s0+s2], $0x80, $0x38;
	[tilespmem:$0x10480] =	vst v63  }
0xf2: {  	s0 =	sand.u32 $0x1FFFFFF0, s8  }
0xf3: {  	s9 =	sadd.s32 $0xFFFFFC80, s18;
	s0 =	sadd.s32 s4, s0;
	s10 =	spop (v2sf);
	(v2sf) =	vpush v3, $0xE  }
0xf4: {  	[tilespmem:s9], [sflag:$0x1] =	stream.linear.gather [hbm4b:s0+s2], $0x80, $0x38;
	[tilespmem:$0x10480] =	vst v63  }
0xf5: {  	s12 =	spop (v2sf);
	(v2sf) =	vpush v3, $0xF  }
0xf6: {  	s0 =	sand.u32 $0x1FFFFFF0, s10  }
0xf7: {  	s11 =	sadd.s32 $0xFFFFFD00, s18;
	s14 =	sadd.s32 $0xFFFFFD80, s18;
	s0 =	sadd.s32 s4, s0  }
0xf8: {  	[tilespmem:s11], [sflag:$0x2] =	stream.linear.gather [hbm4b:s0+s2], $0x80, $0x38;
	[tilespmem:$0x10480] =	vst v63  }
0xf9: {  	s17 =	sadd.s32 $0xFFFFFE00, s18;
	s13 =	spop (v2sf);
	s0 =	sand.u32 $0x1FFFFFF0, s12  }
0xfa: {  	s15 =	sand.u32 $0x1FFFFFF0, s13;
	s16 =	spop (v2sf);
	s0 =	sadd.s32 s4, s0  }
0xfb: {  	[tilespmem:s14], [sflag:$0x3] =	stream.linear.gather [hbm4b:s0+s2], $0x80, $0x38;
	[tilespmem:$0x10480] =	vst v63  }
0xfc: {  	s19 =	sand.u32 $0x1FFFFFF0, s16;
	s20 =	spop (v2sf);
	s0 =	sadd.s32 s4, s15  }
0xfd: {  	[tilespmem:s17], [sflag:$0x4] =	stream.linear.gather [hbm4b:s0+s2], $0x80, $0x38;
	[tilespmem:$0x10480] =	vst v63  }
0xfe: {  	s21 =	sadd.s32 $0xFFFFFE80, s18;
	s22 =	sand.u32 $0x1FFFFFF0, s20;
	s0 =	sadd.s32 s4, s19  }
0xff: {  	[tilespmem:s21], [sflag:$0x1] =	stream.linear.gather [hbm4b:s0+s2], $0x80, $0x38;
	[tilespmem:$0x10480] =	vst v63  }
0x100: {  	s24 =	sadd.s32 $0xFFFFFF00, s18;
	s0 =	sadd.s32 s4, s22  }
0x101: {  	[tilespmem:s24], [sflag:$0x2] =	stream.linear.gather [hbm4b:s0+s2], $0x80, $0x38;
	[tilespmem:$0x10480] =	vst v63  }
0x102: {  	s23 =	spop (v2sf)  }
0x103: {  	s26 =	sand.u32 $0x1FFFFFF0, s23  }
0x104: {  	s28 =	sadd.s32 $0xFFFFFF80, s18;
	s30 =	spop (v2sf);
	s0 =	sadd.s32 s4, s26  }
0x105: {  	[tilespmem:s28], [sflag:$0x3] =	stream.linear.gather [hbm4b:s0+s2], $0x80, $0x38;
	[tilespmem:$0x10480] =	vst v63  }
0x106: {  	s0 =	sand.u32 $0x1FFFFFF0, s30  }
0x107: {  	s31 =	rddreg [dreg:$0xa];
	s0 =	sadd.s32 s4, s0  }
0x108: {  	[tilespmem:s18], [sflag:$0x4] =	stream.linear.gather [hbm4b:s0+s2], $0x80, $0x38;
	[tilespmem:$0x10480] =	vst v63  }
0x109: {  	s0 =	sadd.s32 $0x2, s31  }
0x10a: {  	p0 =	slt.u32 s0, $0x1E  }
.Ltmp0:
0x10b: {  	_ = 	snop;
	(pc) =	sbr.rel @p0 .LBB2_2-.Ltmp0, $4  }
0x10c: {  	_ = 	snop  }
0x10d: {  	s25 =	rddreg [dreg:$0xe]  }
0x10e: {  	vm13 =	vmmov vm14;
	s29 =	rddreg [dreg:$0xc]  }
0x10f: {  	vm15 =	vmmov vm10;
	vm3 =	vmmov vm5;
	vm8 =	vmmov vm12;
	s1 =	sadd.s32 $0x20, s29;
	s3 =	sadd.s32 $0x20, s25;
	s18 =	sadd.s32 $0x1000, s18  }
0x110: {  	s0 =	simm.s32 $0x1  }
0x111: {  	_ =	swait.ge [sflag:s0], $0x4000  }
0x112: {  	[sflag:s0] =	ssyncset.done $0x0  }
0x113: {  	s26 =	simm.s32 $0x2;
	[sflag:s0] =	ssyncadd.s32 $0xFFFFC000  }
0x114: {  	_ =	swait.ge [sflag:s26], $0x4000  }
0x115: {  	[sflag:s26] =	ssyncset.done $0x0  }
0x116: {  	s28 =	simm.s32 $0x3;
	[sflag:s26] =	ssyncadd.s32 $0xFFFFC000  }
0x117: {  	_ =	swait.ge [sflag:s28], $0x4000  }
0x118: {  	[sflag:s28] =	ssyncset.done $0x0  }
0x119: {  	s29 =	simm.s32 $0x4;
	[sflag:s28] =	ssyncadd.s32 $0xFFFFC000  }
0x11a: {  	_ =	swait.ge [sflag:s29], $0x4000  }
0x11b: {  	s1 =	simm.s32 $0x480;
	[sflag:s29] =	ssyncset.done $0x0  }
0x11c: {  	s31 =	simm.s32 $0x5;
	s30 =	rddreg [dreg:$0x4];
	[sflag:s29] =	ssyncadd.s32 $0xFFFFC000  }
0x11d: {  	[hbm4b:s30+s2] =	stream.linear.scatter [tilespmem:s1], [sflag:$0x5], $0x10000, $0x38;
	[tilespmem:$0x10480] =	vst v63  }
0x11e: {  	_ =	swait.ge [sflag:s31], $0x10000  }
0x11f: {  	s18 =	simm.s32 $0x1400;
	s0 =	simm.s32 $0x1E;
	[sflag:s31] =	ssyncset.done $0x0  }
0x120: {  	s1 =	simm.s32 $0x218;
	s3 =	rddreg [dreg:$0x8];
	[sflag:s31] =	ssyncadd.s32 $0xFFFF0000  }
.LBB2_4:
0x121: {  	v3 =	vld [tilespmem:s1+$0xFFFFFFEF];
	_ =	sdelay $0x2  }
0x122: {  	v4 =	vld [tilespmem:s1+$0xFFFFFFF0]  }
0x123: {  	v5 =	vor.u32 s3, v0  }
0x124: {  	v5 =	vand.u32 $0x1FEF, v5;
	v3 =	vmul.u32 $0x1F, v3  }
0x125: {  	vm9 =	veq.s32 v5, $0x0  }
0x126: {  	v3 =	vsel vm9, $0x0, v3  }
0x127: {  	v3 =	vadd.s32 v4, v3  }
0x128: {  	(v2sf) =	vpush v3, $0xD;
	_ =	sdelay $0x1  }
0x129: {  	(v2sf) =	vpush v3, $0xC;
	_ =	sdelay $0x1  }
0x12a: {  	(v2sf) =	vpush v3, $0xE;
	_ =	sdelay $0x1  }
0x12b: {  	(v2sf) =	vpush v3, $0xF  }
0x12c: {  	(v2sf) =	vpush v3, $0x9;
	_ =	sdelay $0x1  }
0x12d: {  	(v2sf) =	vpush v3, $0x8;
	_ =	sdelay $0x1  }
0x12e: {  	(v2sf) =	vpush v3, $0xA;
	_ =	sdelay $0x1  }
0x12f: {  	(v2sf) =	vpush v3, $0xB;
	_ =	sdelay $0x1  }
0x130: {  	s23 =	spop (v2sf)  }
0x131: {  	[dreg:$0xb] =	wrdreg s0;
	(v2sf) =	vpush v3, $0x0;
	s24 =	smulhi.u32 $0x431BDE83, s23;
	s0 =	sshra.s32 s23, $0x1F  }
0x132: {  	s25 =	spop (v2sf);
	(v2sf) =	vpush v3, $0x1;
	s0 =	smul.u32 $0x431BDE83, s0  }
0x133: {  	[dreg:$0xf] =	wrdreg s3;
	s5 =	smulhi.u32 $0x431BDE83, s25;
	s3 =	sshra.s32 s25, $0x1F;
	(v2sf) =	vpush v3, $0x2  }
0x134: {  	s6 =	spop (v2sf);
	s3 =	smul.u32 $0x431BDE83, s3;
	(v2sf) =	vpush v3, $0x3  }
0x135: {  	[dreg:$0xd] =	wrdreg s1;
	s7 =	smulhi.u32 $0x431BDE83, s6;
	s6 =	sshra.s32 s6, $0x1F;
	(v2sf) =	vpush v3, $0x4  }
0x136: {  	s8 =	spop (v2sf);
	s6 =	smul.u32 $0x431BDE83, s6;
	s21 =	sadd.s32 s0, s24;
	(v2sf) =	vpush v3, $0x5  }
0x137: {  	s26 =	smulhi.u32 $0x431BDE83, s8;
	s28 =	sshra.s32 s8, $0x1F;
	s29 =	spop (v2sf);
	(v2sf) =	vpush v3, $0x6  }
0x138: {  	s31 =	sshrl.u32 s21, $0x1F;
	s8 =	smul.u32 $0x431BDE83, s28;
	s24 =	sadd.s32 s3, s5;
	(v2sf) =	vpush v3, $0x7  }
0x139: {  	s30 =	smulhi.u32 $0x431BDE83, s29;
	s1 =	sshra.s32 s29, $0x1F;
	s5 =	spop (v2sf)  }
0x13a: {  	s9 =	sshrl.u32 s24, $0x1F;
	s10 =	smul.u32 $0x431BDE83, s1;
	s22 =	sadd.s32 s6, s7  }
0x13b: {  	s7 =	smulhi.u32 $0x431BDE83, s5;
	s15 =	sshra.s32 s5, $0x1F;
	s17 =	spop (v2sf)  }
0x13c: {  	s1 =	sshrl.u32 s22, $0x1F;
	s16 =	smul.u32 $0x431BDE83, s15;
	s23 =	sadd.s32 s8, s26  }
0x13d: {  	s8 =	smulhi.u32 $0x431BDE83, s17;
	s19 =	sshra.s32 s17, $0x1F;
	s20 =	spop (v2sf)  }
0x13e: {  	s5 =	sshrl.u32 s23, $0x1F;
	s11 =	smul.u32 $0x431BDE83, s19;
	s25 =	sadd.s32 s10, s30  }
0x13f: {  	s26 =	smulhi.u32 $0x431BDE83, s20;
	s17 =	sshra.s32 s20, $0x1F;
	s0 =	sshrl.u32 s25, $0x1F  }
0x140: {  	s10 =	smul.u32 $0x431BDE83, s17;
	s29 =	sadd.s32 s16, s7;
	s12 =	spop (v2sf)  }
0x141: {  	s13 =	smulhi.u32 $0x431BDE83, s12;
	s12 =	sshra.s32 s12, $0x1F;
	s14 =	spop (v2sf)  }
0x142: {  	s16 =	sshrl.u32 s29, $0x1F;
	s19 =	smul.u32 $0x431BDE83, s12;
	s30 =	spop (v2sf)  }
0x143: {  	s12 =	smulhi.u32 $0x431BDE83, s14;
	s14 =	sshra.s32 s14, $0x1F;
	s15 =	spop (v2sf)  }
0x144: {  	s26 =	sadd.s32 s10, s26;
	s14 =	smul.u32 $0x431BDE83, s14;
	s17 =	spop (v2sf)  }
0x145: {  	s28 =	smulhi.u32 $0x431BDE83, s30;
	s7 =	sshra.s32 s30, $0x1F;
	s20 =	spop (v2sf)  }
0x146: {  	s30 =	sadd.s32 s11, s8;
	s7 =	smul.u32 $0x431BDE83, s7;
	s8 =	spop (v2sf)  }
0x147: {  	v7 =	vmov s16;
	s16 =	sshra.s32 s25, $0x12;
	s3 =	smulhi.u32 $0x431BDE83, s15;
	s11 =	spop (v2sf)  }
0x148: {  	s6 =	sadd.s32 s19, s13;
	s19 =	smulhi.u32 $0x431BDE83, s11;
	s10 =	sshra.s32 s11, $0x1F  }
0x149: {  	s15 =	sshra.s32 s15, $0x1F;
	s12 =	sadd.s32 s14, s12;
	s10 =	smul.u32 $0x431BDE83, s10  }
0x14a: {  	v55 =	vmov s9;
	s14 =	sshrl.u32 s30, $0x1F;
	s13 =	smul.u32 $0x431BDE83, s15;
	s15 =	sshrl.u32 s26, $0x1F  }
0x14b: {  	v5 =	vsel vm0, s31, v55;
	v7 =	vsel vm0, s0, v7;
	s7 =	sadd.s32 s7, s28;
	s31 =	sshra.s32 s12, $0x12;
	s28 =	sadd.s32 s10, s19  }
0x14c: {  	v7 =	vsel vm1, s14, v7;
	s3 =	sadd.s32 s13, s3;
	s13 =	sshra.s32 s17, $0x1F;
	s19 =	sshra.s32 s28, $0x1F  }
0x14d: {  	v7 =	vsel vm2, s15, v7;
	s15 =	sshra.s32 s21, $0x12;
	s11 =	smulhi.u32 $0x431BDE83, s17;
	v54 =	vmov s19;
	s19 =	sshra.s32 s6, $0x12  }
0x14e: {  	vm11 =	vcmask $0x704;
	s9 =	smul.u32 $0x431BDE83, s13;
	s10 =	sshrl.u32 s6, $0x1F;
	s6 =	sshra.s32 s6, $0x1F;
	v4 =	vsel vm4, s19, v54  }
0x14f: {  	vm8 =	vcmask $0xF0C;
	vm13 =	vcmask $0x1714;
	s17 =	sshrl.u32 s12, $0x1F;
	s13 =	sshrl.u32 s7, $0x1F;
	s12 =	sshra.s32 s12, $0x1F;
	v4 =	vsel vm11, s6, v4  }
0x150: {  	vm15 =	vcmask $0x2724;
	s9 =	sadd.s32 s9, s11;
	v6 =	vmov s10;
	s10 =	smulhi.u32 $0x431BDE83, s20;
	s19 =	sshra.s32 s20, $0x1F;
	v4 =	vsel vm0, s31, v4  }
0x151: {  	v5 =	vsel vm1, s1, v5;
	v6 =	vnsel vm4, $0x0, v6;
	s20 =	sshrl.u32 s3, $0x1F;
	s31 =	smul.u32 $0x431BDE83, s19;
	s19 =	sshra.s32 s7, $0x12;
	v4 =	vsel vm8, s12, v4  }
0x152: {  	v5 =	vsel vm2, s5, v5;
	v6 =	vsel vm0, s17, v6;
	s17 =	smulhi.u32 $0x431BDE83, s8;
	s8 =	sshra.s32 s8, $0x1F;
	s7 =	sshra.s32 s7, $0x1F;
	v4 =	vsel vm1, s19, v4  }
0x153: {  	v5 =	vcombine.low v7, v5;
	v6 =	vsel vm1, s13, v6;
	s13 =	sshra.s32 s29, $0x12;
	s1 =	sadd.s32 s31, s10;
	s31 =	sshra.s32 s3, $0x12;
	v4 =	vsel vm13, s7, v4  }
0x154: {  	s8 =	smul.u32 $0x431BDE83, s8;
	v6 =	vsel vm2, s20, v6;
	s20 =	sshrl.u32 s9, $0x1F;
	v8 =	vmov s13;
	s3 =	sshra.s32 s3, $0x1F;
	v4 =	vsel vm2, s31, v4  }
0x155: {  	s11 =	sshra.s32 s9, $0x12;
	s14 =	sshra.s32 s9, $0x1F;
	v6 =	vsel vm3, s20, v6;
	s12 =	sshra.s32 s24, $0x12;
	v8 =	vsel vm0, s16, v8;
	v4 =	vsel vm14, s3, v4  }
0x156: {  	s5 =	sadd.s32 s8, s17;
	s20 =	sshra.s32 s30, $0x12;
	vm8 =	vcmask $0x3B38;
	v56 =	vmov s12;
	s19 =	sshra.s32 s22, $0x12;
	v4 =	vsel vm3, s11, v4  }
0x157: {  	v8 =	vsel vm1, s20, v8;
	s22 =	sshra.s32 s26, $0x12;
	s7 =	sshrl.u32 s1, $0x1F;
	s17 =	sshra.s32 s1, $0x12;
	v7 =	vsel vm0, s15, v56;
	v4 =	vsel vm15, s14, v4  }
0x158: {  	s10 =	sshrl.u32 s5, $0x1F;
	s1 =	sshra.s32 s1, $0x1F;
	v8 =	vsel vm2, s22, v8;
	v6 =	vsel vm6, s7, v6;
	v4 =	vsel vm6, s17, v4  }
0x159: {  	s21 =	sshra.s32 s23, $0x12;
	s23 =	sshra.s32 s5, $0x12;
	v7 =	vsel vm1, s19, v7;
	v6 =	vsel vm7, s10, v6;
	v4 =	vsel vm10, s1, v4  }
0x15a: {  	s24 =	sshrl.u32 s28, $0x1F;
	s25 =	sshra.s32 s5, $0x1F;
	v7 =	vsel vm2, s21, v7;
	vm3 =	vcmask $0x3734;
	v4 =	vsel vm7, s23, v4  }
0x15b: {  	s26 =	sshra.s32 s28, $0x12;
	v6 =	vsel vm8, s24, v6;
	v7 =	vcombine.low v8, v7;
	v4 =	vsel vm3, s25, v4  }
0x15c: {  	v5 =	vperm.xlane v5, v1;
	v6 =	vperm.xlane v6, v2;
	v4 =	vsel vm8, s26, v4  }
0x15d: {  	v7 =	vperm.xlane v7, v1;
	v4 =	vperm.xlane v4, v2;
	_ =	sdelay $0x1  }
0x15e: {  	v5 =	vsel vm12, v6, v5;
	v4 =	vsel vm12, v4, v7  }
0x15f: {  	v4 =	vadd.s32 v5, v4  }
0x160: {  	v4 =	vmul.u32 $0xF4240, v4;
	_ =	sdelay $0x1  }
0x161: {  	v3 =	vsub.s32 v3, v4  }
0x162: {  	vm9 =	vlt.s32 v3, $0x0;
	v4 =	vadd.s32 $0xF4240, v3  }
0x163: {  	v3 =	vsel vm9, v4, v3  }
0x164: {  	v3 =	vshll.u32 v3, $0x4  }
0x165: {  	(v2sf) =	vpush v3, $0x0;
	_ =	sdelay $0x1  }
0x166: {  	(v2sf) =	vpush v3, $0x1;
	_ =	sdelay $0x2  }
0x167: {  	(v2sf) =	vpush v3, $0x2;
	_ =	sdelay $0x2  }
0x168: {  	(v2sf) =	vpush v3, $0x3;
	_ =	sdelay $0x2  }
0x169: {  	(v2sf) =	vpush v3, $0x4;
	_ =	sdelay $0x2  }
0x16a: {  	(v2sf) =	vpush v3, $0x5  }
0x16b: {  	s28 =	spop (v2sf)  }
0x16c: {  	s0 =	sand.u32 $0x1FFFFFF0, s28  }
0x16d: {  	s29 =	sadd.s32 $0xFFFFF080, s18;
	(v2sf) =	vpush v3, $0x6;
	s30 =	spop (v2sf);
	s0 =	sadd.s32 s4, s0  }
0x16e: {  	[tilespmem:s29], [sflag:$0x1] =	stream.linear.gather [hbm4b:s0+s2], $0x80, $0x38;
	[tilespmem:$0x10480] =	vst v63  }
0x16f: {  	s0 =	sand.u32 $0x1FFFFFF0, s30  }
0x170: {  	s31 =	sadd.s32 $0xFFFFF100, s18;
	(v2sf) =	vpush v3, $0x7;
	s3 =	spop (v2sf);
	s0 =	sadd.s32 s4, s0  }
0x171: {  	[tilespmem:s31], [sflag:$0x2] =	stream.linear.gather [hbm4b:s0+s2], $0x80, $0x38;
	[tilespmem:$0x10480] =	vst v63  }
0x172: {  	s0 =	sand.u32 $0x1FFFFFF0, s3  }
0x173: {  	s5 =	sadd.s32 $0xFFFFF180, s18;
	(v2sf) =	vpush v3, $0x8;
	s6 =	spop (v2sf);
	s0 =	sadd.s32 s4, s0  }
0x174: {  	[tilespmem:s5], [sflag:$0x3] =	stream.linear.gather [hbm4b:s0+s2], $0x80, $0x38;
	[tilespmem:$0x10480] =	vst v63  }
0x175: {  	s0 =	sand.u32 $0x1FFFFFF0, s6  }
0x176: {  	s7 =	sadd.s32 $0xFFFFF200, s18;
	(v2sf) =	vpush v3, $0x9;
	s8 =	spop (v2sf);
	s0 =	sadd.s32 s4, s0  }
0x177: {  	[tilespmem:s7], [sflag:$0x4] =	stream.linear.gather [hbm4b:s0+s2], $0x80, $0x38;
	[tilespmem:$0x10480] =	vst v63  }
0x178: {  	s0 =	sand.u32 $0x1FFFFFF0, s8  }
0x179: {  	s9 =	sadd.s32 $0xFFFFF280, s18;
	(v2sf) =	vpush v3, $0xA;
	s10 =	spop (v2sf);
	s0 =	sadd.s32 s4, s0  }
0x17a: {  	[tilespmem:s9], [sflag:$0x1] =	stream.linear.gather [hbm4b:s0+s2], $0x80, $0x38;
	[tilespmem:$0x10480] =	vst v63  }
0x17b: {  	s0 =	sand.u32 $0x1FFFFFF0, s10  }
0x17c: {  	s11 =	sadd.s32 $0xFFFFF300, s18;
	(v2sf) =	vpush v3, $0xB;
	s12 =	spop (v2sf);
	s0 =	sadd.s32 s4, s0  }
0x17d: {  	[tilespmem:s11], [sflag:$0x2] =	stream.linear.gather [hbm4b:s0+s2], $0x80, $0x38;
	[tilespmem:$0x10480] =	vst v63  }
0x17e: {  	s0 =	sand.u32 $0x1FFFFFF0, s12  }
0x17f: {  	s13 =	sadd.s32 $0xFFFFF380, s18;
	(v2sf) =	vpush v3, $0xC;
	s14 =	spop (v2sf);
	s0 =	sadd.s32 s4, s0  }
0x180: {  	[tilespmem:s13], [sflag:$0x3] =	stream.linear.gather [hbm4b:s0+s2], $0x80, $0x38;
	[tilespmem:$0x10480] =	vst v63  }
0x181: {  	s0 =	sand.u32 $0x1FFFFFF0, s14  }
0x182: {  	s15 =	sadd.s32 $0xFFFFF400, s18;
	(v2sf) =	vpush v3, $0xD;
	s16 =	spop (v2sf);
	s0 =	sadd.s32 s4, s0  }
0x183: {  	[tilespmem:s15], [sflag:$0x4] =	stream.linear.gather [hbm4b:s0+s2], $0x80, $0x38;
	[tilespmem:$0x10480] =	vst v63  }
0x184: {  	s0 =	sand.u32 $0x1FFFFFF0, s16  }
0x185: {  	s17 =	sadd.s32 $0xFFFFF480, s18;
	(v2sf) =	vpush v3, $0xE;
	s19 =	spop (v2sf);
	s0 =	sadd.s32 s4, s0  }
0x186: {  	[tilespmem:s17], [sflag:$0x1] =	stream.linear.gather [hbm4b:s0+s2], $0x80, $0x38;
	[tilespmem:$0x10480] =	vst v63  }
0x187: {  	s0 =	sand.u32 $0x1FFFFFF0, s19  }
0x188: {  	s20 =	sadd.s32 $0xFFFFF500, s18;
	(v2sf) =	vpush v3, $0xF;
	s21 =	spop (v2sf);
	s0 =	sadd.s32 s4, s0  }
0x189: {  	[tilespmem:s20], [sflag:$0x2] =	stream.linear.gather [hbm4b:s0+s2], $0x80, $0x38;
	[tilespmem:$0x10480] =	vst v63  }
0x18a: {  	s0 =	sand.u32 $0x1FFFFFF0, s21  }
0x18b: {  	s22 =	sadd.s32 $0xFFFFF580, s18;
	s23 =	spop (v2sf);
	s0 =	sadd.s32 s4, s0  }
0x18c: {  	[tilespmem:s22], [sflag:$0x3] =	stream.linear.gather [hbm4b:s0+s2], $0x80, $0x38;
	[tilespmem:$0x10480] =	vst v63  }
0x18d: {  	s0 =	sand.u32 $0x1FFFFFF0, s23  }
0x18e: {  	s24 =	sadd.s32 $0xFFFFF600, s18;
	s25 =	spop (v2sf);
	s0 =	sadd.s32 s4, s0  }
0x18f: {  	[tilespmem:s24], [sflag:$0x4] =	stream.linear.gather [hbm4b:s0+s2], $0x80, $0x38;
	[tilespmem:$0x10480] =	vst v63  }
0x190: {  	s0 =	sand.u32 $0x1FFFFFF0, s25  }
0x191: {  	s26 =	sadd.s32 $0xFFFFF680, s18;
	s28 =	spop (v2sf);
	s0 =	sadd.s32 s4, s0  }
0x192: {  	[tilespmem:s26], [sflag:$0x1] =	stream.linear.gather [hbm4b:s0+s2], $0x80, $0x38;
	[tilespmem:$0x10480] =	vst v63  }
0x193: {  	s0 =	sand.u32 $0x1FFFFFF0, s28  }
0x194: {  	s29 =	sadd.s32 $0xFFFFF700, s18;
	s30 =	spop (v2sf);
	s0 =	sadd.s32 s4, s0  }
0x195: {  	[tilespmem:s29], [sflag:$0x2] =	stream.linear.gather [hbm4b:s0+s2], $0x80, $0x38;
	[tilespmem:$0x10480] =	vst v63  }
0x196: {  	s0 =	sand.u32 $0x1FFFFFF0, s30  }
0x197: {  	s31 =	sadd.s32 $0xFFFFF780, s18;
	s3 =	spop (v2sf);
	s0 =	sadd.s32 s4, s0  }
0x198: {  	[tilespmem:s31], [sflag:$0x3] =	stream.linear.gather [hbm4b:s0+s2], $0x80, $0x38;
	[tilespmem:$0x10480] =	vst v63  }
0x199: {  	s0 =	sand.u32 $0x1FFFFFF0, s3  }
0x19a: {  	s5 =	sadd.s32 $0xFFFFF800, s18;
	s6 =	rddreg [dreg:$0xd];
	s0 =	sadd.s32 s4, s0  }
0x19b: {  	[tilespmem:s5], [sflag:$0x4] =	stream.linear.gather [hbm4b:s0+s2], $0x80, $0x38;
	[tilespmem:$0x10480] =	vst v63  }
0x19c: {  	v3 =	vld [tilespmem:s6+$0xFFFFFFFF]  }
0x19d: {  	s7 =	rddreg [dreg:$0xd]  }
0x19e: {  	v57 =	vld [tilespmem:s7+$0x0];
	_ =	sdelay $0x2  }
0x19f: {  	v3 =	vmul.u32 $0x1F, v3;
	_ =	sdelay $0x1  }
0x1a0: {  	v3 =	vadd.s32 v57, v3  }
0x1a1: {  	(v2sf) =	vpush v3, $0xD;
	_ =	sdelay $0x1  }
0x1a2: {  	(v2sf) =	vpush v3, $0xC;
	_ =	sdelay $0x1  }
0x1a3: {  	(v2sf) =	vpush v3, $0xE;
	_ =	sdelay $0x1  }
0x1a4: {  	(v2sf) =	vpush v3, $0xF;
	_ =	sdelay $0x1  }
0x1a5: {  	(v2sf) =	vpush v3, $0x9;
	_ =	sdelay $0x1  }
0x1a6: {  	(v2sf) =	vpush v3, $0x8;
	_ =	sdelay $0x1  }
0x1a7: {  	(v2sf) =	vpush v3, $0xA;
	_ =	sdelay $0x1  }
0x1a8: {  	(v2sf) =	vpush v3, $0xB  }
0x1a9: {  	s8 =	spop (v2sf)  }
0x1aa: {  	(v2sf) =	vpush v3, $0x0;
	s9 =	smulhi.u32 $0x431BDE83, s8;
	s0 =	sshra.s32 s8, $0x1F  }
0x1ab: {  	s11 =	spop (v2sf);
	s0 =	smul.u32 $0x431BDE83, s0  }
0x1ac: {  	(v2sf) =	vpush v3, $0x1;
	s12 =	smulhi.u32 $0x431BDE83, s11;
	s3 =	sshra.s32 s11, $0x1F  }
0x1ad: {  	(v2sf) =	vpush v3, $0x2;
	s14 =	spop (v2sf);
	s3 =	smul.u32 $0x431BDE83, s3  }
0x1ae: {  	(v2sf) =	vpush v3, $0x3;
	s15 =	smulhi.u32 $0x431BDE83, s14;
	s6 =	sshra.s32 s14, $0x1F  }
0x1af: {  	(v2sf) =	vpush v3, $0x4;
	s20 =	spop (v2sf);
	s6 =	smul.u32 $0x431BDE83, s6  }
0x1b0: {  	(v2sf) =	vpush v3, $0x5;
	s21 =	smulhi.u32 $0x431BDE83, s20;
	s8 =	sshra.s32 s20, $0x1F  }
0x1b1: {  	(v2sf) =	vpush v3, $0x6;
	s23 =	spop (v2sf);
	s8 =	smul.u32 $0x431BDE83, s8  }
0x1b2: {  	(v2sf) =	vpush v3, $0x7;
	s25 =	smulhi.u32 $0x431BDE83, s23;
	s10 =	sshra.s32 s23, $0x1F  }
0x1b3: {  	s24 =	spop (v2sf);
	s10 =	smul.u32 $0x431BDE83, s10  }
0x1b4: {  	s22 =	sadd.s32 s0, s9;
	s16 =	smulhi.u32 $0x431BDE83, s24;
	s11 =	sshra.s32 s24, $0x1F  }
0x1b5: {  	s19 =	sshrl.u32 s22, $0x1F;
	s29 =	spop (v2sf);
	s11 =	smul.u32 $0x431BDE83, s11  }
0x1b6: {  	s24 =	sadd.s32 s3, s12;
	s20 =	smulhi.u32 $0x431BDE83, s29;
	s26 =	sshra.s32 s29, $0x1F  }
0x1b7: {  	s23 =	sadd.s32 s6, s15;
	s30 =	spop (v2sf);
	s1 =	smul.u32 $0x431BDE83, s26  }
0x1b8: {  	s14 =	sshrl.u32 s24, $0x1F;
	s29 =	smulhi.u32 $0x431BDE83, s30;
	s30 =	sshra.s32 s30, $0x1F  }
0x1b9: {  	s21 =	sadd.s32 s8, s21;
	s31 =	spop (v2sf);
	s5 =	smul.u32 $0x431BDE83, s30  }
0x1ba: {  	s8 =	sshrl.u32 s23, $0x1F;
	s6 =	smulhi.u32 $0x431BDE83, s31;
	s31 =	sshra.s32 s31, $0x1F  }
0x1bb: {  	s25 =	sadd.s32 s10, s25;
	s17 =	spop (v2sf);
	s7 =	smul.u32 $0x431BDE83, s31  }
0x1bc: {  	s28 =	spop (v2sf);
	s10 =	smulhi.u32 $0x431BDE83, s17;
	s15 =	sshra.s32 s17, $0x1F  }
0x1bd: {  	s30 =	sadd.s32 s11, s16;
	s11 =	smul.u32 $0x431BDE83, s15;
	s17 =	spop (v2sf)  }
0x1be: {  	s15 =	smulhi.u32 $0x431BDE83, s28;
	s13 =	sshra.s32 s28, $0x1F;
	s16 =	spop (v2sf)  }
0x1bf: {  	s26 =	sadd.s32 s1, s20;
	s20 =	smul.u32 $0x431BDE83, s13;
	s1 =	spop (v2sf)  }
0x1c0: {  	s13 =	smulhi.u32 $0x431BDE83, s17;
	s12 =	sshra.s32 s17, $0x1F;
	s17 =	spop (v2sf)  }
0x1c1: {  	s28 =	sadd.s32 s5, s29;
	s3 =	smul.u32 $0x431BDE83, s12;
	s29 =	spop (v2sf)  }
0x1c2: {  	s9 =	sshrl.u32 s21, $0x1F;
	s31 =	smulhi.u32 $0x431BDE83, s29;
	s5 =	sshra.s32 s29, $0x1F  }
0x1c3: {  	s6 =	sadd.s32 s7, s6;
	s10 =	sadd.s32 s11, s10;
	s5 =	smul.u32 $0x431BDE83, s5  }
0x1c4: {  	s0 =	sadd.s32 s20, s15;
	s20 =	smulhi.u32 $0x431BDE83, s16;
	s29 =	sshra.s32 s16, $0x1F  }
0x1c5: {  	s12 =	sshrl.u32 s25, $0x1F;
	s15 =	smul.u32 $0x431BDE83, s29;
	s29 =	sadd.s32 s5, s31  }
0x1c6: {  	v59 =	vmov s14;
	s14 =	smulhi.u32 $0x431BDE83, s1;
	s1 =	sshra.s32 s1, $0x1F;
	s7 =	sshra.s32 s29, $0x1F  }
0x1c7: {  	s3 =	sadd.s32 s3, s13;
	s13 =	sshrl.u32 s28, $0x1F;
	s31 =	sshra.s32 s6, $0x12;
	v58 =	vmov s7  }
0x1c8: {  	v5 =	vsel vm0, s19, v59;
	s11 =	sadd.s32 s15, s20;
	s15 =	sshrl.u32 s6, $0x1F;
	s6 =	sshra.s32 s6, $0x1F;
	v4 =	vsel vm4, s31, v58  }
0x1c9: {  	vm9 =	vcmask $0xF0C;
	v5 =	vsel vm1, s8, v5;
	s1 =	smul.u32 $0x431BDE83, s1;
	s16 =	sshrl.u32 s30, $0x1F;
	s31 =	sshra.s32 s10, $0x12;
	v4 =	vsel vm11, s6, v4  }
0x1ca: {  	s19 =	smulhi.u32 $0x431BDE83, s17;
	s8 =	sshrl.u32 s3, $0x1F;
	v61 =	vmov s16;
	v60 =	vmov s15;
	s15 =	sshra.s32 s10, $0x1F;
	v4 =	vsel vm0, s31, v4  }
0x1cb: {  	v7 =	vsel vm0, s12, v61;
	s5 =	sshrl.u32 s26, $0x1F;
	s20 =	sshrl.u32 s10, $0x1F;
	v6 =	vnsel vm4, $0x0, v60;
	s31 =	sshra.s32 s0, $0x12;
	v4 =	vsel vm9, s15, v4  }
0x1cc: {  	v7 =	vsel vm1, s5, v7;
	v6 =	vsel vm0, s20, v6;
	s20 =	sshra.s32 s17, $0x1F;
	s6 =	sshrl.u32 s0, $0x1F;
	s0 =	sshra.s32 s0, $0x1F;
	v4 =	vsel vm1, s31, v4  }
0x1cd: {  	v5 =	vsel vm2, s9, v5;
	s1 =	sadd.s32 s1, s14;
	s12 =	sshra.s32 s3, $0x12;
	v7 =	vsel vm2, s13, v7;
	s9 =	smul.u32 $0x431BDE83, s20;
	v4 =	vsel vm13, s0, v4  }
0x1ce: {  	s10 =	sshrl.u32 s11, $0x1F;
	v5 =	vcombine.low v7, v5;
	s20 =	sshra.s32 s30, $0x12;
	v6 =	vsel vm1, s6, v6;
	s15 =	sshra.s32 s3, $0x1F;
	v4 =	vsel vm2, s12, v4  }
0x1cf: {  	s17 =	sshra.s32 s11, $0x12;
	v63 =	vmov s20;
	v6 =	vsel vm2, s8, v6;
	s6 =	sadd.s32 s9, s19;
	s19 =	sshra.s32 s24, $0x12;
	v4 =	vsel vm14, s15, v4  }
0x1d0: {  	s14 =	sshrl.u32 s1, $0x1F;
	s30 =	sshra.s32 s22, $0x12;
	s24 =	sshra.s32 s11, $0x1F;
	v6 =	vsel vm5, s10, v6;
	v62 =	vmov s19;
	v4 =	vsel vm5, s17, v4  }
0x1d1: {  	s8 =	sshra.s32 s1, $0x12;
	s16 =	sshrl.u32 s6, $0x1F;
	s31 =	sshra.s32 s25, $0x12;
	v6 =	vsel vm6, s14, v6;
	v7 =	vsel vm0, s30, v62;
	v4 =	vsel vm15, s24, v4  }
0x1d2: {  	s9 =	sshra.s32 s23, $0x12;
	s11 =	sshra.s32 s1, $0x1F;
	s10 =	sshra.s32 s26, $0x12;
	v8 =	vsel vm0, s31, v63;
	v6 =	vsel vm7, s16, v6;
	v4 =	vsel vm6, s8, v4  }
0x1d3: {  	s13 =	sshra.s32 s28, $0x12;
	s14 =	sshra.s32 s6, $0x12;
	v7 =	vsel vm1, s9, v7;
	s12 =	sshra.s32 s21, $0x12;
	v8 =	vsel vm1, s10, v8;
	v4 =	vsel vm10, s11, v4  }
0x1d4: {  	s16 =	sshra.s32 s6, $0x1F;
	s15 =	sshrl.u32 s29, $0x1F;
	v7 =	vsel vm2, s12, v7;
	v8 =	vsel vm2, s13, v8;
	v4 =	vsel vm7, s14, v4  }
0x1d5: {  	v7 =	vcombine.low v8, v7;
	v6 =	vsel vm8, s15, v6;
	s17 =	sshra.s32 s29, $0x12;
	v4 =	vsel vm3, s16, v4  }
0x1d6: {  	v5 =	vperm.xlane v5, v1;
	v6 =	vperm.xlane v6, v2;
	v4 =	vsel vm8, s17, v4  }
0x1d7: {  	v7 =	vperm.xlane v7, v1;
	v4 =	vperm.xlane v4, v2;
	_ =	sdelay $0x1  }
0x1d8: {  	v5 =	vsel vm12, v6, v5;
	v4 =	vsel vm12, v4, v7  }
0x1d9: {  	v4 =	vadd.s32 v5, v4  }
0x1da: {  	v4 =	vmul.u32 $0xF4240, v4;
	_ =	sdelay $0x1  }
0x1db: {  	v3 =	vsub.s32 v3, v4  }
0x1dc: {  	vm9 =	vlt.s32 v3, $0x0;
	v4 =	vadd.s32 $0xF4240, v3  }
0x1dd: {  	v3 =	vsel vm9, v4, v3  }
0x1de: {  	v3 =	vshll.u32 v3, $0x4  }
0x1df: {  	(v2sf) =	vpush v3, $0x0;
	_ =	sdelay $0x2  }
0x1e0: {  	(v2sf) =	vpush v3, $0x1  }
0x1e1: {  	(v2sf) =	vpush v3, $0x2;
	_ =	sdelay $0x2  }
0x1e2: {  	(v2sf) =	vpush v3, $0x3;
	_ =	sdelay $0x1  }
0x1e3: {  	(v2sf) =	vpush v3, $0x4;
	_ =	sdelay $0x5  }
0x1e4: {  	s19 =	spop (v2sf);
	(v2sf) =	vpush v3, $0x5;
	_ =	sdelay $0x2  }
0x1e5: {  	s0 =	sand.u32 $0x1FFFFFF0, s19;
	s21 =	spop (v2sf)  }
0x1e6: {  	s20 =	sadd.s32 $0xFFFFF880, s18;
	s0 =	sadd.s32 s4, s0;
	s23 =	spop (v2sf)  }
0x1e7: {  	(v2sf) =	vpush v3, $0x6;
	[tilespmem:s20], [sflag:$0x1] =	stream.linear.gather [hbm4b:s0+s2], $0x80, $0x38;
	[tilespmem:$0x10480] =	vst v63  }
0x1e8: {  	s0 =	sand.u32 $0x1FFFFFF0, s21  }
0x1e9: {  	s22 =	sadd.s32 $0xFFFFF900, s18;
	s25 =	spop (v2sf);
	(v2sf) =	vpush v3, $0x7;
	s0 =	sadd.s32 s4, s0  }
0x1ea: {  	[tilespmem:s22], [sflag:$0x2] =	stream.linear.gather [hbm4b:s0+s2], $0x80, $0x38;
	[tilespmem:$0x10480] =	vst v63  }
0x1eb: {  	s28 =	spop (v2sf);
	(v2sf) =	vpush v3, $0x8;
	s0 =	sand.u32 $0x1FFFFFF0, s23  }
0x1ec: {  	s24 =	sadd.s32 $0xFFFFF980, s18;
	s0 =	sadd.s32 s4, s0  }
0x1ed: {  	[tilespmem:s24], [sflag:$0x3] =	stream.linear.gather [hbm4b:s0+s2], $0x80, $0x38;
	[tilespmem:$0x10480] =	vst v63  }
0x1ee: {  	s0 =	sand.u32 $0x1FFFFFF0, s25  }
0x1ef: {  	s26 =	sadd.s32 $0xFFFFFA00, s18;
	s0 =	sadd.s32 s4, s0  }
0x1f0: {  	[tilespmem:s26], [sflag:$0x4] =	stream.linear.gather [hbm4b:s0+s2], $0x80, $0x38;
	[tilespmem:$0x10480] =	vst v63  }
0x1f1: {  	s30 =	spop (v2sf);
	(v2sf) =	vpush v3, $0x9  }
0x1f2: {  	s0 =	sand.u32 $0x1FFFFFF0, s28  }
0x1f3: {  	s29 =	sadd.s32 $0xFFFFFA80, s18;
	s0 =	sadd.s32 s4, s0;
	(v2sf) =	vpush v3, $0xA  }
0x1f4: {  	[tilespmem:s29], [sflag:$0x1] =	stream.linear.gather [hbm4b:s0+s2], $0x80, $0x38;
	[tilespmem:$0x10480] =	vst v63  }
0x1f5: {  	s0 =	sand.u32 $0x1FFFFFF0, s30  }
0x1f6: {  	s31 =	sadd.s32 $0xFFFFFB00, s18;
	s0 =	sadd.s32 s4, s0;
	s3 =	spop (v2sf)  }
0x1f7: {  	(v2sf) =	vpush v3, $0xB;
	[tilespmem:s31], [sflag:$0x2] =	stream.linear.gather [hbm4b:s0+s2], $0x80, $0x38;
	[tilespmem:$0x10480] =	vst v63  }
0x1f8: {  	s6 =	spop (v2sf);
	(v2sf) =	vpush v3, $0xC  }
0x1f9: {  	s0 =	sand.u32 $0x1FFFFFF0, s3  }
0x1fa: {  	s5 =	sadd.s32 $0xFFFFFB80, s18;
	s0 =	sadd.s32 s4, s0;
	s8 =	spop (v2sf);
	(v2sf) =	vpush v3, $0xD  }
0x1fb: {  	[tilespmem:s5], [sflag:$0x3] =	stream.linear.gather [hbm4b:s0+s2], $0x80, $0x38;
	[tilespmem:$0x10480] =	vst v63  }
0x1fc: {  	s0 =	sand.u32 $0x1FFFFFF0, s6  }
0x1fd: {  	s7 =	sadd.s32 $0xFFFFFC00, s18;
	s0 =	sadd.s32 s4, s0  }
0x1fe: {  	[tilespmem:s7], [sflag:$0x4] =	stream.linear.gather [hbm4b:s0+s2], $0x80, $0x38;
	[tilespmem:$0x10480] =	vst v63  }
0x1ff: {  	s0 =	sand.u32 $0x1FFFFFF0, s8  }
0x200: {  	s9 =	sadd.s32 $0xFFFFFC80, s18;
	s0 =	sadd.s32 s4, s0;
	s10 =	spop (v2sf);
	(v2sf) =	vpush v3, $0xE  }
0x201: {  	[tilespmem:s9], [sflag:$0x1] =	stream.linear.gather [hbm4b:s0+s2], $0x80, $0x38;
	[tilespmem:$0x10480] =	vst v63  }
0x202: {  	s12 =	spop (v2sf);
	(v2sf) =	vpush v3, $0xF  }
0x203: {  	s0 =	sand.u32 $0x1FFFFFF0, s10  }
0x204: {  	s11 =	sadd.s32 $0xFFFFFD00, s18;
	s14 =	sadd.s32 $0xFFFFFD80, s18;
	s0 =	sadd.s32 s4, s0  }
0x205: {  	[tilespmem:s11], [sflag:$0x2] =	stream.linear.gather [hbm4b:s0+s2], $0x80, $0x38;
	[tilespmem:$0x10480] =	vst v63  }
0x206: {  	s17 =	sadd.s32 $0xFFFFFE00, s18;
	s13 =	spop (v2sf);
	s0 =	sand.u32 $0x1FFFFFF0, s12  }
0x207: {  	s15 =	sand.u32 $0x1FFFFFF0, s13;
	s16 =	spop (v2sf);
	s0 =	sadd.s32 s4, s0  }
0x208: {  	[tilespmem:s14], [sflag:$0x3] =	stream.linear.gather [hbm4b:s0+s2], $0x80, $0x38;
	[tilespmem:$0x10480] =	vst v63  }
0x209: {  	s19 =	sand.u32 $0x1FFFFFF0, s16;
	s20 =	spop (v2sf);
	s0 =	sadd.s32 s4, s15  }
0x20a: {  	[tilespmem:s17], [sflag:$0x4] =	stream.linear.gather [hbm4b:s0+s2], $0x80, $0x38;
	[tilespmem:$0x10480] =	vst v63  }
0x20b: {  	s21 =	sadd.s32 $0xFFFFFE80, s18;
	s22 =	sand.u32 $0x1FFFFFF0, s20;
	s0 =	sadd.s32 s4, s19  }
0x20c: {  	[tilespmem:s21], [sflag:$0x1] =	stream.linear.gather [hbm4b:s0+s2], $0x80, $0x38;
	[tilespmem:$0x10480] =	vst v63  }
0x20d: {  	s24 =	sadd.s32 $0xFFFFFF00, s18;
	s0 =	sadd.s32 s4, s22  }
0x20e: {  	[tilespmem:s24], [sflag:$0x2] =	stream.linear.gather [hbm4b:s0+s2], $0x80, $0x38;
	[tilespmem:$0x10480] =	vst v63  }
0x20f: {  	s23 =	spop (v2sf)  }
0x210: {  	s26 =	sand.u32 $0x1FFFFFF0, s23  }
0x211: {  	s28 =	sadd.s32 $0xFFFFFF80, s18;
	s30 =	spop (v2sf);
	s0 =	sadd.s32 s4, s26  }
0x212: {  	[tilespmem:s28], [sflag:$0x3] =	stream.linear.gather [hbm4b:s0+s2], $0x80, $0x38;
	[tilespmem:$0x10480] =	vst v63  }
0x213: {  	s0 =	sand.u32 $0x1FFFFFF0, s30  }
0x214: {  	s31 =	rddreg [dreg:$0xb];
	s0 =	sadd.s32 s4, s0  }
0x215: {  	[tilespmem:s18], [sflag:$0x4] =	stream.linear.gather [hbm4b:s0+s2], $0x80, $0x38;
	[tilespmem:$0x10480] =	vst v63  }
0x216: {  	s0 =	sadd.s32 $0x2, s31  }
0x217: {  	p0 =	slt.u32 s0, $0x3E  }
.Ltmp1:
0x218: {  	_ = 	snop;
	(pc) =	sbr.rel @p0 .LBB2_4-.Ltmp1, $4  }
0x219: {  	_ = 	snop  }
0x21a: {  	s25 =	rddreg [dreg:$0xf]  }
0x21b: {  	s29 =	rddreg [dreg:$0xd]  }
0x21c: {  	vm3 =	vmmov vm5;
	s1 =	sadd.s32 $0x20, s29;
	s3 =	sadd.s32 $0x20, s25;
	s18 =	sadd.s32 $0x1000, s18  }
0x21d: {  	s0 =	simm.s32 $0x1  }
0x21e: {  	_ =	swait.ge [sflag:s0], $0x4000  }
0x21f: {  	[sflag:s0] =	ssyncset.done $0x0  }
0x220: {  	s26 =	simm.s32 $0x2;
	[sflag:s0] =	ssyncadd.s32 $0xFFFFC000  }
0x221: {  	_ =	swait.ge [sflag:s26], $0x4000  }
0x222: {  	[sflag:s26] =	ssyncset.done $0x0  }
0x223: {  	s28 =	simm.s32 $0x3;
	[sflag:s26] =	ssyncadd.s32 $0xFFFFC000  }
0x224: {  	_ =	swait.ge [sflag:s28], $0x4000  }
0x225: {  	[sflag:s28] =	ssyncset.done $0x0  }
0x226: {  	s29 =	simm.s32 $0x4;
	[sflag:s28] =	ssyncadd.s32 $0xFFFFC000  }
0x227: {  	_ =	swait.ge [sflag:s29], $0x4000  }
0x228: {  	[sflag:s29] =	ssyncset.done $0x0  }
0x229: {  	s1 =	simm.s32 $0x480;
	s30 =	rddreg [dreg:$0x6];
	[sflag:s29] =	ssyncadd.s32 $0xFFFFC000  }
0x22a: {  	[hbm4b:s30+s2] =	stream.linear.scatter [tilespmem:s1], [sflag:$0x5], $0x10000, $0x38;
	[tilespmem:$0x10480] =	vst v63  }
0x22b: {  	s1 =	simm.s32 $0x5  }
0x22c: {  	_ =	swait.ge [sflag:s1], $0x10000  }
0x22d: {  	s3 =	rddreg [dreg:$0x9]  }
0x22e: {  	s31 =	rddreg [dreg:$0x7];
	s3 =	sadd.s32 $0x1, s3  }
0x22f: {  	p0 =	sne.s32 s3, s31  }
.Ltmp2:
0x230: {  	_ = 	snop;
	(pc) =	sbr.rel @p0 .LBB2_1-.Ltmp2, $3  }
0x231: {  	_ =	sdelay $0x1  }
0x232: {  	[sflag:s1] =	ssyncset.done $0x0  }
0x233: {  	vm8 =	vmmov vm12;
	[sflag:s1] =	ssyncadd.s32 $0xFFFF0000  }
0x234: {  	_ =	sfence.sel $0x180000  }
0x235: {  	[bflag:$0x0] =	sbarrier.arrive $0xFFFF  }
0x236: {  	_ =	strace $0x90000047  }
0x237: {  	s0 =	stileid.u32;
	[bflag:$0x2] =	sbarrier.arrive $0xFFFF  }
0x238: {  	p0 =	sne.s32 s0, $0x0;
	s0 =	rddreg [dreg:$0x2]  }
0x239: {  	s0 =	sadd.s32 @!p0 $0x100000, s0  }
0x23a: {  	[sflag:s0] =	ssyncadd.tile.s32 @!p0 $0x1;
	_ =	shalt  }
.Lfunc_end2:
_tile_overlayer_lowered:
.L_overlay_start_2:
0x23b: {  	(tag) =	ssettag $0x2  }
0x23c: {  	s0 =	rddreg [dreg:$0x0];
	s2 =	stileid.u32  }
0x23d: {  	s1 =	rddreg [dreg:$0x1];
	p0 =	sne.s32 s2, $0x0  }
0x23e: {  	s3 =	rddreg [dreg:$0x2];
	[bflag:$0x3] =	sbarrier.arrive $0xFFFF;
	s2 =	simm.s32 @!p0 $0x1C05  }
0x23f: {  	[timem:s3], [sflag:s2] =	dma.local @!p0 [hbm:s0], s1  }
0x240: {  	s0 =	simm.s32 @!p0 $0x5  }
0x241: {  	_ =	swait.ge @!p0 [sflag:s0], s1  }
0x242: {  	s1 =	ssub.s32 @!p0 $0x0, s1;
	[sflag:s0] =	ssyncset.done @!p0 $0x0  }
0x243: {  	[sflag:s0] =	ssyncadd.s32 @!p0 s1  }
0x244: {  	[bflag:$0x3] =	sbarrier.arrive $0xFFFF  }
0x245: {  	_ =	shalt  }

</sc_bundles>
